<compile_context>
chip_gen: v7x
topology: tpu7x:2x2x1
jax: 0.10.2.dev20260603
libtpu: 0.0.44.dev20260713+nightly
codegen_flags: <defaults>
</compile_context>

<pallas_src>
import jax
import jax.numpy as jnp
from jax import lax
from jax.experimental import pallas as pl
from jax.experimental.pallas import tpu as pltpu
from jax.experimental.pallas import tpu_sc as plsc

N = 10000
D_IN = 128
D_HID = 128
D_OUT = 47
D_OUT_PAD = 128

NC = 2
NS = 16
NW = NC * NS
CH = 128
CPW0 = 78
CPW1 = 80
ACC_R = 10240
TILE_R = ACC_R // NS

BR = 1000


def _cdiv(a, b):
    return (a + b - 1) // b



def _make_sc_agg(D, with_deg):
    assert CPW0 % 2 == 0 and CPW1 % 2 == 0
    mesh = plsc.VectorSubcoreMesh(core_axis_name="c", subcore_axis_name="s")
    agg_t = jax.ShapeDtypeStruct((NC, ACC_R, D), jnp.float32)
    out_type = (agg_t, jax.ShapeDtypeStruct((NC, ACC_R), jnp.float32)) if with_deg else agg_t
    scratch = [
        pltpu.VMEM((CH,), jnp.int32),
        pltpu.VMEM((CH,), jnp.int32),
        pltpu.VMEM((CH,), jnp.int32),
        pltpu.VMEM((CH,), jnp.int32),
        pltpu.VMEM((CH, D), jnp.float32),
        pltpu.VMEM((CH, D), jnp.float32),
        pltpu.VMEM_SHARED((ACC_R, D), jnp.float32),
        pltpu.SemaphoreType.DMA,
        pltpu.SemaphoreType.DMA,
        pltpu.SemaphoreType.DMA,
        pltpu.SemaphoreType.DMA,
        pltpu.SemaphoreType.DMA,
        pltpu.SemaphoreType.DMA,
    ]
    if with_deg:
        scratch += [
            pltpu.VMEM((CH,), jnp.float32),
            pltpu.VMEM_SHARED((ACC_R,), jnp.float32),
        ]

    def body(hw, srcm, dstm, zrows, zdeg, ones, *rest):
        if with_deg:
            (agg_out, deg_out, sa, sb, da, db, rows_a, rows_b, acc,
             gsem_a, gsem_b, ssem_a, ssem_b, dsem_a, dsem_b, ones_v, dacc) = rest
        else:
            (agg_out, sa, sb, da, db, rows_a, rows_b, acc,
             gsem_a, gsem_b, ssem_a, ssem_b, dsem_a, dsem_b) = rest
        cid = lax.axis_index("c")
        sid = lax.axis_index("s")
        base = sid * TILE_R
        c0 = jnp.where(cid == 0, sid * CPW0, NS * CPW0 + sid * CPW1)
        cpw = jnp.where(cid == 0, CPW0, CPW1)

        pltpu.sync_copy(zrows, acc.at[pl.ds(base, TILE_R)])
        if with_deg:
            pltpu.sync_copy(zdeg, dacc.at[pl.ds(base, TILE_R)])
            pltpu.sync_copy(ones, ones_v)

        plsc.subcore_barrier()

        pltpu.async_copy(srcm.at[c0], sa, ssem_a)
        pltpu.async_copy(dstm.at[c0], da, dsem_a)
        pltpu.async_copy(srcm.at[c0 + 1], sb, ssem_b)
        pltpu.async_copy(dstm.at[c0 + 1], db, dsem_b)
        pltpu.make_async_copy(srcm.at[c0], sa, ssem_a).wait()
        pltpu.async_copy(hw.at[sa], rows_a, gsem_a)

        def step(j, _):
            i = j * 2
            nxt_a = jnp.where(i + 2 < cpw, i + 2, 0)
            nxt_b = jnp.where(i + 3 < cpw, i + 3, 1)
            pltpu.make_async_copy(srcm.at[c0 + i + 1], sb, ssem_b).wait()
            pltpu.async_copy(hw.at[sb], rows_b, gsem_b)
            pltpu.make_async_copy(hw.at[sa], rows_a, gsem_a).wait()
            pltpu.async_copy(srcm.at[c0 + nxt_a], sa, ssem_a)
            pltpu.make_async_copy(dstm.at[c0 + i], da, dsem_a).wait()
            pltpu.sync_copy(rows_a, acc.at[da], add=True)
            if with_deg:
                pltpu.sync_copy(ones_v, dacc.at[da], add=True)
            pltpu.async_copy(dstm.at[c0 + nxt_a], da, dsem_a)
            pltpu.make_async_copy(srcm.at[c0 + nxt_a], sa, ssem_a).wait()
            pltpu.async_copy(hw.at[sa], rows_a, gsem_a)
            pltpu.make_async_copy(hw.at[sb], rows_b, gsem_b).wait()
            pltpu.async_copy(srcm.at[c0 + nxt_b], sb, ssem_b)
            pltpu.make_async_copy(dstm.at[c0 + i + 1], db, dsem_b).wait()
            pltpu.sync_copy(rows_b, acc.at[db], add=True)
            if with_deg:
                pltpu.sync_copy(ones_v, dacc.at[db], add=True)
            pltpu.async_copy(dstm.at[c0 + nxt_b], db, dsem_b)
            return 0
        lax.fori_loop(0, cpw // 2, step, 0)

        pltpu.make_async_copy(hw.at[sa], rows_a, gsem_a).wait()
        pltpu.make_async_copy(srcm.at[c0], sb, ssem_b).wait()
        pltpu.make_async_copy(dstm.at[c0], da, dsem_a).wait()
        pltpu.make_async_copy(dstm.at[c0], db, dsem_b).wait()

        plsc.subcore_barrier()

        pltpu.sync_copy(acc.at[pl.ds(base, TILE_R)],
                        agg_out.at[cid, pl.ds(base, TILE_R)])
        if with_deg:
            pltpu.sync_copy(dacc.at[pl.ds(base, TILE_R)],
                            deg_out.at[cid, pl.ds(base, TILE_R)])

    return pl.kernel(body, mesh=mesh, out_type=out_type,
                     scratch_types=scratch)



def _mm_first(x, Ws, Wn, b, Dout):
    def body(x_ref, ws_ref, wn_ref, b_ref, hs_ref, hw_ref):
        h = x_ref[...]
        hs_ref[...] = jnp.dot(h, ws_ref[...],
                              preferred_element_type=jnp.float32) + b_ref[...]
        hw_ref[...] = jnp.dot(h, wn_ref[...],
                              preferred_element_type=jnp.float32)
    Din = x.shape[1]
    return pl.pallas_call(
        body,
        grid=(N // BR,),
        in_specs=[
            pl.BlockSpec((BR, Din), lambda i: (i, 0)),
            pl.BlockSpec((Din, Dout), lambda i: (0, 0)),
            pl.BlockSpec((Din, Dout), lambda i: (0, 0)),
            pl.BlockSpec((1, Dout), lambda i: (0, 0)),
        ],
        out_specs=[
            pl.BlockSpec((BR, Dout), lambda i: (i, 0)),
            pl.BlockSpec((BR, Dout), lambda i: (i, 0)),
        ],
        out_shape=[
            jax.ShapeDtypeStruct((N, Dout), jnp.float32),
            jax.ShapeDtypeStruct((N, Dout), jnp.float32),
        ],
    )(x, Ws, Wn, b)


def _mm_mid(hs, aggp, degp3, Ws, Wn, b, Dout):
    def body(hs_ref, agg_ref, deg_ref, ws_ref, wn_ref, b_ref, hso_ref, hwo_ref):
        inv = 1.0 / jnp.maximum(deg_ref[0] + deg_ref[1], 1.0)
        h = jnp.maximum(hs_ref[...] + (agg_ref[0] + agg_ref[1]) * inv, 0.0)
        hso_ref[...] = jnp.dot(h, ws_ref[...],
                               preferred_element_type=jnp.float32) + b_ref[...]
        hwo_ref[...] = jnp.dot(h, wn_ref[...],
                               preferred_element_type=jnp.float32)
    Din = hs.shape[1]
    return pl.pallas_call(
        body,
        grid=(N // BR,),
        in_specs=[
            pl.BlockSpec((BR, Din), lambda i: (i, 0)),
            pl.BlockSpec((NC, BR, Din), lambda i: (0, i, 0)),
            pl.BlockSpec((NC, BR, 1), lambda i: (0, i, 0)),
            pl.BlockSpec((Din, Dout), lambda i: (0, 0)),
            pl.BlockSpec((Din, Dout), lambda i: (0, 0)),
            pl.BlockSpec((1, Dout), lambda i: (0, 0)),
        ],
        out_specs=[
            pl.BlockSpec((BR, Dout), lambda i: (i, 0)),
            pl.BlockSpec((BR, Dout), lambda i: (i, 0)),
        ],
        out_shape=[
            jax.ShapeDtypeStruct((N, Dout), jnp.float32),
            jax.ShapeDtypeStruct((N, Dout), jnp.float32),
        ],
    )(hs, aggp, degp3, Ws, Wn, b)


def _mm_last(hs, aggp, degp3):
    D = hs.shape[1]
    def body(hs_ref, agg_ref, deg_ref, o_ref):
        inv = 1.0 / jnp.maximum(deg_ref[0] + deg_ref[1], 1.0)
        o_ref[...] = hs_ref[...] + (agg_ref[0] + agg_ref[1]) * inv
    return pl.pallas_call(
        body,
        grid=(N // BR,),
        in_specs=[
            pl.BlockSpec((BR, D), lambda i: (i, 0)),
            pl.BlockSpec((NC, BR, D), lambda i: (0, i, 0)),
            pl.BlockSpec((NC, BR, 1), lambda i: (0, i, 0)),
        ],
        out_specs=pl.BlockSpec((BR, D), lambda i: (i, 0)),
        out_shape=jax.ShapeDtypeStruct((N, D), jnp.float32),
    )(hs, aggp, degp3)



def kernel(x, edge_index, W_self0, W_neigh0, b0, W_self1, W_neigh1, b1,
           W_self2, W_neigh2, b2):
    src = edge_index[0].astype(jnp.int32)
    dst = edge_index[1].astype(jnp.int32)
    E = src.shape[0]
    nchunk = NS * (CPW0 + CPW1)
    ep = nchunk * CH
    assert ep >= E
    pad_src = jnp.arange(ep - E, dtype=jnp.int32) % N
    pad_dst = N + jnp.arange(ep - E, dtype=jnp.int32) % (ACC_R - N)
    srcm = jnp.concatenate([src, pad_src]).reshape(nchunk, CH)
    dstm = jnp.concatenate([dst, pad_dst]).reshape(nchunk, CH)
    zrows = jnp.zeros((TILE_R, D_HID), jnp.float32)
    zdeg = jnp.zeros((TILE_R,), jnp.float32)
    ones = jnp.ones((CH,), jnp.float32)

    sc_agg_deg = _make_sc_agg(D_HID, True)
    sc_agg = _make_sc_agg(D_HID, False)

    b0r = b0.reshape(1, D_HID)
    b1r = b1.reshape(1, D_HID)
    Ws2p = jnp.pad(W_self2, ((0, 0), (0, D_OUT_PAD - D_OUT)))
    Wn2p = jnp.pad(W_neigh2, ((0, 0), (0, D_OUT_PAD - D_OUT)))
    b2r = jnp.pad(b2, (0, D_OUT_PAD - D_OUT)).reshape(1, D_OUT_PAD)

    hs0, hw0 = _mm_first(x, W_self0, W_neigh0, b0r, D_HID)
    aggp0, degp = sc_agg_deg(hw0, srcm, dstm, zrows, zdeg, ones)
    degp3 = degp.reshape(NC, ACC_R, 1)
    hs1, hw1 = _mm_mid(hs0, aggp0, degp3, W_self1, W_neigh1, b1r, D_HID)
    aggp1 = sc_agg(hw1, srcm, dstm, zrows, zdeg, ones)
    hs2, hw2 = _mm_mid(hs1, aggp1, degp3, Ws2p, Wn2p, b2r, D_OUT_PAD)
    aggp2 = sc_agg(hw2, srcm, dstm, zrows, zdeg, ones)
    out = _mm_last(hs2, aggp2, degp3)
    return out[:, :D_OUT]

# --- scband reference (transcript-rebuilt; emitter-appended) ---
"""Pipeline reference for scband-sage-12232066859044 (READ-ONLY COPY).

The authoritative reference and input builder live on the scoring server;
editing this copy changes nothing except your own understanding.
"""

import jax, jax.numpy as jnp
import numpy as np

N = 10000
E = 320000
D_IN = 128
D_HID = 128
D_OUT = 47


def setup_inputs(seed: int = 0) -> dict:
    key = jax.random.key(seed)
    ks = jax.random.split(key, 12)
    x = jax.random.normal(ks[0], (N, D_IN), dtype=jnp.float32)
    edge_index = jax.random.randint(ks[1], (2, E), 0, N, dtype=jnp.int64)
    def glorot(k, shape):
        fan_in, fan_out = shape
        lim = np.sqrt(6.0 / (fan_in + fan_out))
        return jax.random.uniform(k, shape, dtype=jnp.float32, minval=-lim, maxval=lim)
    return {
        "x": x,
        "edge_index": edge_index,
        "W_self0": glorot(ks[2], (D_IN, D_HID)),
        "W_neigh0": glorot(ks[3], (D_IN, D_HID)),
        "b0": jnp.zeros((D_HID,), dtype=jnp.float32),
        "W_self1": glorot(ks[4], (D_HID, D_HID)),
        "W_neigh1": glorot(ks[5], (D_HID, D_HID)),
        "b1": jnp.zeros((D_HID,), dtype=jnp.float32),
        "W_self2": glorot(ks[6], (D_HID, D_OUT)),
        "W_neigh2": glorot(ks[7], (D_HID, D_OUT)),
        "b2": jnp.zeros((D_OUT,), dtype=jnp.float32),
    }


def _sage_layer(h, src, dst, W_self, W_neigh, b, act):
    # DGL SAGEConv with 'mean' aggregator: rst = fc_self(h_self) + fc_neigh(mean_neigh)
    msg = jnp.take(h, src, axis=0)                       # gather src features [E, d]
    agg = jax.ops.segment_sum(msg, dst, num_segments=N)  # scatter-add to dst  [N, d]
    deg = jax.ops.segment_sum(jnp.ones((msg.shape[0],), dtype=h.dtype), dst, num_segments=N)
    h_neigh = agg / jnp.clip(deg, 1.0)[:, None]
    out = h @ W_self + h_neigh @ W_neigh + b
    if act:
        out = jax.nn.relu(out)
    return out


def reference(x, edge_index, W_self0, W_neigh0, b0, W_self1, W_neigh1, b1, W_self2, W_neigh2, b2):
    src = edge_index[0]
    dst = edge_index[1]
    h = x
    h = _sage_layer(h, src, dst, W_self0, W_neigh0, b0, act=True)
    h = _sage_layer(h, src, dst, W_self1, W_neigh1, b1, act=True)
    h = _sage_layer(h, src, dst, W_self2, W_neigh2, b2, act=False)
    return h

if __name__ == "__main__":
    import jax
    _d = setup_inputs()
    print(jax.jit(kernel)(*tuple(_d.values())))

</pallas_src>

<mosaic_0001>
#map = affine_map<(d0, d1) -> (0, 0)>
#map1 = affine_map<(d0, d1) -> (0)>
#map2 = affine_map<(d0, d1) -> (0, 0, 0)>
module attributes {stable_mosaic.version = 14 : i64} {
  func.func @body(%arg0: i32, %arg1: i32, %arg2: memref<10000x128xf32, #tpu.memory_space<hbm>>, %arg3: memref<2528x128xi32, #tpu.memory_space<hbm>>, %arg4: memref<2528x128xi32, #tpu.memory_space<hbm>>, %arg5: memref<640x128xf32, #tpu.memory_space<hbm>>, %arg6: memref<640xf32, #tpu.memory_space<hbm>>, %arg7: memref<128xf32, #tpu.memory_space<hbm>>, %arg8: memref<2x10240x128xf32, #tpu.memory_space<hbm>>, %arg9: memref<128xi32, #tpu.memory_space<vmem>>, %arg10: memref<128xi32, #tpu.memory_space<vmem>>, %arg11: memref<128xi32, #tpu.memory_space<vmem>>, %arg12: memref<128xi32, #tpu.memory_space<vmem>>, %arg13: memref<128x128xf32, #tpu.memory_space<vmem>>, %arg14: memref<128x128xf32, #tpu.memory_space<vmem>>, %arg15: memref<10240x128xf32, #tpu.memory_space<vmem_shared>>, %arg16: memref<!tpu.dma_semaphore, #tpu.memory_space<semaphore_mem>>, %arg17: memref<!tpu.dma_semaphore, #tpu.memory_space<semaphore_mem>>, %arg18: memref<!tpu.dma_semaphore, #tpu.memory_space<semaphore_mem>>, %arg19: memref<!tpu.dma_semaphore, #tpu.memory_space<semaphore_mem>>, %arg20: memref<!tpu.dma_semaphore, #tpu.memory_space<semaphore_mem>>, %arg21: memref<!tpu.dma_semaphore, #tpu.memory_space<semaphore_mem>>) attributes {dimension_semantics = [#tpu.dimension_semantics<core_parallel>, #tpu.dimension_semantics<subcore_parallel>], iteration_bounds = array<i64: 2, 16>, scalar_prefetch = 0 : i64, scratch_operands = 13 : i64, tpu.core_type = #tpu.core_type<sc_vector_subcore>, window_params = [{transform_indices = #map}, {transform_indices = #map}, {transform_indices = #map}, {transform_indices = #map}, {transform_indices = #map1}, {transform_indices = #map1}, {transform_indices = #map2}]} {
    %mul3A = arith.constant 640 : i32
    %mul3A_0 = arith.muli %arg1, %mul3A : i32
    %eq3A = arith.constant 0 : i32
    %eq3A_1 = arith.cmpi eq, %arg0, %eq3A : i32
    %mul3A_2 = arith.constant 78 : i32
    %mul3A_3 = arith.muli %arg1, %mul3A_2 : i32
    %mul3A_4 = arith.constant 80 : i32
    %mul3A_5 = arith.muli %arg1, %mul3A_4 : i32
    %add3A = arith.constant 1248 : i32
    %add3A_6 = arith.addi %add3A, %mul3A_5 : i32
    %select_n3A = arith.select %eq3A_1, %mul3A_3, %add3A_6 : i32
    %eq3A_7 = arith.constant 0 : i32
    %eq3A_8 = arith.cmpi eq, %arg0, %eq3A_7 : i32
    %jit3A = arith.constant 78 : i32
    %jit3A_9 = arith.constant 80 : i32
    %select_n3A_10 = arith.select %eq3A_8, %jit3A, %jit3A_9 : i32
    "tpu.region"() ({
      %run_scoped3A = tpu.sem_alloc : memref<!tpu.dma_semaphore, #tpu.memory_space<semaphore_mem>>
      %dma_start3A_97 = arith.constant 0 : i32
      %dma_start3A_98 = tpu.memref_slice %arg15[%mul3A_0, %dma_start3A_97] : memref<10240x128xf32, #tpu.memory_space<vmem_shared>> -> memref<640x128xf32, #tpu.memory_space<vmem_shared>>
      tpu.enqueue_dma source(%arg5 : memref<640x128xf32, #tpu.memory_space<hbm>>) target(%dma_start3A_98 : memref<640x128xf32, #tpu.memory_space<vmem_shared>>) target_semaphore(%run_scoped3A : memref<!tpu.dma_semaphore, #tpu.memory_space<semaphore_mem>>)
      %dma_wait3A_99 = arith.constant 0 : i32
      %dma_wait3A_100 = tpu.memref_slice %arg15[%mul3A_0, %dma_wait3A_99] : memref<10240x128xf32, #tpu.memory_space<vmem_shared>> -> memref<640x128xf32, #tpu.memory_space<vmem_shared>>
      tpu.wait_dma2 semaphore(%run_scoped3A : memref<!tpu.dma_semaphore, #tpu.memory_space<semaphore_mem>>) src(%arg5 : memref<640x128xf32, #tpu.memory_space<hbm>>) dst(%dma_wait3A_100 : memref<640x128xf32, #tpu.memory_space<vmem_shared>>)
      tpu.yield
    }) : () -> ()
    %barrier3A = arith.constant 0 : index
    tpu.barrier barrier_id(%barrier3A)
    %dma_start3A = arith.constant 0 : i32
    %dma_start3A_11 = tpu.memref_slice %arg3[%select_n3A, %dma_start3A] : memref<2528x128xi32, #tpu.memory_space<hbm>> -> memref<1x128xi32, #tpu.memory_space<hbm>>
    %dma_start3A_12 = tpu.memref_squeeze %dma_start3A_11 : memref<1x128xi32, #tpu.memory_space<hbm>> -> memref<128xi32, #tpu.memory_space<hbm>>
    %dma_start3A_13 = arith.constant 0 : i32
    %dma_start3A_14 = tpu.memref_slice %arg3[%select_n3A, %dma_start3A_13] : memref<2528x128xi32, #tpu.memory_space<hbm>> -> memref<1x128xi32, #tpu.memory_space<hbm>>
    %dma_start3A_15 = tpu.memref_squeeze %dma_start3A_14 : memref<1x128xi32, #tpu.memory_space<hbm>> -> memref<128xi32, #tpu.memory_space<hbm>>
    tpu.enqueue_dma source(%dma_start3A_15 : memref<128xi32, #tpu.memory_space<hbm>>) target(%arg9 : memref<128xi32, #tpu.memory_space<vmem>>) target_semaphore(%arg18 : memref<!tpu.dma_semaphore, #tpu.memory_space<semaphore_mem>>)
    %dma_start3A_16 = arith.constant 0 : i32
    %dma_start3A_17 = tpu.memref_slice %arg4[%select_n3A, %dma_start3A_16] : memref<2528x128xi32, #tpu.memory_space<hbm>> -> memref<1x128xi32, #tpu.memory_space<hbm>>
    %dma_start3A_18 = tpu.memref_squeeze %dma_start3A_17 : memref<1x128xi32, #tpu.memory_space<hbm>> -> memref<128xi32, #tpu.memory_space<hbm>>
    %dma_start3A_19 = arith.constant 0 : i32
    %dma_start3A_20 = tpu.memref_slice %arg4[%select_n3A, %dma_start3A_19] : memref<2528x128xi32, #tpu.memory_space<hbm>> -> memref<1x128xi32, #tpu.memory_space<hbm>>
    %dma_start3A_21 = tpu.memref_squeeze %dma_start3A_20 : memref<1x128xi32, #tpu.memory_space<hbm>> -> memref<128xi32, #tpu.memory_space<hbm>>
    tpu.enqueue_dma source(%dma_start3A_21 : memref<128xi32, #tpu.memory_space<hbm>>) target(%arg11 : memref<128xi32, #tpu.memory_space<vmem>>) target_semaphore(%arg20 : memref<!tpu.dma_semaphore, #tpu.memory_space<semaphore_mem>>)
    %add3A_22 = arith.constant 1 : i32
    %add3A_23 = arith.addi %select_n3A, %add3A_22 : i32
    %dma_start3A_24 = arith.constant 0 : i32
    %dma_start3A_25 = tpu.memref_slice %arg3[%add3A_23, %dma_start3A_24] : memref<2528x128xi32, #tpu.memory_space<hbm>> -> memref<1x128xi32, #tpu.memory_space<hbm>>
    %dma_start3A_26 = tpu.memref_squeeze %dma_start3A_25 : memref<1x128xi32, #tpu.memory_space<hbm>> -> memref<128xi32, #tpu.memory_space<hbm>>
    %dma_start3A_27 = arith.constant 0 : i32
    %dma_start3A_28 = tpu.memref_slice %arg3[%add3A_23, %dma_start3A_27] : memref<2528x128xi32, #tpu.memory_space<hbm>> -> memref<1x128xi32, #tpu.memory_space<hbm>>
    %dma_start3A_29 = tpu.memref_squeeze %dma_start3A_28 : memref<1x128xi32, #tpu.memory_space<hbm>> -> memref<128xi32, #tpu.memory_space<hbm>>
    tpu.enqueue_dma source(%dma_start3A_29 : memref<128xi32, #tpu.memory_space<hbm>>) target(%arg10 : memref<128xi32, #tpu.memory_space<vmem>>) target_semaphore(%arg19 : memref<!tpu.dma_semaphore, #tpu.memory_space<semaphore_mem>>)
    %add3A_30 = arith.constant 1 : i32
    %add3A_31 = arith.addi %select_n3A, %add3A_30 : i32
    %dma_start3A_32 = arith.constant 0 : i32
    %dma_start3A_33 = tpu.memref_slice %arg4[%add3A_31, %dma_start3A_32] : memref<2528x128xi32, #tpu.memory_space<hbm>> -> memref<1x128xi32, #tpu.memory_space<hbm>>
    %dma_start3A_34 = tpu.memref_squeeze %dma_start3A_33 : memref<1x128xi32, #tpu.memory_space<hbm>> -> memref<128xi32, #tpu.memory_space<hbm>>
    %dma_start3A_35 = arith.constant 0 : i32
    %dma_start3A_36 = tpu.memref_slice %arg4[%add3A_31, %dma_start3A_35] : memref<2528x128xi32, #tpu.memory_space<hbm>> -> memref<1x128xi32, #tpu.memory_space<hbm>>
    %dma_start3A_37 = tpu.memref_squeeze %dma_start3A_36 : memref<1x128xi32, #tpu.memory_space<hbm>> -> memref<128xi32, #tpu.memory_space<hbm>>
    tpu.enqueue_dma source(%dma_start3A_37 : memref<128xi32, #tpu.memory_space<hbm>>) target(%arg12 : memref<128xi32, #tpu.memory_space<vmem>>) target_semaphore(%arg21 : memref<!tpu.dma_semaphore, #tpu.memory_space<semaphore_mem>>)
    %dma_wait3A = arith.constant 0 : i32
    %dma_wait3A_38 = tpu.memref_slice %arg3[%select_n3A, %dma_wait3A] : memref<2528x128xi32, #tpu.memory_space<hbm>> -> memref<1x128xi32, #tpu.memory_space<hbm>>
    %dma_wait3A_39 = tpu.memref_squeeze %dma_wait3A_38 : memref<1x128xi32, #tpu.memory_space<hbm>> -> memref<128xi32, #tpu.memory_space<hbm>>
    %dma_wait3A_40 = arith.constant 0 : i32
    %dma_wait3A_41 = tpu.memref_slice %arg3[%select_n3A, %dma_wait3A_40] : memref<2528x128xi32, #tpu.memory_space<hbm>> -> memref<1x128xi32, #tpu.memory_space<hbm>>
    %dma_wait3A_42 = tpu.memref_squeeze %dma_wait3A_41 : memref<1x128xi32, #tpu.memory_space<hbm>> -> memref<128xi32, #tpu.memory_space<hbm>>
    tpu.wait_dma2 semaphore(%arg18 : memref<!tpu.dma_semaphore, #tpu.memory_space<semaphore_mem>>) src(%dma_wait3A_42 : memref<128xi32, #tpu.memory_space<hbm>>) dst(%arg9 : memref<128xi32, #tpu.memory_space<vmem>>)
    %dma_start3A_43 = arith.constant 0 : i32
    %dma_start3A_44 = arith.constant 0 : i32
    %dma_start3A_45 = tpu.memref_slice %arg2[%dma_start3A_43, %dma_start3A_44] : memref<10000x128xf32, #tpu.memory_space<hbm>> -> memref<10000x128xf32, #tpu.memory_space<hbm>>
    tpu.enqueue_indirect_dma source(%dma_start3A_45 : memref<10000x128xf32, #tpu.memory_space<hbm>>) target(%arg13 : memref<128x128xf32, #tpu.memory_space<vmem>>) offsets(%arg9 : memref<128xi32, #tpu.memory_space<vmem>>) semaphore(%arg16 : memref<!tpu.dma_semaphore, #tpu.memory_space<semaphore_mem>>)
    %jit3A_46 = arith.constant 2 : i32
    %div3A = arith.divsi %select_n3A_10, %jit3A_46 : i32
    %sign3A = arith.constant 0 : i32
    %sign3A_47 = arith.cmpi sgt, %select_n3A_10, %sign3A : i32
    %sign3A_48 = arith.extui %sign3A_47 : i1 to i32
    %sign3A_49 = arith.constant 0 : i32
    %sign3A_50 = arith.cmpi slt, %select_n3A_10, %sign3A_49 : i32
    %sign3A_51 = arith.extui %sign3A_50 : i1 to i32
    %sign3A_52 = arith.subi %sign3A_48, %sign3A_51 : i32
    %sign3A_53 = arith.constant 0 : i32
    %sign3A_54 = arith.cmpi sgt, %jit3A_46, %sign3A_53 : i32
    %sign3A_55 = arith.extui %sign3A_54 : i1 to i32
    %sign3A_56 = arith.constant 0 : i32
    %sign3A_57 = arith.cmpi slt, %jit3A_46, %sign3A_56 : i32
    %sign3A_58 = arith.extui %sign3A_57 : i1 to i32
    %sign3A_59 = arith.subi %sign3A_55, %sign3A_58 : i32
    %ne3A = arith.cmpi ne, %sign3A_52, %sign3A_59 : i32
    %rem3A = arith.remsi %select_n3A_10, %jit3A_46 : i32
    %ne3A_60 = arith.constant 0 : i32
    %ne3A_61 = arith.cmpi ne, %rem3A, %ne3A_60 : i32
    %and3A = arith.andi %ne3A, %ne3A_61 : i1
    %sub3A = arith.constant 1 : i32
    %sub3A_62 = arith.subi %div3A, %sub3A : i32
    %select_n3A_63 = arith.select %and3A, %sub3A_62, %div3A : i32
    %while3A = arith.constant 0 : i32
    %while3A_64 = arith.constant 0 : i32
    %while3A_65 = arith.subi %select_n3A_63, %while3A : i32
    %while3A_66 = arith.addi %while3A, %while3A_65 : i32
    %while3A_67 = arith.constant 1 : i32
    %while3A_68 = arith.divsi %while3A_65, %while3A_67 : i32
    %while3A_69 = arith.muli %while3A_68, %while3A_67 : i32
    %while3A_70 = arith.addi %while3A, %while3A_69 : i32
    %while3A_71 = arith.constant 1 : i32
    %while3A_72 = scf.for %while3A_97 = %while3A to %while3A_70 step %while3A_71 iter_args(%while3A_98 = %while3A_64) -> (i32)  : i32 {
      %mul3A_99 = arith.constant 2 : i32
      %mul3A_100 = arith.muli %while3A_97, %mul3A_99 : i32
      %add3A_101 = arith.constant 2 : i32
      %add3A_102 = arith.addi %mul3A_100, %add3A_101 : i32
      %lt3A = arith.cmpi slt, %add3A_102, %select_n3A_10 : i32
      %add3A_103 = arith.constant 2 : i32
      %add3A_104 = arith.addi %mul3A_100, %add3A_103 : i32
      %jit3A_105 = arith.constant 0 : i32
      %select_n3A_106 = arith.select %lt3A, %add3A_104, %jit3A_105 : i32
      %add3A_107 = arith.constant 3 : i32
      %add3A_108 = arith.addi %mul3A_100, %add3A_107 : i32
      %lt3A_109 = arith.cmpi slt, %add3A_108, %select_n3A_10 : i32
      %add3A_110 = arith.constant 3 : i32
      %add3A_111 = arith.addi %mul3A_100, %add3A_110 : i32
      %jit3A_112 = arith.constant 1 : i32
      %select_n3A_113 = arith.select %lt3A_109, %add3A_111, %jit3A_112 : i32
      %add3A_114 = arith.addi %select_n3A, %mul3A_100 : i32
      %add3A_115 = arith.constant 1 : i32
      %add3A_116 = arith.addi %add3A_114, %add3A_115 : i32
      %dma_wait3A_117 = arith.constant 0 : i32
      %dma_wait3A_118 = tpu.memref_slice %arg3[%add3A_116, %dma_wait3A_117] : memref<2528x128xi32, #tpu.memory_space<hbm>> -> memref<1x128xi32, #tpu.memory_space<hbm>>
      %dma_wait3A_119 = tpu.memref_squeeze %dma_wait3A_118 : memref<1x128xi32, #tpu.memory_space<hbm>> -> memref<128xi32, #tpu.memory_space<hbm>>
      %dma_wait3A_120 = arith.constant 0 : i32
      %dma_wait3A_121 = tpu.memref_slice %arg3[%add3A_116, %dma_wait3A_120] : memref<2528x128xi32, #tpu.memory_space<hbm>> -> memref<1x128xi32, #tpu.memory_space<hbm>>
      %dma_wait3A_122 = tpu.memref_squeeze %dma_wait3A_121 : memref<1x128xi32, #tpu.memory_space<hbm>> -> memref<128xi32, #tpu.memory_space<hbm>>
      tpu.wait_dma2 semaphore(%arg19 : memref<!tpu.dma_semaphore, #tpu.memory_space<semaphore_mem>>) src(%dma_wait3A_122 : memref<128xi32, #tpu.memory_space<hbm>>) dst(%arg10 : memref<128xi32, #tpu.memory_space<vmem>>)
      %dma_start3A_123 = arith.constant 0 : i32
      %dma_start3A_124 = arith.constant 0 : i32
      %dma_start3A_125 = tpu.memref_slice %arg2[%dma_start3A_123, %dma_start3A_124] : memref<10000x128xf32, #tpu.memory_space<hbm>> -> memref<10000x128xf32, #tpu.memory_space<hbm>>
      tpu.enqueue_indirect_dma source(%dma_start3A_125 : memref<10000x128xf32, #tpu.memory_space<hbm>>) target(%arg14 : memref<128x128xf32, #tpu.memory_space<vmem>>) offsets(%arg10 : memref<128xi32, #tpu.memory_space<vmem>>) semaphore(%arg17 : memref<!tpu.dma_semaphore, #tpu.memory_space<semaphore_mem>>)
      %dma_wait3A_126 = arith.constant 0 : i32
      %dma_wait3A_127 = arith.constant 0 : i32
      %dma_wait3A_128 = tpu.memref_slice %arg2[%dma_wait3A_126, %dma_wait3A_127] : memref<10000x128xf32, #tpu.memory_space<hbm>> -> memref<10000x128xf32, #tpu.memory_space<hbm>>
      tpu.wait_indirect_dma semaphore(%arg16 : memref<!tpu.dma_semaphore, #tpu.memory_space<semaphore_mem>>) src(%dma_wait3A_128 : memref<10000x128xf32, #tpu.memory_space<hbm>>) dst(%arg13 : memref<128x128xf32, #tpu.memory_space<vmem>>)
      %add3A_129 = arith.addi %select_n3A, %select_n3A_106 : i32
      %dma_start3A_130 = arith.constant 0 : i32
      %dma_start3A_131 = tpu.memref_slice %arg3[%add3A_129, %dma_start3A_130] : memref<2528x128xi32, #tpu.memory_space<hbm>> -> memref<1x128xi32, #tpu.memory_space<hbm>>
      %dma_start3A_132 = tpu.memref_squeeze %dma_start3A_131 : memref<1x128xi32, #tpu.memory_space<hbm>> -> memref<128xi32, #tpu.memory_space<hbm>>
      %dma_start3A_133 = arith.constant 0 : i32
      %dma_start3A_134 = tpu.memref_slice %arg3[%add3A_129, %dma_start3A_133] : memref<2528x128xi32, #tpu.memory_space<hbm>> -> memref<1x128xi32, #tpu.memory_space<hbm>>
      %dma_start3A_135 = tpu.memref_squeeze %dma_start3A_134 : memref<1x128xi32, #tpu.memory_space<hbm>> -> memref<128xi32, #tpu.memory_space<hbm>>
      tpu.enqueue_dma source(%dma_start3A_135 : memref<128xi32, #tpu.memory_space<hbm>>) target(%arg9 : memref<128xi32, #tpu.memory_space<vmem>>) target_semaphore(%arg18 : memref<!tpu.dma_semaphore, #tpu.memory_space<semaphore_mem>>)
      %add3A_136 = arith.addi %select_n3A, %mul3A_100 : i32
      %dma_wait3A_137 = arith.constant 0 : i32
      %dma_wait3A_138 = tpu.memref_slice %arg4[%add3A_136, %dma_wait3A_137] : memref<2528x128xi32, #tpu.memory_space<hbm>> -> memref<1x128xi32, #tpu.memory_space<hbm>>
      %dma_wait3A_139 = tpu.memref_squeeze %dma_wait3A_138 : memref<1x128xi32, #tpu.memory_space<hbm>> -> memref<128xi32, #tpu.memory_space<hbm>>
      %dma_wait3A_140 = arith.constant 0 : i32
      %dma_wait3A_141 = tpu.memref_slice %arg4[%add3A_136, %dma_wait3A_140] : memref<2528x128xi32, #tpu.memory_space<hbm>> -> memref<1x128xi32, #tpu.memory_space<hbm>>
      %dma_wait3A_142 = tpu.memref_squeeze %dma_wait3A_141 : memref<1x128xi32, #tpu.memory_space<hbm>> -> memref<128xi32, #tpu.memory_space<hbm>>
      tpu.wait_dma2 semaphore(%arg20 : memref<!tpu.dma_semaphore, #tpu.memory_space<semaphore_mem>>) src(%dma_wait3A_142 : memref<128xi32, #tpu.memory_space<hbm>>) dst(%arg11 : memref<128xi32, #tpu.memory_space<vmem>>)
      "tpu.region"() ({
        %run_scoped3A = tpu.sem_alloc : memref<!tpu.dma_semaphore, #tpu.memory_space<semaphore_mem>>
        %dma_start3A_187 = arith.constant 0 : i32
        %dma_start3A_188 = arith.constant 0 : i32
        %dma_start3A_189 = tpu.memref_slice %arg15[%dma_start3A_187, %dma_start3A_188] : memref<10240x128xf32, #tpu.memory_space<vmem_shared>> -> memref<10240x128xf32, #tpu.memory_space<vmem_shared>>
        tpu.enqueue_indirect_dma source(%arg13 : memref<128x128xf32, #tpu.memory_space<vmem>>) target(%dma_start3A_189 : memref<10240x128xf32, #tpu.memory_space<vmem_shared>>) offsets(%arg11 : memref<128xi32, #tpu.memory_space<vmem>>) semaphore(%run_scoped3A : memref<!tpu.dma_semaphore, #tpu.memory_space<semaphore_mem>>) {add = true}
        %dma_wait3A_190 = arith.constant 0 : i32
        %dma_wait3A_191 = arith.constant 0 : i32
        %dma_wait3A_192 = tpu.memref_slice %arg15[%dma_wait3A_190, %dma_wait3A_191] : memref<10240x128xf32, #tpu.memory_space<vmem_shared>> -> memref<10240x128xf32, #tpu.memory_space<vmem_shared>>
        tpu.wait_indirect_dma semaphore(%run_scoped3A : memref<!tpu.dma_semaphore, #tpu.memory_space<semaphore_mem>>) src(%arg13 : memref<128x128xf32, #tpu.memory_space<vmem>>) dst(%dma_wait3A_192 : memref<10240x128xf32, #tpu.memory_space<vmem_shared>>)
        tpu.yield
      }) : () -> ()
      %add3A_143 = arith.addi %select_n3A, %select_n3A_106 : i32
      %dma_start3A_144 = arith.constant 0 : i32
      %dma_start3A_145 = tpu.memref_slice %arg4[%add3A_143, %dma_start3A_144] : memref<2528x128xi32, #tpu.memory_space<hbm>> -> memref<1x128xi32, #tpu.memory_space<hbm>>
      %dma_start3A_146 = tpu.memref_squeeze %dma_start3A_145 : memref<1x128xi32, #tpu.memory_space<hbm>> -> memref<128xi32, #tpu.memory_space<hbm>>
      %dma_start3A_147 = arith.constant 0 : i32
      %dma_start3A_148 = tpu.memref_slice %arg4[%add3A_143, %dma_start3A_147] : memref<2528x128xi32, #tpu.memory_space<hbm>> -> memref<1x128xi32, #tpu.memory_space<hbm>>
      %dma_start3A_149 = tpu.memref_squeeze %dma_start3A_148 : memref<1x128xi32, #tpu.memory_space<hbm>> -> memref<128xi32, #tpu.memory_space<hbm>>
      tpu.enqueue_dma source(%dma_start3A_149 : memref<128xi32, #tpu.memory_space<hbm>>) target(%arg11 : memref<128xi32, #tpu.memory_space<vmem>>) target_semaphore(%arg20 : memref<!tpu.dma_semaphore, #tpu.memory_space<semaphore_mem>>)
      %add3A_150 = arith.addi %select_n3A, %select_n3A_106 : i32
      %dma_wait3A_151 = arith.constant 0 : i32
      %dma_wait3A_152 = tpu.memref_slice %arg3[%add3A_150, %dma_wait3A_151] : memref<2528x128xi32, #tpu.memory_space<hbm>> -> memref<1x128xi32, #tpu.memory_space<hbm>>
      %dma_wait3A_153 = tpu.memref_squeeze %dma_wait3A_152 : memref<1x128xi32, #tpu.memory_space<hbm>> -> memref<128xi32, #tpu.memory_space<hbm>>
      %dma_wait3A_154 = arith.constant 0 : i32
      %dma_wait3A_155 = tpu.memref_slice %arg3[%add3A_150, %dma_wait3A_154] : memref<2528x128xi32, #tpu.memory_space<hbm>> -> memref<1x128xi32, #tpu.memory_space<hbm>>
      %dma_wait3A_156 = tpu.memref_squeeze %dma_wait3A_155 : memref<1x128xi32, #tpu.memory_space<hbm>> -> memref<128xi32, #tpu.memory_space<hbm>>
      tpu.wait_dma2 semaphore(%arg18 : memref<!tpu.dma_semaphore, #tpu.memory_space<semaphore_mem>>) src(%dma_wait3A_156 : memref<128xi32, #tpu.memory_space<hbm>>) dst(%arg9 : memref<128xi32, #tpu.memory_space<vmem>>)
      %dma_start3A_157 = arith.constant 0 : i32
      %dma_start3A_158 = arith.constant 0 : i32
      %dma_start3A_159 = tpu.memref_slice %arg2[%dma_start3A_157, %dma_start3A_158] : memref<10000x128xf32, #tpu.memory_space<hbm>> -> memref<10000x128xf32, #tpu.memory_space<hbm>>
      tpu.enqueue_indirect_dma source(%dma_start3A_159 : memref<10000x128xf32, #tpu.memory_space<hbm>>) target(%arg13 : memref<128x128xf32, #tpu.memory_space<vmem>>) offsets(%arg9 : memref<128xi32, #tpu.memory_space<vmem>>) semaphore(%arg16 : memref<!tpu.dma_semaphore, #tpu.memory_space<semaphore_mem>>)
      %dma_wait3A_160 = arith.constant 0 : i32
      %dma_wait3A_161 = arith.constant 0 : i32
      %dma_wait3A_162 = tpu.memref_slice %arg2[%dma_wait3A_160, %dma_wait3A_161] : memref<10000x128xf32, #tpu.memory_space<hbm>> -> memref<10000x128xf32, #tpu.memory_space<hbm>>
      tpu.wait_indirect_dma semaphore(%arg17 : memref<!tpu.dma_semaphore, #tpu.memory_space<semaphore_mem>>) src(%dma_wait3A_162 : memref<10000x128xf32, #tpu.memory_space<hbm>>) dst(%arg14 : memref<128x128xf32, #tpu.memory_space<vmem>>)
      %add3A_163 = arith.addi %select_n3A, %select_n3A_113 : i32
      %dma_start3A_164 = arith.constant 0 : i32
      %dma_start3A_165 = tpu.memref_slice %arg3[%add3A_163, %dma_start3A_164] : memref<2528x128xi32, #tpu.memory_space<hbm>> -> memref<1x128xi32, #tpu.memory_space<hbm>>
      %dma_start3A_166 = tpu.memref_squeeze %dma_start3A_165 : memref<1x128xi32, #tpu.memory_space<hbm>> -> memref<128xi32, #tpu.memory_space<hbm>>
      %dma_start3A_167 = arith.constant 0 : i32
      %dma_start3A_168 = tpu.memref_slice %arg3[%add3A_163, %dma_start3A_167] : memref<2528x128xi32, #tpu.memory_space<hbm>> -> memref<1x128xi32, #tpu.memory_space<hbm>>
      %dma_start3A_169 = tpu.memref_squeeze %dma_start3A_168 : memref<1x128xi32, #tpu.memory_space<hbm>> -> memref<128xi32, #tpu.memory_space<hbm>>
      tpu.enqueue_dma source(%dma_start3A_169 : memref<128xi32, #tpu.memory_space<hbm>>) target(%arg10 : memref<128xi32, #tpu.memory_space<vmem>>) target_semaphore(%arg19 : memref<!tpu.dma_semaphore, #tpu.memory_space<semaphore_mem>>)
      %add3A_170 = arith.addi %select_n3A, %mul3A_100 : i32
      %add3A_171 = arith.constant 1 : i32
      %add3A_172 = arith.addi %add3A_170, %add3A_171 : i32
      %dma_wait3A_173 = arith.constant 0 : i32
      %dma_wait3A_174 = tpu.memref_slice %arg4[%add3A_172, %dma_wait3A_173] : memref<2528x128xi32, #tpu.memory_space<hbm>> -> memref<1x128xi32, #tpu.memory_space<hbm>>
      %dma_wait3A_175 = tpu.memref_squeeze %dma_wait3A_174 : memref<1x128xi32, #tpu.memory_space<hbm>> -> memref<128xi32, #tpu.memory_space<hbm>>
      %dma_wait3A_176 = arith.constant 0 : i32
      %dma_wait3A_177 = tpu.memref_slice %arg4[%add3A_172, %dma_wait3A_176] : memref<2528x128xi32, #tpu.memory_space<hbm>> -> memref<1x128xi32, #tpu.memory_space<hbm>>
      %dma_wait3A_178 = tpu.memref_squeeze %dma_wait3A_177 : memref<1x128xi32, #tpu.memory_space<hbm>> -> memref<128xi32, #tpu.memory_space<hbm>>
      tpu.wait_dma2 semaphore(%arg21 : memref<!tpu.dma_semaphore, #tpu.memory_space<semaphore_mem>>) src(%dma_wait3A_178 : memref<128xi32, #tpu.memory_space<hbm>>) dst(%arg12 : memref<128xi32, #tpu.memory_space<vmem>>)
      "tpu.region"() ({
        %run_scoped3A = tpu.sem_alloc : memref<!tpu.dma_semaphore, #tpu.memory_space<semaphore_mem>>
        %dma_start3A_187 = arith.constant 0 : i32
        %dma_start3A_188 = arith.constant 0 : i32
        %dma_start3A_189 = tpu.memref_slice %arg15[%dma_start3A_187, %dma_start3A_188] : memref<10240x128xf32, #tpu.memory_space<vmem_shared>> -> memref<10240x128xf32, #tpu.memory_space<vmem_shared>>
        tpu.enqueue_indirect_dma source(%arg14 : memref<128x128xf32, #tpu.memory_space<vmem>>) target(%dma_start3A_189 : memref<10240x128xf32, #tpu.memory_space<vmem_shared>>) offsets(%arg12 : memref<128xi32, #tpu.memory_space<vmem>>) semaphore(%run_scoped3A : memref<!tpu.dma_semaphore, #tpu.memory_space<semaphore_mem>>) {add = true}
        %dma_wait3A_190 = arith.constant 0 : i32
        %dma_wait3A_191 = arith.constant 0 : i32
        %dma_wait3A_192 = tpu.memref_slice %arg15[%dma_wait3A_190, %dma_wait3A_191] : memref<10240x128xf32, #tpu.memory_space<vmem_shared>> -> memref<10240x128xf32, #tpu.memory_space<vmem_shared>>
        tpu.wait_indirect_dma semaphore(%run_scoped3A : memref<!tpu.dma_semaphore, #tpu.memory_space<semaphore_mem>>) src(%arg14 : memref<128x128xf32, #tpu.memory_space<vmem>>) dst(%dma_wait3A_192 : memref<10240x128xf32, #tpu.memory_space<vmem_shared>>)
        tpu.yield
      }) : () -> ()
      %add3A_179 = arith.addi %select_n3A, %select_n3A_113 : i32
      %dma_start3A_180 = arith.constant 0 : i32
      %dma_start3A_181 = tpu.memref_slice %arg4[%add3A_179, %dma_start3A_180] : memref<2528x128xi32, #tpu.memory_space<hbm>> -> memref<1x128xi32, #tpu.memory_space<hbm>>
      %dma_start3A_182 = tpu.memref_squeeze %dma_start3A_181 : memref<1x128xi32, #tpu.memory_space<hbm>> -> memref<128xi32, #tpu.memory_space<hbm>>
      %dma_start3A_183 = arith.constant 0 : i32
      %dma_start3A_184 = tpu.memref_slice %arg4[%add3A_179, %dma_start3A_183] : memref<2528x128xi32, #tpu.memory_space<hbm>> -> memref<1x128xi32, #tpu.memory_space<hbm>>
      %dma_start3A_185 = tpu.memref_squeeze %dma_start3A_184 : memref<1x128xi32, #tpu.memory_space<hbm>> -> memref<128xi32, #tpu.memory_space<hbm>>
      tpu.enqueue_dma source(%dma_start3A_185 : memref<128xi32, #tpu.memory_space<hbm>>) target(%arg12 : memref<128xi32, #tpu.memory_space<vmem>>) target_semaphore(%arg21 : memref<!tpu.dma_semaphore, #tpu.memory_space<semaphore_mem>>)
      %while3A_186 = arith.constant 0 : i32
      scf.yield %while3A_186 : i32
    }
    %while3A_73 = arith.constant 1 : i32
    %while3A_74 = scf.for %while3A_97 = %while3A_70 to %while3A_66 step %while3A_73 iter_args(%while3A_98 = %while3A_72) -> (i32)  : i32 {
      %mul3A_99 = arith.constant 2 : i32
      %mul3A_100 = arith.muli %while3A_97, %mul3A_99 : i32
      %add3A_101 = arith.constant 2 : i32
      %add3A_102 = arith.addi %mul3A_100, %add3A_101 : i32
      %lt3A = arith.cmpi slt, %add3A_102, %select_n3A_10 : i32
      %add3A_103 = arith.constant 2 : i32
      %add3A_104 = arith.addi %mul3A_100, %add3A_103 : i32
      %jit3A_105 = arith.constant 0 : i32
      %select_n3A_106 = arith.select %lt3A, %add3A_104, %jit3A_105 : i32
      %add3A_107 = arith.constant 3 : i32
      %add3A_108 = arith.addi %mul3A_100, %add3A_107 : i32
      %lt3A_109 = arith.cmpi slt, %add3A_108, %select_n3A_10 : i32
      %add3A_110 = arith.constant 3 : i32
      %add3A_111 = arith.addi %mul3A_100, %add3A_110 : i32
      %jit3A_112 = arith.constant 1 : i32
      %select_n3A_113 = arith.select %lt3A_109, %add3A_111, %jit3A_112 : i32
      %add3A_114 = arith.addi %select_n3A, %mul3A_100 : i32
      %add3A_115 = arith.constant 1 : i32
      %add3A_116 = arith.addi %add3A_114, %add3A_115 : i32
      %dma_wait3A_117 = arith.constant 0 : i32
      %dma_wait3A_118 = tpu.memref_slice %arg3[%add3A_116, %dma_wait3A_117] : memref<2528x128xi32, #tpu.memory_space<hbm>> -> memref<1x128xi32, #tpu.memory_space<hbm>>
      %dma_wait3A_119 = tpu.memref_squeeze %dma_wait3A_118 : memref<1x128xi32, #tpu.memory_space<hbm>> -> memref<128xi32, #tpu.memory_space<hbm>>
      %dma_wait3A_120 = arith.constant 0 : i32
      %dma_wait3A_121 = tpu.memref_slice %arg3[%add3A_116, %dma_wait3A_120] : memref<2528x128xi32, #tpu.memory_space<hbm>> -> memref<1x128xi32, #tpu.memory_space<hbm>>
      %dma_wait3A_122 = tpu.memref_squeeze %dma_wait3A_121 : memref<1x128xi32, #tpu.memory_space<hbm>> -> memref<128xi32, #tpu.memory_space<hbm>>
      tpu.wait_dma2 semaphore(%arg19 : memref<!tpu.dma_semaphore, #tpu.memory_space<semaphore_mem>>) src(%dma_wait3A_122 : memref<128xi32, #tpu.memory_space<hbm>>) dst(%arg10 : memref<128xi32, #tpu.memory_space<vmem>>)
      %dma_start3A_123 = arith.constant 0 : i32
      %dma_start3A_124 = arith.constant 0 : i32
      %dma_start3A_125 = tpu.memref_slice %arg2[%dma_start3A_123, %dma_start3A_124] : memref<10000x128xf32, #tpu.memory_space<hbm>> -> memref<10000x128xf32, #tpu.memory_space<hbm>>
      tpu.enqueue_indirect_dma source(%dma_start3A_125 : memref<10000x128xf32, #tpu.memory_space<hbm>>) target(%arg14 : memref<128x128xf32, #tpu.memory_space<vmem>>) offsets(%arg10 : memref<128xi32, #tpu.memory_space<vmem>>) semaphore(%arg17 : memref<!tpu.dma_semaphore, #tpu.memory_space<semaphore_mem>>)
      %dma_wait3A_126 = arith.constant 0 : i32
      %dma_wait3A_127 = arith.constant 0 : i32
      %dma_wait3A_128 = tpu.memref_slice %arg2[%dma_wait3A_126, %dma_wait3A_127] : memref<10000x128xf32, #tpu.memory_space<hbm>> -> memref<10000x128xf32, #tpu.memory_space<hbm>>
      tpu.wait_indirect_dma semaphore(%arg16 : memref<!tpu.dma_semaphore, #tpu.memory_space<semaphore_mem>>) src(%dma_wait3A_128 : memref<10000x128xf32, #tpu.memory_space<hbm>>) dst(%arg13 : memref<128x128xf32, #tpu.memory_space<vmem>>)
      %add3A_129 = arith.addi %select_n3A, %select_n3A_106 : i32
      %dma_start3A_130 = arith.constant 0 : i32
      %dma_start3A_131 = tpu.memref_slice %arg3[%add3A_129, %dma_start3A_130] : memref<2528x128xi32, #tpu.memory_space<hbm>> -> memref<1x128xi32, #tpu.memory_space<hbm>>
      %dma_start3A_132 = tpu.memref_squeeze %dma_start3A_131 : memref<1x128xi32, #tpu.memory_space<hbm>> -> memref<128xi32, #tpu.memory_space<hbm>>
      %dma_start3A_133 = arith.constant 0 : i32
      %dma_start3A_134 = tpu.memref_slice %arg3[%add3A_129, %dma_start3A_133] : memref<2528x128xi32, #tpu.memory_space<hbm>> -> memref<1x128xi32, #tpu.memory_space<hbm>>
      %dma_start3A_135 = tpu.memref_squeeze %dma_start3A_134 : memref<1x128xi32, #tpu.memory_space<hbm>> -> memref<128xi32, #tpu.memory_space<hbm>>
      tpu.enqueue_dma source(%dma_start3A_135 : memref<128xi32, #tpu.memory_space<hbm>>) target(%arg9 : memref<128xi32, #tpu.memory_space<vmem>>) target_semaphore(%arg18 : memref<!tpu.dma_semaphore, #tpu.memory_space<semaphore_mem>>)
      %add3A_136 = arith.addi %select_n3A, %mul3A_100 : i32
      %dma_wait3A_137 = arith.constant 0 : i32
      %dma_wait3A_138 = tpu.memref_slice %arg4[%add3A_136, %dma_wait3A_137] : memref<2528x128xi32, #tpu.memory_space<hbm>> -> memref<1x128xi32, #tpu.memory_space<hbm>>
      %dma_wait3A_139 = tpu.memref_squeeze %dma_wait3A_138 : memref<1x128xi32, #tpu.memory_space<hbm>> -> memref<128xi32, #tpu.memory_space<hbm>>
      %dma_wait3A_140 = arith.constant 0 : i32
      %dma_wait3A_141 = tpu.memref_slice %arg4[%add3A_136, %dma_wait3A_140] : memref<2528x128xi32, #tpu.memory_space<hbm>> -> memref<1x128xi32, #tpu.memory_space<hbm>>
      %dma_wait3A_142 = tpu.memref_squeeze %dma_wait3A_141 : memref<1x128xi32, #tpu.memory_space<hbm>> -> memref<128xi32, #tpu.memory_space<hbm>>
      tpu.wait_dma2 semaphore(%arg20 : memref<!tpu.dma_semaphore, #tpu.memory_space<semaphore_mem>>) src(%dma_wait3A_142 : memref<128xi32, #tpu.memory_space<hbm>>) dst(%arg11 : memref<128xi32, #tpu.memory_space<vmem>>)
      "tpu.region"() ({
        %run_scoped3A = tpu.sem_alloc : memref<!tpu.dma_semaphore, #tpu.memory_space<semaphore_mem>>
        %dma_start3A_187 = arith.constant 0 : i32
        %dma_start3A_188 = arith.constant 0 : i32
        %dma_start3A_189 = tpu.memref_slice %arg15[%dma_start3A_187, %dma_start3A_188] : memref<10240x128xf32, #tpu.memory_space<vmem_shared>> -> memref<10240x128xf32, #tpu.memory_space<vmem_shared>>
        tpu.enqueue_indirect_dma source(%arg13 : memref<128x128xf32, #tpu.memory_space<vmem>>) target(%dma_start3A_189 : memref<10240x128xf32, #tpu.memory_space<vmem_shared>>) offsets(%arg11 : memref<128xi32, #tpu.memory_space<vmem>>) semaphore(%run_scoped3A : memref<!tpu.dma_semaphore, #tpu.memory_space<semaphore_mem>>) {add = true}
        %dma_wait3A_190 = arith.constant 0 : i32
        %dma_wait3A_191 = arith.constant 0 : i32
        %dma_wait3A_192 = tpu.memref_slice %arg15[%dma_wait3A_190, %dma_wait3A_191] : memref<10240x128xf32, #tpu.memory_space<vmem_shared>> -> memref<10240x128xf32, #tpu.memory_space<vmem_shared>>
        tpu.wait_indirect_dma semaphore(%run_scoped3A : memref<!tpu.dma_semaphore, #tpu.memory_space<semaphore_mem>>) src(%arg13 : memref<128x128xf32, #tpu.memory_space<vmem>>) dst(%dma_wait3A_192 : memref<10240x128xf32, #tpu.memory_space<vmem_shared>>)
        tpu.yield
      }) : () -> ()
      %add3A_143 = arith.addi %select_n3A, %select_n3A_106 : i32
      %dma_start3A_144 = arith.constant 0 : i32
      %dma_start3A_145 = tpu.memref_slice %arg4[%add3A_143, %dma_start3A_144] : memref<2528x128xi32, #tpu.memory_space<hbm>> -> memref<1x128xi32, #tpu.memory_space<hbm>>
      %dma_start3A_146 = tpu.memref_squeeze %dma_start3A_145 : memref<1x128xi32, #tpu.memory_space<hbm>> -> memref<128xi32, #tpu.memory_space<hbm>>
      %dma_start3A_147 = arith.constant 0 : i32
      %dma_start3A_148 = tpu.memref_slice %arg4[%add3A_143, %dma_start3A_147] : memref<2528x128xi32, #tpu.memory_space<hbm>> -> memref<1x128xi32, #tpu.memory_space<hbm>>
      %dma_start3A_149 = tpu.memref_squeeze %dma_start3A_148 : memref<1x128xi32, #tpu.memory_space<hbm>> -> memref<128xi32, #tpu.memory_space<hbm>>
      tpu.enqueue_dma source(%dma_start3A_149 : memref<128xi32, #tpu.memory_space<hbm>>) target(%arg11 : memref<128xi32, #tpu.memory_space<vmem>>) target_semaphore(%arg20 : memref<!tpu.dma_semaphore, #tpu.memory_space<semaphore_mem>>)
      %add3A_150 = arith.addi %select_n3A, %select_n3A_106 : i32
      %dma_wait3A_151 = arith.constant 0 : i32
      %dma_wait3A_152 = tpu.memref_slice %arg3[%add3A_150, %dma_wait3A_151] : memref<2528x128xi32, #tpu.memory_space<hbm>> -> memref<1x128xi32, #tpu.memory_space<hbm>>
      %dma_wait3A_153 = tpu.memref_squeeze %dma_wait3A_152 : memref<1x128xi32, #tpu.memory_space<hbm>> -> memref<128xi32, #tpu.memory_space<hbm>>
      %dma_wait3A_154 = arith.constant 0 : i32
      %dma_wait3A_155 = tpu.memref_slice %arg3[%add3A_150, %dma_wait3A_154] : memref<2528x128xi32, #tpu.memory_space<hbm>> -> memref<1x128xi32, #tpu.memory_space<hbm>>
      %dma_wait3A_156 = tpu.memref_squeeze %dma_wait3A_155 : memref<1x128xi32, #tpu.memory_space<hbm>> -> memref<128xi32, #tpu.memory_space<hbm>>
      tpu.wait_dma2 semaphore(%arg18 : memref<!tpu.dma_semaphore, #tpu.memory_space<semaphore_mem>>) src(%dma_wait3A_156 : memref<128xi32, #tpu.memory_space<hbm>>) dst(%arg9 : memref<128xi32, #tpu.memory_space<vmem>>)
      %dma_start3A_157 = arith.constant 0 : i32
      %dma_start3A_158 = arith.constant 0 : i32
      %dma_start3A_159 = tpu.memref_slice %arg2[%dma_start3A_157, %dma_start3A_158] : memref<10000x128xf32, #tpu.memory_space<hbm>> -> memref<10000x128xf32, #tpu.memory_space<hbm>>
      tpu.enqueue_indirect_dma source(%dma_start3A_159 : memref<10000x128xf32, #tpu.memory_space<hbm>>) target(%arg13 : memref<128x128xf32, #tpu.memory_space<vmem>>) offsets(%arg9 : memref<128xi32, #tpu.memory_space<vmem>>) semaphore(%arg16 : memref<!tpu.dma_semaphore, #tpu.memory_space<semaphore_mem>>)
      %dma_wait3A_160 = arith.constant 0 : i32
      %dma_wait3A_161 = arith.constant 0 : i32
      %dma_wait3A_162 = tpu.memref_slice %arg2[%dma_wait3A_160, %dma_wait3A_161] : memref<10000x128xf32, #tpu.memory_space<hbm>> -> memref<10000x128xf32, #tpu.memory_space<hbm>>
      tpu.wait_indirect_dma semaphore(%arg17 : memref<!tpu.dma_semaphore, #tpu.memory_space<semaphore_mem>>) src(%dma_wait3A_162 : memref<10000x128xf32, #tpu.memory_space<hbm>>) dst(%arg14 : memref<128x128xf32, #tpu.memory_space<vmem>>)
      %add3A_163 = arith.addi %select_n3A, %select_n3A_113 : i32
      %dma_start3A_164 = arith.constant 0 : i32
      %dma_start3A_165 = tpu.memref_slice %arg3[%add3A_163, %dma_start3A_164] : memref<2528x128xi32, #tpu.memory_space<hbm>> -> memref<1x128xi32, #tpu.memory_space<hbm>>
      %dma_start3A_166 = tpu.memref_squeeze %dma_start3A_165 : memref<1x128xi32, #tpu.memory_space<hbm>> -> memref<128xi32, #tpu.memory_space<hbm>>
      %dma_start3A_167 = arith.constant 0 : i32
      %dma_start3A_168 = tpu.memref_slice %arg3[%add3A_163, %dma_start3A_167] : memref<2528x128xi32, #tpu.memory_space<hbm>> -> memref<1x128xi32, #tpu.memory_space<hbm>>
      %dma_start3A_169 = tpu.memref_squeeze %dma_start3A_168 : memref<1x128xi32, #tpu.memory_space<hbm>> -> memref<128xi32, #tpu.memory_space<hbm>>
      tpu.enqueue_dma source(%dma_start3A_169 : memref<128xi32, #tpu.memory_space<hbm>>) target(%arg10 : memref<128xi32, #tpu.memory_space<vmem>>) target_semaphore(%arg19 : memref<!tpu.dma_semaphore, #tpu.memory_space<semaphore_mem>>)
      %add3A_170 = arith.addi %select_n3A, %mul3A_100 : i32
      %add3A_171 = arith.constant 1 : i32
      %add3A_172 = arith.addi %add3A_170, %add3A_171 : i32
      %dma_wait3A_173 = arith.constant 0 : i32
      %dma_wait3A_174 = tpu.memref_slice %arg4[%add3A_172, %dma_wait3A_173] : memref<2528x128xi32, #tpu.memory_space<hbm>> -> memref<1x128xi32, #tpu.memory_space<hbm>>
      %dma_wait3A_175 = tpu.memref_squeeze %dma_wait3A_174 : memref<1x128xi32, #tpu.memory_space<hbm>> -> memref<128xi32, #tpu.memory_space<hbm>>
      %dma_wait3A_176 = arith.constant 0 : i32
      %dma_wait3A_177 = tpu.memref_slice %arg4[%add3A_172, %dma_wait3A_176] : memref<2528x128xi32, #tpu.memory_space<hbm>> -> memref<1x128xi32, #tpu.memory_space<hbm>>
      %dma_wait3A_178 = tpu.memref_squeeze %dma_wait3A_177 : memref<1x128xi32, #tpu.memory_space<hbm>> -> memref<128xi32, #tpu.memory_space<hbm>>
      tpu.wait_dma2 semaphore(%arg21 : memref<!tpu.dma_semaphore, #tpu.memory_space<semaphore_mem>>) src(%dma_wait3A_178 : memref<128xi32, #tpu.memory_space<hbm>>) dst(%arg12 : memref<128xi32, #tpu.memory_space<vmem>>)
      "tpu.region"() ({
        %run_scoped3A = tpu.sem_alloc : memref<!tpu.dma_semaphore, #tpu.memory_space<semaphore_mem>>
        %dma_start3A_187 = arith.constant 0 : i32
        %dma_start3A_188 = arith.constant 0 : i32
        %dma_start3A_189 = tpu.memref_slice %arg15[%dma_start3A_187, %dma_start3A_188] : memref<10240x128xf32, #tpu.memory_space<vmem_shared>> -> memref<10240x128xf32, #tpu.memory_space<vmem_shared>>
        tpu.enqueue_indirect_dma source(%arg14 : memref<128x128xf32, #tpu.memory_space<vmem>>) target(%dma_start3A_189 : memref<10240x128xf32, #tpu.memory_space<vmem_shared>>) offsets(%arg12 : memref<128xi32, #tpu.memory_space<vmem>>) semaphore(%run_scoped3A : memref<!tpu.dma_semaphore, #tpu.memory_space<semaphore_mem>>) {add = true}
        %dma_wait3A_190 = arith.constant 0 : i32
        %dma_wait3A_191 = arith.constant 0 : i32
        %dma_wait3A_192 = tpu.memref_slice %arg15[%dma_wait3A_190, %dma_wait3A_191] : memref<10240x128xf32, #tpu.memory_space<vmem_shared>> -> memref<10240x128xf32, #tpu.memory_space<vmem_shared>>
        tpu.wait_indirect_dma semaphore(%run_scoped3A : memref<!tpu.dma_semaphore, #tpu.memory_space<semaphore_mem>>) src(%arg14 : memref<128x128xf32, #tpu.memory_space<vmem>>) dst(%dma_wait3A_192 : memref<10240x128xf32, #tpu.memory_space<vmem_shared>>)
        tpu.yield
      }) : () -> ()
      %add3A_179 = arith.addi %select_n3A, %select_n3A_113 : i32
      %dma_start3A_180 = arith.constant 0 : i32
      %dma_start3A_181 = tpu.memref_slice %arg4[%add3A_179, %dma_start3A_180] : memref<2528x128xi32, #tpu.memory_space<hbm>> -> memref<1x128xi32, #tpu.memory_space<hbm>>
      %dma_start3A_182 = tpu.memref_squeeze %dma_start3A_181 : memref<1x128xi32, #tpu.memory_space<hbm>> -> memref<128xi32, #tpu.memory_space<hbm>>
      %dma_start3A_183 = arith.constant 0 : i32
      %dma_start3A_184 = tpu.memref_slice %arg4[%add3A_179, %dma_start3A_183] : memref<2528x128xi32, #tpu.memory_space<hbm>> -> memref<1x128xi32, #tpu.memory_space<hbm>>
      %dma_start3A_185 = tpu.memref_squeeze %dma_start3A_184 : memref<1x128xi32, #tpu.memory_space<hbm>> -> memref<128xi32, #tpu.memory_space<hbm>>
      tpu.enqueue_dma source(%dma_start3A_185 : memref<128xi32, #tpu.memory_space<hbm>>) target(%arg12 : memref<128xi32, #tpu.memory_space<vmem>>) target_semaphore(%arg21 : memref<!tpu.dma_semaphore, #tpu.memory_space<semaphore_mem>>)
      %while3A_186 = arith.constant 0 : i32
      scf.yield %while3A_186 : i32
    }
    %dma_wait3A_75 = arith.constant 0 : i32
    %dma_wait3A_76 = arith.constant 0 : i32
    %dma_wait3A_77 = tpu.memref_slice %arg2[%dma_wait3A_75, %dma_wait3A_76] : memref<10000x128xf32, #tpu.memory_space<hbm>> -> memref<10000x128xf32, #tpu.memory_space<hbm>>
    tpu.wait_indirect_dma semaphore(%arg16 : memref<!tpu.dma_semaphore, #tpu.memory_space<semaphore_mem>>) src(%dma_wait3A_77 : memref<10000x128xf32, #tpu.memory_space<hbm>>) dst(%arg13 : memref<128x128xf32, #tpu.memory_space<vmem>>)
    %dma_wait3A_78 = arith.constant 0 : i32
    %dma_wait3A_79 = tpu.memref_slice %arg3[%select_n3A, %dma_wait3A_78] : memref<2528x128xi32, #tpu.memory_space<hbm>> -> memref<1x128xi32, #tpu.memory_space<hbm>>
    %dma_wait3A_80 = tpu.memref_squeeze %dma_wait3A_79 : memref<1x128xi32, #tpu.memory_space<hbm>> -> memref<128xi32, #tpu.memory_space<hbm>>
    %dma_wait3A_81 = arith.constant 0 : i32
    %dma_wait3A_82 = tpu.memref_slice %arg3[%select_n3A, %dma_wait3A_81] : memref<2528x128xi32, #tpu.memory_space<hbm>> -> memref<1x128xi32, #tpu.memory_space<hbm>>
    %dma_wait3A_83 = tpu.memref_squeeze %dma_wait3A_82 : memref<1x128xi32, #tpu.memory_space<hbm>> -> memref<128xi32, #tpu.memory_space<hbm>>
    tpu.wait_dma2 semaphore(%arg19 : memref<!tpu.dma_semaphore, #tpu.memory_space<semaphore_mem>>) src(%dma_wait3A_83 : memref<128xi32, #tpu.memory_space<hbm>>) dst(%arg10 : memref<128xi32, #tpu.memory_space<vmem>>)
    %dma_wait3A_84 = arith.constant 0 : i32
    %dma_wait3A_85 = tpu.memref_slice %arg4[%select_n3A, %dma_wait3A_84] : memref<2528x128xi32, #tpu.memory_space<hbm>> -> memref<1x128xi32, #tpu.memory_space<hbm>>
    %dma_wait3A_86 = tpu.memref_squeeze %dma_wait3A_85 : memref<1x128xi32, #tpu.memory_space<hbm>> -> memref<128xi32, #tpu.memory_space<hbm>>
    %dma_wait3A_87 = arith.constant 0 : i32
    %dma_wait3A_88 = tpu.memref_slice %arg4[%select_n3A, %dma_wait3A_87] : memref<2528x128xi32, #tpu.memory_space<hbm>> -> memref<1x128xi32, #tpu.memory_space<hbm>>
    %dma_wait3A_89 = tpu.memref_squeeze %dma_wait3A_88 : memref<1x128xi32, #tpu.memory_space<hbm>> -> memref<128xi32, #tpu.memory_space<hbm>>
    tpu.wait_dma2 semaphore(%arg20 : memref<!tpu.dma_semaphore, #tpu.memory_space<semaphore_mem>>) src(%dma_wait3A_89 : memref<128xi32, #tpu.memory_space<hbm>>) dst(%arg11 : memref<128xi32, #tpu.memory_space<vmem>>)
    %dma_wait3A_90 = arith.constant 0 : i32
    %dma_wait3A_91 = tpu.memref_slice %arg4[%select_n3A, %dma_wait3A_90] : memref<2528x128xi32, #tpu.memory_space<hbm>> -> memref<1x128xi32, #tpu.memory_space<hbm>>
    %dma_wait3A_92 = tpu.memref_squeeze %dma_wait3A_91 : memref<1x128xi32, #tpu.memory_space<hbm>> -> memref<128xi32, #tpu.memory_space<hbm>>
    %dma_wait3A_93 = arith.constant 0 : i32
    %dma_wait3A_94 = tpu.memref_slice %arg4[%select_n3A, %dma_wait3A_93] : memref<2528x128xi32, #tpu.memory_space<hbm>> -> memref<1x128xi32, #tpu.memory_space<hbm>>
    %dma_wait3A_95 = tpu.memref_squeeze %dma_wait3A_94 : memref<1x128xi32, #tpu.memory_space<hbm>> -> memref<128xi32, #tpu.memory_space<hbm>>
    tpu.wait_dma2 semaphore(%arg21 : memref<!tpu.dma_semaphore, #tpu.memory_space<semaphore_mem>>) src(%dma_wait3A_95 : memref<128xi32, #tpu.memory_space<hbm>>) dst(%arg12 : memref<128xi32, #tpu.memory_space<vmem>>)
    %barrier3A_96 = arith.constant 0 : index
    tpu.barrier barrier_id(%barrier3A_96)
    "tpu.region"() ({
      %run_scoped3A = tpu.sem_alloc : memref<!tpu.dma_semaphore, #tpu.memory_space<semaphore_mem>>
      %dma_start3A_97 = arith.constant 0 : i32
      %dma_start3A_98 = tpu.memref_slice %arg8[%arg0, %mul3A_0, %dma_start3A_97] : memref<2x10240x128xf32, #tpu.memory_space<hbm>> -> memref<1x640x128xf32, #tpu.memory_space<hbm>>
      %dma_start3A_99 = tpu.memref_squeeze %dma_start3A_98 : memref<1x640x128xf32, #tpu.memory_space<hbm>> -> memref<640x128xf32, #tpu.memory_space<hbm>>
      %dma_start3A_100 = arith.constant 0 : i32
      %dma_start3A_101 = tpu.memref_slice %arg15[%mul3A_0, %dma_start3A_100] : memref<10240x128xf32, #tpu.memory_space<vmem_shared>> -> memref<640x128xf32, #tpu.memory_space<vmem_shared>>
      tpu.enqueue_dma source(%dma_start3A_101 : memref<640x128xf32, #tpu.memory_space<vmem_shared>>) target(%dma_start3A_99 : memref<640x128xf32, #tpu.memory_space<hbm>>) target_semaphore(%run_scoped3A : memref<!tpu.dma_semaphore, #tpu.memory_space<semaphore_mem>>)
      %dma_wait3A_102 = arith.constant 0 : i32
      %dma_wait3A_103 = tpu.memref_slice %arg8[%arg0, %mul3A_0, %dma_wait3A_102] : memref<2x10240x128xf32, #tpu.memory_space<hbm>> -> memref<1x640x128xf32, #tpu.memory_space<hbm>>
      %dma_wait3A_104 = tpu.memref_squeeze %dma_wait3A_103 : memref<1x640x128xf32, #tpu.memory_space<hbm>> -> memref<640x128xf32, #tpu.memory_space<hbm>>
      %dma_wait3A_105 = arith.constant 0 : i32
      %dma_wait3A_106 = tpu.memref_slice %arg15[%mul3A_0, %dma_wait3A_105] : memref<10240x128xf32, #tpu.memory_space<vmem_shared>> -> memref<640x128xf32, #tpu.memory_space<vmem_shared>>
      tpu.wait_dma2 semaphore(%run_scoped3A : memref<!tpu.dma_semaphore, #tpu.memory_space<semaphore_mem>>) src(%dma_wait3A_106 : memref<640x128xf32, #tpu.memory_space<vmem_shared>>) dst(%dma_wait3A_104 : memref<640x128xf32, #tpu.memory_space<hbm>>)
      tpu.yield
    }) : () -> ()
    return
  }
}

#map = affine_map<(d0, d1) -> (0, 0)>
#map1 = affine_map<(d0, d1) -> (0)>
#map2 = affine_map<(d0, d1) -> (0, 0, 0)>
module attributes {stable_mosaic.version = 14 : i64} {
  func.func @body(%arg0: i32, %arg1: i32, %arg2: memref<10000x128xf32, #tpu.memory_space<hbm>>, %arg3: memref<2528x128xi32, #tpu.memory_space<hbm>>, %arg4: memref<2528x128xi32, #tpu.memory_space<hbm>>, %arg5: memref<640x128xf32, #tpu.memory_space<hbm>>, %arg6: memref<640xf32, #tpu.memory_space<hbm>>, %arg7: memref<128xf32, #tpu.memory_space<hbm>>, %arg8: memref<2x10240x128xf32, #tpu.memory_space<hbm>>, %arg9: memref<2x10240xf32, #tpu.memory_space<hbm>>, %arg10: memref<128xi32, #tpu.memory_space<vmem>>, %arg11: memref<128xi32, #tpu.memory_space<vmem>>, %arg12: memref<128xi32, #tpu.memory_space<vmem>>, %arg13: memref<128xi32, #tpu.memory_space<vmem>>, %arg14: memref<128x128xf32, #tpu.memory_space<vmem>>, %arg15: memref<128x128xf32, #tpu.memory_space<vmem>>, %arg16: memref<10240x128xf32, #tpu.memory_space<vmem_shared>>, %arg17: memref<!tpu.dma_semaphore, #tpu.memory_space<semaphore_mem>>, %arg18: memref<!tpu.dma_semaphore, #tpu.memory_space<semaphore_mem>>, %arg19: memref<!tpu.dma_semaphore, #tpu.memory_space<semaphore_mem>>, %arg20: memref<!tpu.dma_semaphore, #tpu.memory_space<semaphore_mem>>, %arg21: memref<!tpu.dma_semaphore, #tpu.memory_space<semaphore_mem>>, %arg22: memref<!tpu.dma_semaphore, #tpu.memory_space<semaphore_mem>>, %arg23: memref<128xf32, #tpu.memory_space<vmem>>, %arg24: memref<10240xf32, #tpu.memory_space<vmem_shared>>) attributes {dimension_semantics = [#tpu.dimension_semantics<core_parallel>, #tpu.dimension_semantics<subcore_parallel>], iteration_bounds = array<i64: 2, 16>, scalar_prefetch = 0 : i64, scratch_operands = 15 : i64, tpu.core_type = #tpu.core_type<sc_vector_subcore>, window_params = [{transform_indices = #map}, {transform_indices = #map}, {transform_indices = #map}, {transform_indices = #map}, {transform_indices = #map1}, {transform_indices = #map1}, {transform_indices = #map2}, {transform_indices = #map}]} {
    %mul3A = arith.constant 640 : i32
    %mul3A_0 = arith.muli %arg1, %mul3A : i32
    %eq3A = arith.constant 0 : i32
    %eq3A_1 = arith.cmpi eq, %arg0, %eq3A : i32
    %mul3A_2 = arith.constant 78 : i32
    %mul3A_3 = arith.muli %arg1, %mul3A_2 : i32
    %mul3A_4 = arith.constant 80 : i32
    %mul3A_5 = arith.muli %arg1, %mul3A_4 : i32
    %add3A = arith.constant 1248 : i32
    %add3A_6 = arith.addi %add3A, %mul3A_5 : i32
    %select_n3A = arith.select %eq3A_1, %mul3A_3, %add3A_6 : i32
    %eq3A_7 = arith.constant 0 : i32
    %eq3A_8 = arith.cmpi eq, %arg0, %eq3A_7 : i32
    %jit3A = arith.constant 78 : i32
    %jit3A_9 = arith.constant 80 : i32
    %select_n3A_10 = arith.select %eq3A_8, %jit3A, %jit3A_9 : i32
    "tpu.region"() ({
      %run_scoped3A = tpu.sem_alloc : memref<!tpu.dma_semaphore, #tpu.memory_space<semaphore_mem>>
      %dma_start3A_97 = arith.constant 0 : i32
      %dma_start3A_98 = tpu.memref_slice %arg16[%mul3A_0, %dma_start3A_97] : memref<10240x128xf32, #tpu.memory_space<vmem_shared>> -> memref<640x128xf32, #tpu.memory_space<vmem_shared>>
      tpu.enqueue_dma source(%arg5 : memref<640x128xf32, #tpu.memory_space<hbm>>) target(%dma_start3A_98 : memref<640x128xf32, #tpu.memory_space<vmem_shared>>) target_semaphore(%run_scoped3A : memref<!tpu.dma_semaphore, #tpu.memory_space<semaphore_mem>>)
      %dma_wait3A_99 = arith.constant 0 : i32
      %dma_wait3A_100 = tpu.memref_slice %arg16[%mul3A_0, %dma_wait3A_99] : memref<10240x128xf32, #tpu.memory_space<vmem_shared>> -> memref<640x128xf32, #tpu.memory_space<vmem_shared>>
      tpu.wait_dma2 semaphore(%run_scoped3A : memref<!tpu.dma_semaphore, #tpu.memory_space<semaphore_mem>>) src(%arg5 : memref<640x128xf32, #tpu.memory_space<hbm>>) dst(%dma_wait3A_100 : memref<640x128xf32, #tpu.memory_space<vmem_shared>>)
      tpu.yield
    }) : () -> ()
    "tpu.region"() ({
      %run_scoped3A = tpu.sem_alloc : memref<!tpu.dma_semaphore, #tpu.memory_space<semaphore_mem>>
      %dma_start3A_97 = tpu.memref_slice %arg24[%mul3A_0] : memref<10240xf32, #tpu.memory_space<vmem_shared>> -> memref<640xf32, #tpu.memory_space<vmem_shared>>
      tpu.enqueue_dma source(%arg6 : memref<640xf32, #tpu.memory_space<hbm>>) target(%dma_start3A_97 : memref<640xf32, #tpu.memory_space<vmem_shared>>) target_semaphore(%run_scoped3A : memref<!tpu.dma_semaphore, #tpu.memory_space<semaphore_mem>>)
      %dma_wait3A_98 = tpu.memref_slice %arg24[%mul3A_0] : memref<10240xf32, #tpu.memory_space<vmem_shared>> -> memref<640xf32, #tpu.memory_space<vmem_shared>>
      tpu.wait_dma2 semaphore(%run_scoped3A : memref<!tpu.dma_semaphore, #tpu.memory_space<semaphore_mem>>) src(%arg6 : memref<640xf32, #tpu.memory_space<hbm>>) dst(%dma_wait3A_98 : memref<640xf32, #tpu.memory_space<vmem_shared>>)
      tpu.yield
    }) : () -> ()
    "tpu.region"() ({
      %run_scoped3A = tpu.sem_alloc : memref<!tpu.dma_semaphore, #tpu.memory_space<semaphore_mem>>
      tpu.enqueue_dma source(%arg7 : memref<128xf32, #tpu.memory_space<hbm>>) target(%arg23 : memref<128xf32, #tpu.memory_space<vmem>>) target_semaphore(%run_scoped3A : memref<!tpu.dma_semaphore, #tpu.memory_space<semaphore_mem>>)
      tpu.wait_dma2 semaphore(%run_scoped3A : memref<!tpu.dma_semaphore, #tpu.memory_space<semaphore_mem>>) src(%arg7 : memref<128xf32, #tpu.memory_space<hbm>>) dst(%arg23 : memref<128xf32, #tpu.memory_space<vmem>>)
      tpu.yield
    }) : () -> ()
    %barrier3A = arith.constant 0 : index
    tpu.barrier barrier_id(%barrier3A)
    %dma_start3A = arith.constant 0 : i32
    %dma_start3A_11 = tpu.memref_slice %arg3[%select_n3A, %dma_start3A] : memref<2528x128xi32, #tpu.memory_space<hbm>> -> memref<1x128xi32, #tpu.memory_space<hbm>>
    %dma_start3A_12 = tpu.memref_squeeze %dma_start3A_11 : memref<1x128xi32, #tpu.memory_space<hbm>> -> memref<128xi32, #tpu.memory_space<hbm>>
    %dma_start3A_13 = arith.constant 0 : i32
    %dma_start3A_14 = tpu.memref_slice %arg3[%select_n3A, %dma_start3A_13] : memref<2528x128xi32, #tpu.memory_space<hbm>> -> memref<1x128xi32, #tpu.memory_space<hbm>>
    %dma_start3A_15 = tpu.memref_squeeze %dma_start3A_14 : memref<1x128xi32, #tpu.memory_space<hbm>> -> memref<128xi32, #tpu.memory_space<hbm>>
    tpu.enqueue_dma source(%dma_start3A_15 : memref<128xi32, #tpu.memory_space<hbm>>) target(%arg10 : memref<128xi32, #tpu.memory_space<vmem>>) target_semaphore(%arg19 : memref<!tpu.dma_semaphore, #tpu.memory_space<semaphore_mem>>)
    %dma_start3A_16 = arith.constant 0 : i32
    %dma_start3A_17 = tpu.memref_slice %arg4[%select_n3A, %dma_start3A_16] : memref<2528x128xi32, #tpu.memory_space<hbm>> -> memref<1x128xi32, #tpu.memory_space<hbm>>
    %dma_start3A_18 = tpu.memref_squeeze %dma_start3A_17 : memref<1x128xi32, #tpu.memory_space<hbm>> -> memref<128xi32, #tpu.memory_space<hbm>>
    %dma_start3A_19 = arith.constant 0 : i32
    %dma_start3A_20 = tpu.memref_slice %arg4[%select_n3A, %dma_start3A_19] : memref<2528x128xi32, #tpu.memory_space<hbm>> -> memref<1x128xi32, #tpu.memory_space<hbm>>
    %dma_start3A_21 = tpu.memref_squeeze %dma_start3A_20 : memref<1x128xi32, #tpu.memory_space<hbm>> -> memref<128xi32, #tpu.memory_space<hbm>>
    tpu.enqueue_dma source(%dma_start3A_21 : memref<128xi32, #tpu.memory_space<hbm>>) target(%arg12 : memref<128xi32, #tpu.memory_space<vmem>>) target_semaphore(%arg21 : memref<!tpu.dma_semaphore, #tpu.memory_space<semaphore_mem>>)
    %add3A_22 = arith.constant 1 : i32
    %add3A_23 = arith.addi %select_n3A, %add3A_22 : i32
    %dma_start3A_24 = arith.constant 0 : i32
    %dma_start3A_25 = tpu.memref_slice %arg3[%add3A_23, %dma_start3A_24] : memref<2528x128xi32, #tpu.memory_space<hbm>> -> memref<1x128xi32, #tpu.memory_space<hbm>>
    %dma_start3A_26 = tpu.memref_squeeze %dma_start3A_25 : memref<1x128xi32, #tpu.memory_space<hbm>> -> memref<128xi32, #tpu.memory_space<hbm>>
    %dma_start3A_27 = arith.constant 0 : i32
    %dma_start3A_28 = tpu.memref_slice %arg3[%add3A_23, %dma_start3A_27] : memref<2528x128xi32, #tpu.memory_space<hbm>> -> memref<1x128xi32, #tpu.memory_space<hbm>>
    %dma_start3A_29 = tpu.memref_squeeze %dma_start3A_28 : memref<1x128xi32, #tpu.memory_space<hbm>> -> memref<128xi32, #tpu.memory_space<hbm>>
    tpu.enqueue_dma source(%dma_start3A_29 : memref<128xi32, #tpu.memory_space<hbm>>) target(%arg11 : memref<128xi32, #tpu.memory_space<vmem>>) target_semaphore(%arg20 : memref<!tpu.dma_semaphore, #tpu.memory_space<semaphore_mem>>)
    %add3A_30 = arith.constant 1 : i32
    %add3A_31 = arith.addi %select_n3A, %add3A_30 : i32
    %dma_start3A_32 = arith.constant 0 : i32
    %dma_start3A_33 = tpu.memref_slice %arg4[%add3A_31, %dma_start3A_32] : memref<2528x128xi32, #tpu.memory_space<hbm>> -> memref<1x128xi32, #tpu.memory_space<hbm>>
    %dma_start3A_34 = tpu.memref_squeeze %dma_start3A_33 : memref<1x128xi32, #tpu.memory_space<hbm>> -> memref<128xi32, #tpu.memory_space<hbm>>
    %dma_start3A_35 = arith.constant 0 : i32
    %dma_start3A_36 = tpu.memref_slice %arg4[%add3A_31, %dma_start3A_35] : memref<2528x128xi32, #tpu.memory_space<hbm>> -> memref<1x128xi32, #tpu.memory_space<hbm>>
    %dma_start3A_37 = tpu.memref_squeeze %dma_start3A_36 : memref<1x128xi32, #tpu.memory_space<hbm>> -> memref<128xi32, #tpu.memory_space<hbm>>
    tpu.enqueue_dma source(%dma_start3A_37 : memref<128xi32, #tpu.memory_space<hbm>>) target(%arg13 : memref<128xi32, #tpu.memory_space<vmem>>) target_semaphore(%arg22 : memref<!tpu.dma_semaphore, #tpu.memory_space<semaphore_mem>>)
    %dma_wait3A = arith.constant 0 : i32
    %dma_wait3A_38 = tpu.memref_slice %arg3[%select_n3A, %dma_wait3A] : memref<2528x128xi32, #tpu.memory_space<hbm>> -> memref<1x128xi32, #tpu.memory_space<hbm>>
    %dma_wait3A_39 = tpu.memref_squeeze %dma_wait3A_38 : memref<1x128xi32, #tpu.memory_space<hbm>> -> memref<128xi32, #tpu.memory_space<hbm>>
    %dma_wait3A_40 = arith.constant 0 : i32
    %dma_wait3A_41 = tpu.memref_slice %arg3[%select_n3A, %dma_wait3A_40] : memref<2528x128xi32, #tpu.memory_space<hbm>> -> memref<1x128xi32, #tpu.memory_space<hbm>>
    %dma_wait3A_42 = tpu.memref_squeeze %dma_wait3A_41 : memref<1x128xi32, #tpu.memory_space<hbm>> -> memref<128xi32, #tpu.memory_space<hbm>>
    tpu.wait_dma2 semaphore(%arg19 : memref<!tpu.dma_semaphore, #tpu.memory_space<semaphore_mem>>) src(%dma_wait3A_42 : memref<128xi32, #tpu.memory_space<hbm>>) dst(%arg10 : memref<128xi32, #tpu.memory_space<vmem>>)
    %dma_start3A_43 = arith.constant 0 : i32
    %dma_start3A_44 = arith.constant 0 : i32
    %dma_start3A_45 = tpu.memref_slice %arg2[%dma_start3A_43, %dma_start3A_44] : memref<10000x128xf32, #tpu.memory_space<hbm>> -> memref<10000x128xf32, #tpu.memory_space<hbm>>
    tpu.enqueue_indirect_dma source(%dma_start3A_45 : memref<10000x128xf32, #tpu.memory_space<hbm>>) target(%arg14 : memref<128x128xf32, #tpu.memory_space<vmem>>) offsets(%arg10 : memref<128xi32, #tpu.memory_space<vmem>>) semaphore(%arg17 : memref<!tpu.dma_semaphore, #tpu.memory_space<semaphore_mem>>)
    %jit3A_46 = arith.constant 2 : i32
    %div3A = arith.divsi %select_n3A_10, %jit3A_46 : i32
    %sign3A = arith.constant 0 : i32
    %sign3A_47 = arith.cmpi sgt, %select_n3A_10, %sign3A : i32
    %sign3A_48 = arith.extui %sign3A_47 : i1 to i32
    %sign3A_49 = arith.constant 0 : i32
    %sign3A_50 = arith.cmpi slt, %select_n3A_10, %sign3A_49 : i32
    %sign3A_51 = arith.extui %sign3A_50 : i1 to i32
    %sign3A_52 = arith.subi %sign3A_48, %sign3A_51 : i32
    %sign3A_53 = arith.constant 0 : i32
    %sign3A_54 = arith.cmpi sgt, %jit3A_46, %sign3A_53 : i32
    %sign3A_55 = arith.extui %sign3A_54 : i1 to i32
    %sign3A_56 = arith.constant 0 : i32
    %sign3A_57 = arith.cmpi slt, %jit3A_46, %sign3A_56 : i32
    %sign3A_58 = arith.extui %sign3A_57 : i1 to i32
    %sign3A_59 = arith.subi %sign3A_55, %sign3A_58 : i32
    %ne3A = arith.cmpi ne, %sign3A_52, %sign3A_59 : i32
    %rem3A = arith.remsi %select_n3A_10, %jit3A_46 : i32
    %ne3A_60 = arith.constant 0 : i32
    %ne3A_61 = arith.cmpi ne, %rem3A, %ne3A_60 : i32
    %and3A = arith.andi %ne3A, %ne3A_61 : i1
    %sub3A = arith.constant 1 : i32
    %sub3A_62 = arith.subi %div3A, %sub3A : i32
    %select_n3A_63 = arith.select %and3A, %sub3A_62, %div3A : i32
    %while3A = arith.constant 0 : i32
    %while3A_64 = arith.constant 0 : i32
    %while3A_65 = arith.subi %select_n3A_63, %while3A : i32
    %while3A_66 = arith.addi %while3A, %while3A_65 : i32
    %while3A_67 = arith.constant 1 : i32
    %while3A_68 = arith.divsi %while3A_65, %while3A_67 : i32
    %while3A_69 = arith.muli %while3A_68, %while3A_67 : i32
    %while3A_70 = arith.addi %while3A, %while3A_69 : i32
    %while3A_71 = arith.constant 1 : i32
    %while3A_72 = scf.for %while3A_97 = %while3A to %while3A_70 step %while3A_71 iter_args(%while3A_98 = %while3A_64) -> (i32)  : i32 {
      %mul3A_99 = arith.constant 2 : i32
      %mul3A_100 = arith.muli %while3A_97, %mul3A_99 : i32
      %add3A_101 = arith.constant 2 : i32
      %add3A_102 = arith.addi %mul3A_100, %add3A_101 : i32
      %lt3A = arith.cmpi slt, %add3A_102, %select_n3A_10 : i32
      %add3A_103 = arith.constant 2 : i32
      %add3A_104 = arith.addi %mul3A_100, %add3A_103 : i32
      %jit3A_105 = arith.constant 0 : i32
      %select_n3A_106 = arith.select %lt3A, %add3A_104, %jit3A_105 : i32
      %add3A_107 = arith.constant 3 : i32
      %add3A_108 = arith.addi %mul3A_100, %add3A_107 : i32
      %lt3A_109 = arith.cmpi slt, %add3A_108, %select_n3A_10 : i32
      %add3A_110 = arith.constant 3 : i32
      %add3A_111 = arith.addi %mul3A_100, %add3A_110 : i32
      %jit3A_112 = arith.constant 1 : i32
      %select_n3A_113 = arith.select %lt3A_109, %add3A_111, %jit3A_112 : i32
      %add3A_114 = arith.addi %select_n3A, %mul3A_100 : i32
      %add3A_115 = arith.constant 1 : i32
      %add3A_116 = arith.addi %add3A_114, %add3A_115 : i32
      %dma_wait3A_117 = arith.constant 0 : i32
      %dma_wait3A_118 = tpu.memref_slice %arg3[%add3A_116, %dma_wait3A_117] : memref<2528x128xi32, #tpu.memory_space<hbm>> -> memref<1x128xi32, #tpu.memory_space<hbm>>
      %dma_wait3A_119 = tpu.memref_squeeze %dma_wait3A_118 : memref<1x128xi32, #tpu.memory_space<hbm>> -> memref<128xi32, #tpu.memory_space<hbm>>
      %dma_wait3A_120 = arith.constant 0 : i32
      %dma_wait3A_121 = tpu.memref_slice %arg3[%add3A_116, %dma_wait3A_120] : memref<2528x128xi32, #tpu.memory_space<hbm>> -> memref<1x128xi32, #tpu.memory_space<hbm>>
      %dma_wait3A_122 = tpu.memref_squeeze %dma_wait3A_121 : memref<1x128xi32, #tpu.memory_space<hbm>> -> memref<128xi32, #tpu.memory_space<hbm>>
      tpu.wait_dma2 semaphore(%arg20 : memref<!tpu.dma_semaphore, #tpu.memory_space<semaphore_mem>>) src(%dma_wait3A_122 : memref<128xi32, #tpu.memory_space<hbm>>) dst(%arg11 : memref<128xi32, #tpu.memory_space<vmem>>)
      %dma_start3A_123 = arith.constant 0 : i32
      %dma_start3A_124 = arith.constant 0 : i32
      %dma_start3A_125 = tpu.memref_slice %arg2[%dma_start3A_123, %dma_start3A_124] : memref<10000x128xf32, #tpu.memory_space<hbm>> -> memref<10000x128xf32, #tpu.memory_space<hbm>>
      tpu.enqueue_indirect_dma source(%dma_start3A_125 : memref<10000x128xf32, #tpu.memory_space<hbm>>) target(%arg15 : memref<128x128xf32, #tpu.memory_space<vmem>>) offsets(%arg11 : memref<128xi32, #tpu.memory_space<vmem>>) semaphore(%arg18 : memref<!tpu.dma_semaphore, #tpu.memory_space<semaphore_mem>>)
      %dma_wait3A_126 = arith.constant 0 : i32
      %dma_wait3A_127 = arith.constant 0 : i32
      %dma_wait3A_128 = tpu.memref_slice %arg2[%dma_wait3A_126, %dma_wait3A_127] : memref<10000x128xf32, #tpu.memory_space<hbm>> -> memref<10000x128xf32, #tpu.memory_space<hbm>>
      tpu.wait_indirect_dma semaphore(%arg17 : memref<!tpu.dma_semaphore, #tpu.memory_space<semaphore_mem>>) src(%dma_wait3A_128 : memref<10000x128xf32, #tpu.memory_space<hbm>>) dst(%arg14 : memref<128x128xf32, #tpu.memory_space<vmem>>)
      %add3A_129 = arith.addi %select_n3A, %select_n3A_106 : i32
      %dma_start3A_130 = arith.constant 0 : i32
      %dma_start3A_131 = tpu.memref_slice %arg3[%add3A_129, %dma_start3A_130] : memref<2528x128xi32, #tpu.memory_space<hbm>> -> memref<1x128xi32, #tpu.memory_space<hbm>>
      %dma_start3A_132 = tpu.memref_squeeze %dma_start3A_131 : memref<1x128xi32, #tpu.memory_space<hbm>> -> memref<128xi32, #tpu.memory_space<hbm>>
      %dma_start3A_133 = arith.constant 0 : i32
      %dma_start3A_134 = tpu.memref_slice %arg3[%add3A_129, %dma_start3A_133] : memref<2528x128xi32, #tpu.memory_space<hbm>> -> memref<1x128xi32, #tpu.memory_space<hbm>>
      %dma_start3A_135 = tpu.memref_squeeze %dma_start3A_134 : memref<1x128xi32, #tpu.memory_space<hbm>> -> memref<128xi32, #tpu.memory_space<hbm>>
      tpu.enqueue_dma source(%dma_start3A_135 : memref<128xi32, #tpu.memory_space<hbm>>) target(%arg10 : memref<128xi32, #tpu.memory_space<vmem>>) target_semaphore(%arg19 : memref<!tpu.dma_semaphore, #tpu.memory_space<semaphore_mem>>)
      %add3A_136 = arith.addi %select_n3A, %mul3A_100 : i32
      %dma_wait3A_137 = arith.constant 0 : i32
      %dma_wait3A_138 = tpu.memref_slice %arg4[%add3A_136, %dma_wait3A_137] : memref<2528x128xi32, #tpu.memory_space<hbm>> -> memref<1x128xi32, #tpu.memory_space<hbm>>
      %dma_wait3A_139 = tpu.memref_squeeze %dma_wait3A_138 : memref<1x128xi32, #tpu.memory_space<hbm>> -> memref<128xi32, #tpu.memory_space<hbm>>
      %dma_wait3A_140 = arith.constant 0 : i32
      %dma_wait3A_141 = tpu.memref_slice %arg4[%add3A_136, %dma_wait3A_140] : memref<2528x128xi32, #tpu.memory_space<hbm>> -> memref<1x128xi32, #tpu.memory_space<hbm>>
      %dma_wait3A_142 = tpu.memref_squeeze %dma_wait3A_141 : memref<1x128xi32, #tpu.memory_space<hbm>> -> memref<128xi32, #tpu.memory_space<hbm>>
      tpu.wait_dma2 semaphore(%arg21 : memref<!tpu.dma_semaphore, #tpu.memory_space<semaphore_mem>>) src(%dma_wait3A_142 : memref<128xi32, #tpu.memory_space<hbm>>) dst(%arg12 : memref<128xi32, #tpu.memory_space<vmem>>)
      "tpu.region"() ({
        %run_scoped3A = tpu.sem_alloc : memref<!tpu.dma_semaphore, #tpu.memory_space<semaphore_mem>>
        %dma_start3A_187 = arith.constant 0 : i32
        %dma_start3A_188 = arith.constant 0 : i32
        %dma_start3A_189 = tpu.memref_slice %arg16[%dma_start3A_187, %dma_start3A_188] : memref<10240x128xf32, #tpu.memory_space<vmem_shared>> -> memref<10240x128xf32, #tpu.memory_space<vmem_shared>>
        tpu.enqueue_indirect_dma source(%arg14 : memref<128x128xf32, #tpu.memory_space<vmem>>) target(%dma_start3A_189 : memref<10240x128xf32, #tpu.memory_space<vmem_shared>>) offsets(%arg12 : memref<128xi32, #tpu.memory_space<vmem>>) semaphore(%run_scoped3A : memref<!tpu.dma_semaphore, #tpu.memory_space<semaphore_mem>>) {add = true}
        %dma_wait3A_190 = arith.constant 0 : i32
        %dma_wait3A_191 = arith.constant 0 : i32
        %dma_wait3A_192 = tpu.memref_slice %arg16[%dma_wait3A_190, %dma_wait3A_191] : memref<10240x128xf32, #tpu.memory_space<vmem_shared>> -> memref<10240x128xf32, #tpu.memory_space<vmem_shared>>
        tpu.wait_indirect_dma semaphore(%run_scoped3A : memref<!tpu.dma_semaphore, #tpu.memory_space<semaphore_mem>>) src(%arg14 : memref<128x128xf32, #tpu.memory_space<vmem>>) dst(%dma_wait3A_192 : memref<10240x128xf32, #tpu.memory_space<vmem_shared>>)
        tpu.yield
      }) : () -> ()
      "tpu.region"() ({
        %run_scoped3A = tpu.sem_alloc : memref<!tpu.dma_semaphore, #tpu.memory_space<semaphore_mem>>
        %dma_start3A_187 = arith.constant 0 : i32
        %dma_start3A_188 = tpu.memref_slice %arg24[%dma_start3A_187] : memref<10240xf32, #tpu.memory_space<vmem_shared>> -> memref<10240xf32, #tpu.memory_space<vmem_shared>>
        tpu.enqueue_indirect_dma source(%arg23 : memref<128xf32, #tpu.memory_space<vmem>>) target(%dma_start3A_188 : memref<10240xf32, #tpu.memory_space<vmem_shared>>) offsets(%arg12 : memref<128xi32, #tpu.memory_space<vmem>>) semaphore(%run_scoped3A : memref<!tpu.dma_semaphore, #tpu.memory_space<semaphore_mem>>) {add = true}
        %dma_wait3A_189 = arith.constant 0 : i32
        %dma_wait3A_190 = tpu.memref_slice %arg24[%dma_wait3A_189] : memref<10240xf32, #tpu.memory_space<vmem_shared>> -> memref<10240xf32, #tpu.memory_space<vmem_shared>>
        tpu.wait_indirect_dma semaphore(%run_scoped3A : memref<!tpu.dma_semaphore, #tpu.memory_space<semaphore_mem>>) src(%arg23 : memref<128xf32, #tpu.memory_space<vmem>>) dst(%dma_wait3A_190 : memref<10240xf32, #tpu.memory_space<vmem_shared>>)
        tpu.yield
      }) : () -> ()
      %add3A_143 = arith.addi %select_n3A, %select_n3A_106 : i32
      %dma_start3A_144 = arith.constant 0 : i32
      %dma_start3A_145 = tpu.memref_slice %arg4[%add3A_143, %dma_start3A_144] : memref<2528x128xi32, #tpu.memory_space<hbm>> -> memref<1x128xi32, #tpu.memory_space<hbm>>
      %dma_start3A_146 = tpu.memref_squeeze %dma_start3A_145 : memref<1x128xi32, #tpu.memory_space<hbm>> -> memref<128xi32, #tpu.memory_space<hbm>>
      %dma_start3A_147 = arith.constant 0 : i32
      %dma_start3A_148 = tpu.memref_slice %arg4[%add3A_143, %dma_start3A_147] : memref<2528x128xi32, #tpu.memory_space<hbm>> -> memref<1x128xi32, #tpu.memory_space<hbm>>
      %dma_start3A_149 = tpu.memref_squeeze %dma_start3A_148 : memref<1x128xi32, #tpu.memory_space<hbm>> -> memref<128xi32, #tpu.memory_space<hbm>>
      tpu.enqueue_dma source(%dma_start3A_149 : memref<128xi32, #tpu.memory_space<hbm>>) target(%arg12 : memref<128xi32, #tpu.memory_space<vmem>>) target_semaphore(%arg21 : memref<!tpu.dma_semaphore, #tpu.memory_space<semaphore_mem>>)
      %add3A_150 = arith.addi %select_n3A, %select_n3A_106 : i32
      %dma_wait3A_151 = arith.constant 0 : i32
      %dma_wait3A_152 = tpu.memref_slice %arg3[%add3A_150, %dma_wait3A_151] : memref<2528x128xi32, #tpu.memory_space<hbm>> -> memref<1x128xi32, #tpu.memory_space<hbm>>
      %dma_wait3A_153 = tpu.memref_squeeze %dma_wait3A_152 : memref<1x128xi32, #tpu.memory_space<hbm>> -> memref<128xi32, #tpu.memory_space<hbm>>
      %dma_wait3A_154 = arith.constant 0 : i32
      %dma_wait3A_155 = tpu.memref_slice %arg3[%add3A_150, %dma_wait3A_154] : memref<2528x128xi32, #tpu.memory_space<hbm>> -> memref<1x128xi32, #tpu.memory_space<hbm>>
      %dma_wait3A_156 = tpu.memref_squeeze %dma_wait3A_155 : memref<1x128xi32, #tpu.memory_space<hbm>> -> memref<128xi32, #tpu.memory_space<hbm>>
      tpu.wait_dma2 semaphore(%arg19 : memref<!tpu.dma_semaphore, #tpu.memory_space<semaphore_mem>>) src(%dma_wait3A_156 : memref<128xi32, #tpu.memory_space<hbm>>) dst(%arg10 : memref<128xi32, #tpu.memory_space<vmem>>)
      %dma_start3A_157 = arith.constant 0 : i32
      %dma_start3A_158 = arith.constant 0 : i32
      %dma_start3A_159 = tpu.memref_slice %arg2[%dma_start3A_157, %dma_start3A_158] : memref<10000x128xf32, #tpu.memory_space<hbm>> -> memref<10000x128xf32, #tpu.memory_space<hbm>>
      tpu.enqueue_indirect_dma source(%dma_start3A_159 : memref<10000x128xf32, #tpu.memory_space<hbm>>) target(%arg14 : memref<128x128xf32, #tpu.memory_space<vmem>>) offsets(%arg10 : memref<128xi32, #tpu.memory_space<vmem>>) semaphore(%arg17 : memref<!tpu.dma_semaphore, #tpu.memory_space<semaphore_mem>>)
      %dma_wait3A_160 = arith.constant 0 : i32
      %dma_wait3A_161 = arith.constant 0 : i32
      %dma_wait3A_162 = tpu.memref_slice %arg2[%dma_wait3A_160, %dma_wait3A_161] : memref<10000x128xf32, #tpu.memory_space<hbm>> -> memref<10000x128xf32, #tpu.memory_space<hbm>>
      tpu.wait_indirect_dma semaphore(%arg18 : memref<!tpu.dma_semaphore, #tpu.memory_space<semaphore_mem>>) src(%dma_wait3A_162 : memref<10000x128xf32, #tpu.memory_space<hbm>>) dst(%arg15 : memref<128x128xf32, #tpu.memory_space<vmem>>)
      %add3A_163 = arith.addi %select_n3A, %select_n3A_113 : i32
      %dma_start3A_164 = arith.constant 0 : i32
      %dma_start3A_165 = tpu.memref_slice %arg3[%add3A_163, %dma_start3A_164] : memref<2528x128xi32, #tpu.memory_space<hbm>> -> memref<1x128xi32, #tpu.memory_space<hbm>>
      %dma_start3A_166 = tpu.memref_squeeze %dma_start3A_165 : memref<1x128xi32, #tpu.memory_space<hbm>> -> memref<128xi32, #tpu.memory_space<hbm>>
      %dma_start3A_167 = arith.constant 0 : i32
      %dma_start3A_168 = tpu.memref_slice %arg3[%add3A_163, %dma_start3A_167] : memref<2528x128xi32, #tpu.memory_space<hbm>> -> memref<1x128xi32, #tpu.memory_space<hbm>>
      %dma_start3A_169 = tpu.memref_squeeze %dma_start3A_168 : memref<1x128xi32, #tpu.memory_space<hbm>> -> memref<128xi32, #tpu.memory_space<hbm>>
      tpu.enqueue_dma source(%dma_start3A_169 : memref<128xi32, #tpu.memory_space<hbm>>) target(%arg11 : memref<128xi32, #tpu.memory_space<vmem>>) target_semaphore(%arg20 : memref<!tpu.dma_semaphore, #tpu.memory_space<semaphore_mem>>)
      %add3A_170 = arith.addi %select_n3A, %mul3A_100 : i32
      %add3A_171 = arith.constant 1 : i32
      %add3A_172 = arith.addi %add3A_170, %add3A_171 : i32
      %dma_wait3A_173 = arith.constant 0 : i32
      %dma_wait3A_174 = tpu.memref_slice %arg4[%add3A_172, %dma_wait3A_173] : memref<2528x128xi32, #tpu.memory_space<hbm>> -> memref<1x128xi32, #tpu.memory_space<hbm>>
      %dma_wait3A_175 = tpu.memref_squeeze %dma_wait3A_174 : memref<1x128xi32, #tpu.memory_space<hbm>> -> memref<128xi32, #tpu.memory_space<hbm>>
      %dma_wait3A_176 = arith.constant 0 : i32
      %dma_wait3A_177 = tpu.memref_slice %arg4[%add3A_172, %dma_wait3A_176] : memref<2528x128xi32, #tpu.memory_space<hbm>> -> memref<1x128xi32, #tpu.memory_space<hbm>>
      %dma_wait3A_178 = tpu.memref_squeeze %dma_wait3A_177 : memref<1x128xi32, #tpu.memory_space<hbm>> -> memref<128xi32, #tpu.memory_space<hbm>>
      tpu.wait_dma2 semaphore(%arg22 : memref<!tpu.dma_semaphore, #tpu.memory_space<semaphore_mem>>) src(%dma_wait3A_178 : memref<128xi32, #tpu.memory_space<hbm>>) dst(%arg13 : memref<128xi32, #tpu.memory_space<vmem>>)
      "tpu.region"() ({
        %run_scoped3A = tpu.sem_alloc : memref<!tpu.dma_semaphore, #tpu.memory_space<semaphore_mem>>
        %dma_start3A_187 = arith.constant 0 : i32
        %dma_start3A_188 = arith.constant 0 : i32
        %dma_start3A_189 = tpu.memref_slice %arg16[%dma_start3A_187, %dma_start3A_188] : memref<10240x128xf32, #tpu.memory_space<vmem_shared>> -> memref<10240x128xf32, #tpu.memory_space<vmem_shared>>
        tpu.enqueue_indirect_dma source(%arg15 : memref<128x128xf32, #tpu.memory_space<vmem>>) target(%dma_start3A_189 : memref<10240x128xf32, #tpu.memory_space<vmem_shared>>) offsets(%arg13 : memref<128xi32, #tpu.memory_space<vmem>>) semaphore(%run_scoped3A : memref<!tpu.dma_semaphore, #tpu.memory_space<semaphore_mem>>) {add = true}
        %dma_wait3A_190 = arith.constant 0 : i32
        %dma_wait3A_191 = arith.constant 0 : i32
        %dma_wait3A_192 = tpu.memref_slice %arg16[%dma_wait3A_190, %dma_wait3A_191] : memref<10240x128xf32, #tpu.memory_space<vmem_shared>> -> memref<10240x128xf32, #tpu.memory_space<vmem_shared>>
        tpu.wait_indirect_dma semaphore(%run_scoped3A : memref<!tpu.dma_semaphore, #tpu.memory_space<semaphore_mem>>) src(%arg15 : memref<128x128xf32, #tpu.memory_space<vmem>>) dst(%dma_wait3A_192 : memref<10240x128xf32, #tpu.memory_space<vmem_shared>>)
        tpu.yield
      }) : () -> ()
      "tpu.region"() ({
        %run_scoped3A = tpu.sem_alloc : memref<!tpu.dma_semaphore, #tpu.memory_space<semaphore_mem>>
        %dma_start3A_187 = arith.constant 0 : i32
        %dma_start3A_188 = tpu.memref_slice %arg24[%dma_start3A_187] : memref<10240xf32, #tpu.memory_space<vmem_shared>> -> memref<10240xf32, #tpu.memory_space<vmem_shared>>
        tpu.enqueue_indirect_dma source(%arg23 : memref<128xf32, #tpu.memory_space<vmem>>) target(%dma_start3A_188 : memref<10240xf32, #tpu.memory_space<vmem_shared>>) offsets(%arg13 : memref<128xi32, #tpu.memory_space<vmem>>) semaphore(%run_scoped3A : memref<!tpu.dma_semaphore, #tpu.memory_space<semaphore_mem>>) {add = true}
        %dma_wait3A_189 = arith.constant 0 : i32
        %dma_wait3A_190 = tpu.memref_slice %arg24[%dma_wait3A_189] : memref<10240xf32, #tpu.memory_space<vmem_shared>> -> memref<10240xf32, #tpu.memory_space<vmem_shared>>
        tpu.wait_indirect_dma semaphore(%run_scoped3A : memref<!tpu.dma_semaphore, #tpu.memory_space<semaphore_mem>>) src(%arg23 : memref<128xf32, #tpu.memory_space<vmem>>) dst(%dma_wait3A_190 : memref<10240xf32, #tpu.memory_space<vmem_shared>>)
        tpu.yield
      }) : () -> ()
      %add3A_179 = arith.addi %select_n3A, %select_n3A_113 : i32
      %dma_start3A_180 = arith.constant 0 : i32
      %dma_start3A_181 = tpu.memref_slice %arg4[%add3A_179, %dma_start3A_180] : memref<2528x128xi32, #tpu.memory_space<hbm>> -> memref<1x128xi32, #tpu.memory_space<hbm>>
      %dma_start3A_182 = tpu.memref_squeeze %dma_start3A_181 : memref<1x128xi32, #tpu.memory_space<hbm>> -> memref<128xi32, #tpu.memory_space<hbm>>
      %dma_start3A_183 = arith.constant 0 : i32
      %dma_start3A_184 = tpu.memref_slice %arg4[%add3A_179, %dma_start3A_183] : memref<2528x128xi32, #tpu.memory_space<hbm>> -> memref<1x128xi32, #tpu.memory_space<hbm>>
      %dma_start3A_185 = tpu.memref_squeeze %dma_start3A_184 : memref<1x128xi32, #tpu.memory_space<hbm>> -> memref<128xi32, #tpu.memory_space<hbm>>
      tpu.enqueue_dma source(%dma_start3A_185 : memref<128xi32, #tpu.memory_space<hbm>>) target(%arg13 : memref<128xi32, #tpu.memory_space<vmem>>) target_semaphore(%arg22 : memref<!tpu.dma_semaphore, #tpu.memory_space<semaphore_mem>>)
      %while3A_186 = arith.constant 0 : i32
      scf.yield %while3A_186 : i32
    }
    %while3A_73 = arith.constant 1 : i32
    %while3A_74 = scf.for %while3A_97 = %while3A_70 to %while3A_66 step %while3A_73 iter_args(%while3A_98 = %while3A_72) -> (i32)  : i32 {
      %mul3A_99 = arith.constant 2 : i32
      %mul3A_100 = arith.muli %while3A_97, %mul3A_99 : i32
      %add3A_101 = arith.constant 2 : i32
      %add3A_102 = arith.addi %mul3A_100, %add3A_101 : i32
      %lt3A = arith.cmpi slt, %add3A_102, %select_n3A_10 : i32
      %add3A_103 = arith.constant 2 : i32
      %add3A_104 = arith.addi %mul3A_100, %add3A_103 : i32
      %jit3A_105 = arith.constant 0 : i32
      %select_n3A_106 = arith.select %lt3A, %add3A_104, %jit3A_105 : i32
      %add3A_107 = arith.constant 3 : i32
      %add3A_108 = arith.addi %mul3A_100, %add3A_107 : i32
      %lt3A_109 = arith.cmpi slt, %add3A_108, %select_n3A_10 : i32
      %add3A_110 = arith.constant 3 : i32
      %add3A_111 = arith.addi %mul3A_100, %add3A_110 : i32
      %jit3A_112 = arith.constant 1 : i32
      %select_n3A_113 = arith.select %lt3A_109, %add3A_111, %jit3A_112 : i32
      %add3A_114 = arith.addi %select_n3A, %mul3A_100 : i32
      %add3A_115 = arith.constant 1 : i32
      %add3A_116 = arith.addi %add3A_114, %add3A_115 : i32
      %dma_wait3A_117 = arith.constant 0 : i32
      %dma_wait3A_118 = tpu.memref_slice %arg3[%add3A_116, %dma_wait3A_117] : memref<2528x128xi32, #tpu.memory_space<hbm>> -> memref<1x128xi32, #tpu.memory_space<hbm>>
      %dma_wait3A_119 = tpu.memref_squeeze %dma_wait3A_118 : memref<1x128xi32, #tpu.memory_space<hbm>> -> memref<128xi32, #tpu.memory_space<hbm>>
      %dma_wait3A_120 = arith.constant 0 : i32
      %dma_wait3A_121 = tpu.memref_slice %arg3[%add3A_116, %dma_wait3A_120] : memref<2528x128xi32, #tpu.memory_space<hbm>> -> memref<1x128xi32, #tpu.memory_space<hbm>>
      %dma_wait3A_122 = tpu.memref_squeeze %dma_wait3A_121 : memref<1x128xi32, #tpu.memory_space<hbm>> -> memref<128xi32, #tpu.memory_space<hbm>>
      tpu.wait_dma2 semaphore(%arg20 : memref<!tpu.dma_semaphore, #tpu.memory_space<semaphore_mem>>) src(%dma_wait3A_122 : memref<128xi32, #tpu.memory_space<hbm>>) dst(%arg11 : memref<128xi32, #tpu.memory_space<vmem>>)
      %dma_start3A_123 = arith.constant 0 : i32
      %dma_start3A_124 = arith.constant 0 : i32
      %dma_start3A_125 = tpu.memref_slice %arg2[%dma_start3A_123, %dma_start3A_124] : memref<10000x128xf32, #tpu.memory_space<hbm>> -> memref<10000x128xf32, #tpu.memory_space<hbm>>
      tpu.enqueue_indirect_dma source(%dma_start3A_125 : memref<10000x128xf32, #tpu.memory_space<hbm>>) target(%arg15 : memref<128x128xf32, #tpu.memory_space<vmem>>) offsets(%arg11 : memref<128xi32, #tpu.memory_space<vmem>>) semaphore(%arg18 : memref<!tpu.dma_semaphore, #tpu.memory_space<semaphore_mem>>)
      %dma_wait3A_126 = arith.constant 0 : i32
      %dma_wait3A_127 = arith.constant 0 : i32
      %dma_wait3A_128 = tpu.memref_slice %arg2[%dma_wait3A_126, %dma_wait3A_127] : memref<10000x128xf32, #tpu.memory_space<hbm>> -> memref<10000x128xf32, #tpu.memory_space<hbm>>
      tpu.wait_indirect_dma semaphore(%arg17 : memref<!tpu.dma_semaphore, #tpu.memory_space<semaphore_mem>>) src(%dma_wait3A_128 : memref<10000x128xf32, #tpu.memory_space<hbm>>) dst(%arg14 : memref<128x128xf32, #tpu.memory_space<vmem>>)
      %add3A_129 = arith.addi %select_n3A, %select_n3A_106 : i32
      %dma_start3A_130 = arith.constant 0 : i32
      %dma_start3A_131 = tpu.memref_slice %arg3[%add3A_129, %dma_start3A_130] : memref<2528x128xi32, #tpu.memory_space<hbm>> -> memref<1x128xi32, #tpu.memory_space<hbm>>
      %dma_start3A_132 = tpu.memref_squeeze %dma_start3A_131 : memref<1x128xi32, #tpu.memory_space<hbm>> -> memref<128xi32, #tpu.memory_space<hbm>>
      %dma_start3A_133 = arith.constant 0 : i32
      %dma_start3A_134 = tpu.memref_slice %arg3[%add3A_129, %dma_start3A_133] : memref<2528x128xi32, #tpu.memory_space<hbm>> -> memref<1x128xi32, #tpu.memory_space<hbm>>
      %dma_start3A_135 = tpu.memref_squeeze %dma_start3A_134 : memref<1x128xi32, #tpu.memory_space<hbm>> -> memref<128xi32, #tpu.memory_space<hbm>>
      tpu.enqueue_dma source(%dma_start3A_135 : memref<128xi32, #tpu.memory_space<hbm>>) target(%arg10 : memref<128xi32, #tpu.memory_space<vmem>>) target_semaphore(%arg19 : memref<!tpu.dma_semaphore, #tpu.memory_space<semaphore_mem>>)
      %add3A_136 = arith.addi %select_n3A, %mul3A_100 : i32
      %dma_wait3A_137 = arith.constant 0 : i32
      %dma_wait3A_138 = tpu.memref_slice %arg4[%add3A_136, %dma_wait3A_137] : memref<2528x128xi32, #tpu.memory_space<hbm>> -> memref<1x128xi32, #tpu.memory_space<hbm>>
      %dma_wait3A_139 = tpu.memref_squeeze %dma_wait3A_138 : memref<1x128xi32, #tpu.memory_space<hbm>> -> memref<128xi32, #tpu.memory_space<hbm>>
      %dma_wait3A_140 = arith.constant 0 : i32
      %dma_wait3A_141 = tpu.memref_slice %arg4[%add3A_136, %dma_wait3A_140] : memref<2528x128xi32, #tpu.memory_space<hbm>> -> memref<1x128xi32, #tpu.memory_space<hbm>>
      %dma_wait3A_142 = tpu.memref_squeeze %dma_wait3A_141 : memref<1x128xi32, #tpu.memory_space<hbm>> -> memref<128xi32, #tpu.memory_space<hbm>>
      tpu.wait_dma2 semaphore(%arg21 : memref<!tpu.dma_semaphore, #tpu.memory_space<semaphore_mem>>) src(%dma_wait3A_142 : memref<128xi32, #tpu.memory_space<hbm>>) dst(%arg12 : memref<128xi32, #tpu.memory_space<vmem>>)
      "tpu.region"() ({
        %run_scoped3A = tpu.sem_alloc : memref<!tpu.dma_semaphore, #tpu.memory_space<semaphore_mem>>
        %dma_start3A_187 = arith.constant 0 : i32
        %dma_start3A_188 = arith.constant 0 : i32
        %dma_start3A_189 = tpu.memref_slice %arg16[%dma_start3A_187, %dma_start3A_188] : memref<10240x128xf32, #tpu.memory_space<vmem_shared>> -> memref<10240x128xf32, #tpu.memory_space<vmem_shared>>
        tpu.enqueue_indirect_dma source(%arg14 : memref<128x128xf32, #tpu.memory_space<vmem>>) target(%dma_start3A_189 : memref<10240x128xf32, #tpu.memory_space<vmem_shared>>) offsets(%arg12 : memref<128xi32, #tpu.memory_space<vmem>>) semaphore(%run_scoped3A : memref<!tpu.dma_semaphore, #tpu.memory_space<semaphore_mem>>) {add = true}
        %dma_wait3A_190 = arith.constant 0 : i32
        %dma_wait3A_191 = arith.constant 0 : i32
        %dma_wait3A_192 = tpu.memref_slice %arg16[%dma_wait3A_190, %dma_wait3A_191] : memref<10240x128xf32, #tpu.memory_space<vmem_shared>> -> memref<10240x128xf32, #tpu.memory_space<vmem_shared>>
        tpu.wait_indirect_dma semaphore(%run_scoped3A : memref<!tpu.dma_semaphore, #tpu.memory_space<semaphore_mem>>) src(%arg14 : memref<128x128xf32, #tpu.memory_space<vmem>>) dst(%dma_wait3A_192 : memref<10240x128xf32, #tpu.memory_space<vmem_shared>>)
        tpu.yield
      }) : () -> ()
      "tpu.region"() ({
        %run_scoped3A = tpu.sem_alloc : memref<!tpu.dma_semaphore, #tpu.memory_space<semaphore_mem>>
        %dma_start3A_187 = arith.constant 0 : i32
        %dma_start3A_188 = tpu.memref_slice %arg24[%dma_start3A_187] : memref<10240xf32, #tpu.memory_space<vmem_shared>> -> memref<10240xf32, #tpu.memory_space<vmem_shared>>
        tpu.enqueue_indirect_dma source(%arg23 : memref<128xf32, #tpu.memory_space<vmem>>) target(%dma_start3A_188 : memref<10240xf32, #tpu.memory_space<vmem_shared>>) offsets(%arg12 : memref<128xi32, #tpu.memory_space<vmem>>) semaphore(%run_scoped3A : memref<!tpu.dma_semaphore, #tpu.memory_space<semaphore_mem>>) {add = true}
        %dma_wait3A_189 = arith.constant 0 : i32
        %dma_wait3A_190 = tpu.memref_slice %arg24[%dma_wait3A_189] : memref<10240xf32, #tpu.memory_space<vmem_shared>> -> memref<10240xf32, #tpu.memory_space<vmem_shared>>
        tpu.wait_indirect_dma semaphore(%run_scoped3A : memref<!tpu.dma_semaphore, #tpu.memory_space<semaphore_mem>>) src(%arg23 : memref<128xf32, #tpu.memory_space<vmem>>) dst(%dma_wait3A_190 : memref<10240xf32, #tpu.memory_space<vmem_shared>>)
        tpu.yield
      }) : () -> ()
      %add3A_143 = arith.addi %select_n3A, %select_n3A_106 : i32
      %dma_start3A_144 = arith.constant 0 : i32
      %dma_start3A_145 = tpu.memref_slice %arg4[%add3A_143, %dma_start3A_144] : memref<2528x128xi32, #tpu.memory_space<hbm>> -> memref<1x128xi32, #tpu.memory_space<hbm>>
      %dma_start3A_146 = tpu.memref_squeeze %dma_start3A_145 : memref<1x128xi32, #tpu.memory_space<hbm>> -> memref<128xi32, #tpu.memory_space<hbm>>
      %dma_start3A_147 = arith.constant 0 : i32
      %dma_start3A_148 = tpu.memref_slice %arg4[%add3A_143, %dma_start3A_147] : memref<2528x128xi32, #tpu.memory_space<hbm>> -> memref<1x128xi32, #tpu.memory_space<hbm>>
      %dma_start3A_149 = tpu.memref_squeeze %dma_start3A_148 : memref<1x128xi32, #tpu.memory_space<hbm>> -> memref<128xi32, #tpu.memory_space<hbm>>
      tpu.enqueue_dma source(%dma_start3A_149 : memref<128xi32, #tpu.memory_space<hbm>>) target(%arg12 : memref<128xi32, #tpu.memory_space<vmem>>) target_semaphore(%arg21 : memref<!tpu.dma_semaphore, #tpu.memory_space<semaphore_mem>>)
      %add3A_150 = arith.addi %select_n3A, %select_n3A_106 : i32
      %dma_wait3A_151 = arith.constant 0 : i32
      %dma_wait3A_152 = tpu.memref_slice %arg3[%add3A_150, %dma_wait3A_151] : memref<2528x128xi32, #tpu.memory_space<hbm>> -> memref<1x128xi32, #tpu.memory_space<hbm>>
      %dma_wait3A_153 = tpu.memref_squeeze %dma_wait3A_152 : memref<1x128xi32, #tpu.memory_space<hbm>> -> memref<128xi32, #tpu.memory_space<hbm>>
      %dma_wait3A_154 = arith.constant 0 : i32
      %dma_wait3A_155 = tpu.memref_slice %arg3[%add3A_150, %dma_wait3A_154] : memref<2528x128xi32, #tpu.memory_space<hbm>> -> memref<1x128xi32, #tpu.memory_space<hbm>>
      %dma_wait3A_156 = tpu.memref_squeeze %dma_wait3A_155 : memref<1x128xi32, #tpu.memory_space<hbm>> -> memref<128xi32, #tpu.memory_space<hbm>>
      tpu.wait_dma2 semaphore(%arg19 : memref<!tpu.dma_semaphore, #tpu.memory_space<semaphore_mem>>) src(%dma_wait3A_156 : memref<128xi32, #tpu.memory_space<hbm>>) dst(%arg10 : memref<128xi32, #tpu.memory_space<vmem>>)
      %dma_start3A_157 = arith.constant 0 : i32
      %dma_start3A_158 = arith.constant 0 : i32
      %dma_start3A_159 = tpu.memref_slice %arg2[%dma_start3A_157, %dma_start3A_158] : memref<10000x128xf32, #tpu.memory_space<hbm>> -> memref<10000x128xf32, #tpu.memory_space<hbm>>
      tpu.enqueue_indirect_dma source(%dma_start3A_159 : memref<10000x128xf32, #tpu.memory_space<hbm>>) target(%arg14 : memref<128x128xf32, #tpu.memory_space<vmem>>) offsets(%arg10 : memref<128xi32, #tpu.memory_space<vmem>>) semaphore(%arg17 : memref<!tpu.dma_semaphore, #tpu.memory_space<semaphore_mem>>)
      %dma_wait3A_160 = arith.constant 0 : i32
      %dma_wait3A_161 = arith.constant 0 : i32
      %dma_wait3A_162 = tpu.memref_slice %arg2[%dma_wait3A_160, %dma_wait3A_161] : memref<10000x128xf32, #tpu.memory_space<hbm>> -> memref<10000x128xf32, #tpu.memory_space<hbm>>
      tpu.wait_indirect_dma semaphore(%arg18 : memref<!tpu.dma_semaphore, #tpu.memory_space<semaphore_mem>>) src(%dma_wait3A_162 : memref<10000x128xf32, #tpu.memory_space<hbm>>) dst(%arg15 : memref<128x128xf32, #tpu.memory_space<vmem>>)
      %add3A_163 = arith.addi %select_n3A, %select_n3A_113 : i32
      %dma_start3A_164 = arith.constant 0 : i32
      %dma_start3A_165 = tpu.memref_slice %arg3[%add3A_163, %dma_start3A_164] : memref<2528x128xi32, #tpu.memory_space<hbm>> -> memref<1x128xi32, #tpu.memory_space<hbm>>
      %dma_start3A_166 = tpu.memref_squeeze %dma_start3A_165 : memref<1x128xi32, #tpu.memory_space<hbm>> -> memref<128xi32, #tpu.memory_space<hbm>>
      %dma_start3A_167 = arith.constant 0 : i32
      %dma_start3A_168 = tpu.memref_slice %arg3[%add3A_163, %dma_start3A_167] : memref<2528x128xi32, #tpu.memory_space<hbm>> -> memref<1x128xi32, #tpu.memory_space<hbm>>
      %dma_start3A_169 = tpu.memref_squeeze %dma_start3A_168 : memref<1x128xi32, #tpu.memory_space<hbm>> -> memref<128xi32, #tpu.memory_space<hbm>>
      tpu.enqueue_dma source(%dma_start3A_169 : memref<128xi32, #tpu.memory_space<hbm>>) target(%arg11 : memref<128xi32, #tpu.memory_space<vmem>>) target_semaphore(%arg20 : memref<!tpu.dma_semaphore, #tpu.memory_space<semaphore_mem>>)
      %add3A_170 = arith.addi %select_n3A, %mul3A_100 : i32
      %add3A_171 = arith.constant 1 : i32
      %add3A_172 = arith.addi %add3A_170, %add3A_171 : i32
      %dma_wait3A_173 = arith.constant 0 : i32
      %dma_wait3A_174 = tpu.memref_slice %arg4[%add3A_172, %dma_wait3A_173] : memref<2528x128xi32, #tpu.memory_space<hbm>> -> memref<1x128xi32, #tpu.memory_space<hbm>>
      %dma_wait3A_175 = tpu.memref_squeeze %dma_wait3A_174 : memref<1x128xi32, #tpu.memory_space<hbm>> -> memref<128xi32, #tpu.memory_space<hbm>>
      %dma_wait3A_176 = arith.constant 0 : i32
      %dma_wait3A_177 = tpu.memref_slice %arg4[%add3A_172, %dma_wait3A_176] : memref<2528x128xi32, #tpu.memory_space<hbm>> -> memref<1x128xi32, #tpu.memory_space<hbm>>
      %dma_wait3A_178 = tpu.memref_squeeze %dma_wait3A_177 : memref<1x128xi32, #tpu.memory_space<hbm>> -> memref<128xi32, #tpu.memory_space<hbm>>
      tpu.wait_dma2 semaphore(%arg22 : memref<!tpu.dma_semaphore, #tpu.memory_space<semaphore_mem>>) src(%dma_wait3A_178 : memref<128xi32, #tpu.memory_space<hbm>>) dst(%arg13 : memref<128xi32, #tpu.memory_space<vmem>>)
      "tpu.region"() ({
        %run_scoped3A = tpu.sem_alloc : memref<!tpu.dma_semaphore, #tpu.memory_space<semaphore_mem>>
        %dma_start3A_187 = arith.constant 0 : i32
        %dma_start3A_188 = arith.constant 0 : i32
        %dma_start3A_189 = tpu.memref_slice %arg16[%dma_start3A_187, %dma_start3A_188] : memref<10240x128xf32, #tpu.memory_space<vmem_shared>> -> memref<10240x128xf32, #tpu.memory_space<vmem_shared>>
        tpu.enqueue_indirect_dma source(%arg15 : memref<128x128xf32, #tpu.memory_space<vmem>>) target(%dma_start3A_189 : memref<10240x128xf32, #tpu.memory_space<vmem_shared>>) offsets(%arg13 : memref<128xi32, #tpu.memory_space<vmem>>) semaphore(%run_scoped3A : memref<!tpu.dma_semaphore, #tpu.memory_space<semaphore_mem>>) {add = true}
        %dma_wait3A_190 = arith.constant 0 : i32
        %dma_wait3A_191 = arith.constant 0 : i32
        %dma_wait3A_192 = tpu.memref_slice %arg16[%dma_wait3A_190, %dma_wait3A_191] : memref<10240x128xf32, #tpu.memory_space<vmem_shared>> -> memref<10240x128xf32, #tpu.memory_space<vmem_shared>>
        tpu.wait_indirect_dma semaphore(%run_scoped3A : memref<!tpu.dma_semaphore, #tpu.memory_space<semaphore_mem>>) src(%arg15 : memref<128x128xf32, #tpu.memory_space<vmem>>) dst(%dma_wait3A_192 : memref<10240x128xf32, #tpu.memory_space<vmem_shared>>)
        tpu.yield
      }) : () -> ()
      "tpu.region"() ({
        %run_scoped3A = tpu.sem_alloc : memref<!tpu.dma_semaphore, #tpu.memory_space<semaphore_mem>>
        %dma_start3A_187 = arith.constant 0 : i32
        %dma_start3A_188 = tpu.memref_slice %arg24[%dma_start3A_187] : memref<10240xf32, #tpu.memory_space<vmem_shared>> -> memref<10240xf32, #tpu.memory_space<vmem_shared>>
        tpu.enqueue_indirect_dma source(%arg23 : memref<128xf32, #tpu.memory_space<vmem>>) target(%dma_start3A_188 : memref<10240xf32, #tpu.memory_space<vmem_shared>>) offsets(%arg13 : memref<128xi32, #tpu.memory_space<vmem>>) semaphore(%run_scoped3A : memref<!tpu.dma_semaphore, #tpu.memory_space<semaphore_mem>>) {add = true}
        %dma_wait3A_189 = arith.constant 0 : i32
        %dma_wait3A_190 = tpu.memref_slice %arg24[%dma_wait3A_189] : memref<10240xf32, #tpu.memory_space<vmem_shared>> -> memref<10240xf32, #tpu.memory_space<vmem_shared>>
        tpu.wait_indirect_dma semaphore(%run_scoped3A : memref<!tpu.dma_semaphore, #tpu.memory_space<semaphore_mem>>) src(%arg23 : memref<128xf32, #tpu.memory_space<vmem>>) dst(%dma_wait3A_190 : memref<10240xf32, #tpu.memory_space<vmem_shared>>)
        tpu.yield
      }) : () -> ()
      %add3A_179 = arith.addi %select_n3A, %select_n3A_113 : i32
      %dma_start3A_180 = arith.constant 0 : i32
      %dma_start3A_181 = tpu.memref_slice %arg4[%add3A_179, %dma_start3A_180] : memref<2528x128xi32, #tpu.memory_space<hbm>> -> memref<1x128xi32, #tpu.memory_space<hbm>>
      %dma_start3A_182 = tpu.memref_squeeze %dma_start3A_181 : memref<1x128xi32, #tpu.memory_space<hbm>> -> memref<128xi32, #tpu.memory_space<hbm>>
      %dma_start3A_183 = arith.constant 0 : i32
      %dma_start3A_184 = tpu.memref_slice %arg4[%add3A_179, %dma_start3A_183] : memref<2528x128xi32, #tpu.memory_space<hbm>> -> memref<1x128xi32, #tpu.memory_space<hbm>>
      %dma_start3A_185 = tpu.memref_squeeze %dma_start3A_184 : memref<1x128xi32, #tpu.memory_space<hbm>> -> memref<128xi32, #tpu.memory_space<hbm>>
      tpu.enqueue_dma source(%dma_start3A_185 : memref<128xi32, #tpu.memory_space<hbm>>) target(%arg13 : memref<128xi32, #tpu.memory_space<vmem>>) target_semaphore(%arg22 : memref<!tpu.dma_semaphore, #tpu.memory_space<semaphore_mem>>)
      %while3A_186 = arith.constant 0 : i32
      scf.yield %while3A_186 : i32
    }
    %dma_wait3A_75 = arith.constant 0 : i32
    %dma_wait3A_76 = arith.constant 0 : i32
    %dma_wait3A_77 = tpu.memref_slice %arg2[%dma_wait3A_75, %dma_wait3A_76] : memref<10000x128xf32, #tpu.memory_space<hbm>> -> memref<10000x128xf32, #tpu.memory_space<hbm>>
    tpu.wait_indirect_dma semaphore(%arg17 : memref<!tpu.dma_semaphore, #tpu.memory_space<semaphore_mem>>) src(%dma_wait3A_77 : memref<10000x128xf32, #tpu.memory_space<hbm>>) dst(%arg14 : memref<128x128xf32, #tpu.memory_space<vmem>>)
    %dma_wait3A_78 = arith.constant 0 : i32
    %dma_wait3A_79 = tpu.memref_slice %arg3[%select_n3A, %dma_wait3A_78] : memref<2528x128xi32, #tpu.memory_space<hbm>> -> memref<1x128xi32, #tpu.memory_space<hbm>>
    %dma_wait3A_80 = tpu.memref_squeeze %dma_wait3A_79 : memref<1x128xi32, #tpu.memory_space<hbm>> -> memref<128xi32, #tpu.memory_space<hbm>>
    %dma_wait3A_81 = arith.constant 0 : i32
    %dma_wait3A_82 = tpu.memref_slice %arg3[%select_n3A, %dma_wait3A_81] : memref<2528x128xi32, #tpu.memory_space<hbm>> -> memref<1x128xi32, #tpu.memory_space<hbm>>
    %dma_wait3A_83 = tpu.memref_squeeze %dma_wait3A_82 : memref<1x128xi32, #tpu.memory_space<hbm>> -> memref<128xi32, #tpu.memory_space<hbm>>
    tpu.wait_dma2 semaphore(%arg20 : memref<!tpu.dma_semaphore, #tpu.memory_space<semaphore_mem>>) src(%dma_wait3A_83 : memref<128xi32, #tpu.memory_space<hbm>>) dst(%arg11 : memref<128xi32, #tpu.memory_space<vmem>>)
    %dma_wait3A_84 = arith.constant 0 : i32
    %dma_wait3A_85 = tpu.memref_slice %arg4[%select_n3A, %dma_wait3A_84] : memref<2528x128xi32, #tpu.memory_space<hbm>> -> memref<1x128xi32, #tpu.memory_space<hbm>>
    %dma_wait3A_86 = tpu.memref_squeeze %dma_wait3A_85 : memref<1x128xi32, #tpu.memory_space<hbm>> -> memref<128xi32, #tpu.memory_space<hbm>>
    %dma_wait3A_87 = arith.constant 0 : i32
    %dma_wait3A_88 = tpu.memref_slice %arg4[%select_n3A, %dma_wait3A_87] : memref<2528x128xi32, #tpu.memory_space<hbm>> -> memref<1x128xi32, #tpu.memory_space<hbm>>
    %dma_wait3A_89 = tpu.memref_squeeze %dma_wait3A_88 : memref<1x128xi32, #tpu.memory_space<hbm>> -> memref<128xi32, #tpu.memory_space<hbm>>
    tpu.wait_dma2 semaphore(%arg21 : memref<!tpu.dma_semaphore, #tpu.memory_space<semaphore_mem>>) src(%dma_wait3A_89 : memref<128xi32, #tpu.memory_space<hbm>>) dst(%arg12 : memref<128xi32, #tpu.memory_space<vmem>>)
    %dma_wait3A_90 = arith.constant 0 : i32
    %dma_wait3A_91 = tpu.memref_slice %arg4[%select_n3A, %dma_wait3A_90] : memref<2528x128xi32, #tpu.memory_space<hbm>> -> memref<1x128xi32, #tpu.memory_space<hbm>>
    %dma_wait3A_92 = tpu.memref_squeeze %dma_wait3A_91 : memref<1x128xi32, #tpu.memory_space<hbm>> -> memref<128xi32, #tpu.memory_space<hbm>>
    %dma_wait3A_93 = arith.constant 0 : i32
    %dma_wait3A_94 = tpu.memref_slice %arg4[%select_n3A, %dma_wait3A_93] : memref<2528x128xi32, #tpu.memory_space<hbm>> -> memref<1x128xi32, #tpu.memory_space<hbm>>
    %dma_wait3A_95 = tpu.memref_squeeze %dma_wait3A_94 : memref<1x128xi32, #tpu.memory_space<hbm>> -> memref<128xi32, #tpu.memory_space<hbm>>
    tpu.wait_dma2 semaphore(%arg22 : memref<!tpu.dma_semaphore, #tpu.memory_space<semaphore_mem>>) src(%dma_wait3A_95 : memref<128xi32, #tpu.memory_space<hbm>>) dst(%arg13 : memref<128xi32, #tpu.memory_space<vmem>>)
    %barrier3A_96 = arith.constant 0 : index
    tpu.barrier barrier_id(%barrier3A_96)
    "tpu.region"() ({
      %run_scoped3A = tpu.sem_alloc : memref<!tpu.dma_semaphore, #tpu.memory_space<semaphore_mem>>
      %dma_start3A_97 = arith.constant 0 : i32
      %dma_start3A_98 = tpu.memref_slice %arg8[%arg0, %mul3A_0, %dma_start3A_97] : memref<2x10240x128xf32, #tpu.memory_space<hbm>> -> memref<1x640x128xf32, #tpu.memory_space<hbm>>
      %dma_start3A_99 = tpu.memref_squeeze %dma_start3A_98 : memref<1x640x128xf32, #tpu.memory_space<hbm>> -> memref<640x128xf32, #tpu.memory_space<hbm>>
      %dma_start3A_100 = arith.constant 0 : i32
      %dma_start3A_101 = tpu.memref_slice %arg16[%mul3A_0, %dma_start3A_100] : memref<10240x128xf32, #tpu.memory_space<vmem_shared>> -> memref<640x128xf32, #tpu.memory_space<vmem_shared>>
      tpu.enqueue_dma source(%dma_start3A_101 : memref<640x128xf32, #tpu.memory_space<vmem_shared>>) target(%dma_start3A_99 : memref<640x128xf32, #tpu.memory_space<hbm>>) target_semaphore(%run_scoped3A : memref<!tpu.dma_semaphore, #tpu.memory_space<semaphore_mem>>)
      %dma_wait3A_102 = arith.constant 0 : i32
      %dma_wait3A_103 = tpu.memref_slice %arg8[%arg0, %mul3A_0, %dma_wait3A_102] : memref<2x10240x128xf32, #tpu.memory_space<hbm>> -> memref<1x640x128xf32, #tpu.memory_space<hbm>>
      %dma_wait3A_104 = tpu.memref_squeeze %dma_wait3A_103 : memref<1x640x128xf32, #tpu.memory_space<hbm>> -> memref<640x128xf32, #tpu.memory_space<hbm>>
      %dma_wait3A_105 = arith.constant 0 : i32
      %dma_wait3A_106 = tpu.memref_slice %arg16[%mul3A_0, %dma_wait3A_105] : memref<10240x128xf32, #tpu.memory_space<vmem_shared>> -> memref<640x128xf32, #tpu.memory_space<vmem_shared>>
      tpu.wait_dma2 semaphore(%run_scoped3A : memref<!tpu.dma_semaphore, #tpu.memory_space<semaphore_mem>>) src(%dma_wait3A_106 : memref<640x128xf32, #tpu.memory_space<vmem_shared>>) dst(%dma_wait3A_104 : memref<640x128xf32, #tpu.memory_space<hbm>>)
      tpu.yield
    }) : () -> ()
    "tpu.region"() ({
      %run_scoped3A = tpu.sem_alloc : memref<!tpu.dma_semaphore, #tpu.memory_space<semaphore_mem>>
      %dma_start3A_97 = tpu.memref_slice %arg9[%arg0, %mul3A_0] : memref<2x10240xf32, #tpu.memory_space<hbm>> -> memref<1x640xf32, #tpu.memory_space<hbm>>
      %dma_start3A_98 = tpu.memref_squeeze %dma_start3A_97 : memref<1x640xf32, #tpu.memory_space<hbm>> -> memref<640xf32, #tpu.memory_space<hbm>>
      %dma_start3A_99 = tpu.memref_slice %arg24[%mul3A_0] : memref<10240xf32, #tpu.memory_space<vmem_shared>> -> memref<640xf32, #tpu.memory_space<vmem_shared>>
      tpu.enqueue_dma source(%dma_start3A_99 : memref<640xf32, #tpu.memory_space<vmem_shared>>) target(%dma_start3A_98 : memref<640xf32, #tpu.memory_space<hbm>>) target_semaphore(%run_scoped3A : memref<!tpu.dma_semaphore, #tpu.memory_space<semaphore_mem>>)
      %dma_wait3A_100 = tpu.memref_slice %arg9[%arg0, %mul3A_0] : memref<2x10240xf32, #tpu.memory_space<hbm>> -> memref<1x640xf32, #tpu.memory_space<hbm>>
      %dma_wait3A_101 = tpu.memref_squeeze %dma_wait3A_100 : memref<1x640xf32, #tpu.memory_space<hbm>> -> memref<640xf32, #tpu.memory_space<hbm>>
      %dma_wait3A_102 = tpu.memref_slice %arg24[%mul3A_0] : memref<10240xf32, #tpu.memory_space<vmem_shared>> -> memref<640xf32, #tpu.memory_space<vmem_shared>>
      tpu.wait_dma2 semaphore(%run_scoped3A : memref<!tpu.dma_semaphore, #tpu.memory_space<semaphore_mem>>) src(%dma_wait3A_102 : memref<640xf32, #tpu.memory_space<vmem_shared>>) dst(%dma_wait3A_101 : memref<640xf32, #tpu.memory_space<hbm>>)
      tpu.yield
    }) : () -> ()
    return
  }
}

#map = affine_map<(d0, d1) -> (0, 0)>
#map1 = affine_map<(d0, d1) -> (0)>
#map2 = affine_map<(d0, d1) -> (0, 0, 0)>
module attributes {stable_mosaic.version = 14 : i64} {
  func.func @body(%arg0: i32, %arg1: i32, %arg2: memref<10000x128xf32, #tpu.memory_space<hbm>>, %arg3: memref<2528x128xi32, #tpu.memory_space<hbm>>, %arg4: memref<2528x128xi32, #tpu.memory_space<hbm>>, %arg5: memref<640x128xf32, #tpu.memory_space<hbm>>, %arg6: memref<640xf32, #tpu.memory_space<hbm>>, %arg7: memref<128xf32, #tpu.memory_space<hbm>>, %arg8: memref<2x10240x128xf32, #tpu.memory_space<hbm>>, %arg9: memref<128xi32, #tpu.memory_space<vmem>>, %arg10: memref<128xi32, #tpu.memory_space<vmem>>, %arg11: memref<128xi32, #tpu.memory_space<vmem>>, %arg12: memref<128xi32, #tpu.memory_space<vmem>>, %arg13: memref<128x128xf32, #tpu.memory_space<vmem>>, %arg14: memref<128x128xf32, #tpu.memory_space<vmem>>, %arg15: memref<10240x128xf32, #tpu.memory_space<vmem_shared>>, %arg16: memref<!tpu.dma_semaphore, #tpu.memory_space<semaphore_mem>>, %arg17: memref<!tpu.dma_semaphore, #tpu.memory_space<semaphore_mem>>, %arg18: memref<!tpu.dma_semaphore, #tpu.memory_space<semaphore_mem>>, %arg19: memref<!tpu.dma_semaphore, #tpu.memory_space<semaphore_mem>>, %arg20: memref<!tpu.dma_semaphore, #tpu.memory_space<semaphore_mem>>, %arg21: memref<!tpu.dma_semaphore, #tpu.memory_space<semaphore_mem>>) attributes {dimension_semantics = [#tpu.dimension_semantics<core_parallel>, #tpu.dimension_semantics<subcore_parallel>], iteration_bounds = array<i64: 2, 16>, scalar_prefetch = 0 : i64, scratch_operands = 13 : i64, tpu.core_type = #tpu.core_type<sc_vector_subcore>, window_params = [{transform_indices = #map}, {transform_indices = #map}, {transform_indices = #map}, {transform_indices = #map}, {transform_indices = #map1}, {transform_indices = #map1}, {transform_indices = #map2}]} {
    %mul3A = arith.constant 640 : i32
    %mul3A_0 = arith.muli %arg1, %mul3A : i32
    %eq3A = arith.constant 0 : i32
    %eq3A_1 = arith.cmpi eq, %arg0, %eq3A : i32
    %mul3A_2 = arith.constant 78 : i32
    %mul3A_3 = arith.muli %arg1, %mul3A_2 : i32
    %mul3A_4 = arith.constant 80 : i32
    %mul3A_5 = arith.muli %arg1, %mul3A_4 : i32
    %add3A = arith.constant 1248 : i32
    %add3A_6 = arith.addi %add3A, %mul3A_5 : i32
    %select_n3A = arith.select %eq3A_1, %mul3A_3, %add3A_6 : i32
    %eq3A_7 = arith.constant 0 : i32
    %eq3A_8 = arith.cmpi eq, %arg0, %eq3A_7 : i32
    %jit3A = arith.constant 78 : i32
    %jit3A_9 = arith.constant 80 : i32
    %select_n3A_10 = arith.select %eq3A_8, %jit3A, %jit3A_9 : i32
    "tpu.region"() ({
      %run_scoped3A = tpu.sem_alloc : memref<!tpu.dma_semaphore, #tpu.memory_space<semaphore_mem>>
      %dma_start3A_97 = arith.constant 0 : i32
      %dma_start3A_98 = tpu.memref_slice %arg15[%mul3A_0, %dma_start3A_97] : memref<10240x128xf32, #tpu.memory_space<vmem_shared>> -> memref<640x128xf32, #tpu.memory_space<vmem_shared>>
      tpu.enqueue_dma source(%arg5 : memref<640x128xf32, #tpu.memory_space<hbm>>) target(%dma_start3A_98 : memref<640x128xf32, #tpu.memory_space<vmem_shared>>) target_semaphore(%run_scoped3A : memref<!tpu.dma_semaphore, #tpu.memory_space<semaphore_mem>>)
      %dma_wait3A_99 = arith.constant 0 : i32
      %dma_wait3A_100 = tpu.memref_slice %arg15[%mul3A_0, %dma_wait3A_99] : memref<10240x128xf32, #tpu.memory_space<vmem_shared>> -> memref<640x128xf32, #tpu.memory_space<vmem_shared>>
      tpu.wait_dma2 semaphore(%run_scoped3A : memref<!tpu.dma_semaphore, #tpu.memory_space<semaphore_mem>>) src(%arg5 : memref<640x128xf32, #tpu.memory_space<hbm>>) dst(%dma_wait3A_100 : memref<640x128xf32, #tpu.memory_space<vmem_shared>>)
      tpu.yield
    }) : () -> ()
    %barrier3A = arith.constant 0 : index
    tpu.barrier barrier_id(%barrier3A)
    %dma_start3A = arith.constant 0 : i32
    %dma_start3A_11 = tpu.memref_slice %arg3[%select_n3A, %dma_start3A] : memref<2528x128xi32, #tpu.memory_space<hbm>> -> memref<1x128xi32, #tpu.memory_space<hbm>>
    %dma_start3A_12 = tpu.memref_squeeze %dma_start3A_11 : memref<1x128xi32, #tpu.memory_space<hbm>> -> memref<128xi32, #tpu.memory_space<hbm>>
    %dma_start3A_13 = arith.constant 0 : i32
    %dma_start3A_14 = tpu.memref_slice %arg3[%select_n3A, %dma_start3A_13] : memref<2528x128xi32, #tpu.memory_space<hbm>> -> memref<1x128xi32, #tpu.memory_space<hbm>>
    %dma_start3A_15 = tpu.memref_squeeze %dma_start3A_14 : memref<1x128xi32, #tpu.memory_space<hbm>> -> memref<128xi32, #tpu.memory_space<hbm>>
    tpu.enqueue_dma source(%dma_start3A_15 : memref<128xi32, #tpu.memory_space<hbm>>) target(%arg9 : memref<128xi32, #tpu.memory_space<vmem>>) target_semaphore(%arg18 : memref<!tpu.dma_semaphore, #tpu.memory_space<semaphore_mem>>)
    %dma_start3A_16 = arith.constant 0 : i32
    %dma_start3A_17 = tpu.memref_slice %arg4[%select_n3A, %dma_start3A_16] : memref<2528x128xi32, #tpu.memory_space<hbm>> -> memref<1x128xi32, #tpu.memory_space<hbm>>
    %dma_start3A_18 = tpu.memref_squeeze %dma_start3A_17 : memref<1x128xi32, #tpu.memory_space<hbm>> -> memref<128xi32, #tpu.memory_space<hbm>>
    %dma_start3A_19 = arith.constant 0 : i32
    %dma_start3A_20 = tpu.memref_slice %arg4[%select_n3A, %dma_start3A_19] : memref<2528x128xi32, #tpu.memory_space<hbm>> -> memref<1x128xi32, #tpu.memory_space<hbm>>
    %dma_start3A_21 = tpu.memref_squeeze %dma_start3A_20 : memref<1x128xi32, #tpu.memory_space<hbm>> -> memref<128xi32, #tpu.memory_space<hbm>>
    tpu.enqueue_dma source(%dma_start3A_21 : memref<128xi32, #tpu.memory_space<hbm>>) target(%arg11 : memref<128xi32, #tpu.memory_space<vmem>>) target_semaphore(%arg20 : memref<!tpu.dma_semaphore, #tpu.memory_space<semaphore_mem>>)
    %add3A_22 = arith.constant 1 : i32
    %add3A_23 = arith.addi %select_n3A, %add3A_22 : i32
    %dma_start3A_24 = arith.constant 0 : i32
    %dma_start3A_25 = tpu.memref_slice %arg3[%add3A_23, %dma_start3A_24] : memref<2528x128xi32, #tpu.memory_space<hbm>> -> memref<1x128xi32, #tpu.memory_space<hbm>>
    %dma_start3A_26 = tpu.memref_squeeze %dma_start3A_25 : memref<1x128xi32, #tpu.memory_space<hbm>> -> memref<128xi32, #tpu.memory_space<hbm>>
    %dma_start3A_27 = arith.constant 0 : i32
    %dma_start3A_28 = tpu.memref_slice %arg3[%add3A_23, %dma_start3A_27] : memref<2528x128xi32, #tpu.memory_space<hbm>> -> memref<1x128xi32, #tpu.memory_space<hbm>>
    %dma_start3A_29 = tpu.memref_squeeze %dma_start3A_28 : memref<1x128xi32, #tpu.memory_space<hbm>> -> memref<128xi32, #tpu.memory_space<hbm>>
    tpu.enqueue_dma source(%dma_start3A_29 : memref<128xi32, #tpu.memory_space<hbm>>) target(%arg10 : memref<128xi32, #tpu.memory_space<vmem>>) target_semaphore(%arg19 : memref<!tpu.dma_semaphore, #tpu.memory_space<semaphore_mem>>)
    %add3A_30 = arith.constant 1 : i32
    %add3A_31 = arith.addi %select_n3A, %add3A_30 : i32
    %dma_start3A_32 = arith.constant 0 : i32
    %dma_start3A_33 = tpu.memref_slice %arg4[%add3A_31, %dma_start3A_32] : memref<2528x128xi32, #tpu.memory_space<hbm>> -> memref<1x128xi32, #tpu.memory_space<hbm>>
    %dma_start3A_34 = tpu.memref_squeeze %dma_start3A_33 : memref<1x128xi32, #tpu.memory_space<hbm>> -> memref<128xi32, #tpu.memory_space<hbm>>
    %dma_start3A_35 = arith.constant 0 : i32
    %dma_start3A_36 = tpu.memref_slice %arg4[%add3A_31, %dma_start3A_35] : memref<2528x128xi32, #tpu.memory_space<hbm>> -> memref<1x128xi32, #tpu.memory_space<hbm>>
    %dma_start3A_37 = tpu.memref_squeeze %dma_start3A_36 : memref<1x128xi32, #tpu.memory_space<hbm>> -> memref<128xi32, #tpu.memory_space<hbm>>
    tpu.enqueue_dma source(%dma_start3A_37 : memref<128xi32, #tpu.memory_space<hbm>>) target(%arg12 : memref<128xi32, #tpu.memory_space<vmem>>) target_semaphore(%arg21 : memref<!tpu.dma_semaphore, #tpu.memory_space<semaphore_mem>>)
    %dma_wait3A = arith.constant 0 : i32
    %dma_wait3A_38 = tpu.memref_slice %arg3[%select_n3A, %dma_wait3A] : memref<2528x128xi32, #tpu.memory_space<hbm>> -> memref<1x128xi32, #tpu.memory_space<hbm>>
    %dma_wait3A_39 = tpu.memref_squeeze %dma_wait3A_38 : memref<1x128xi32, #tpu.memory_space<hbm>> -> memref<128xi32, #tpu.memory_space<hbm>>
    %dma_wait3A_40 = arith.constant 0 : i32
    %dma_wait3A_41 = tpu.memref_slice %arg3[%select_n3A, %dma_wait3A_40] : memref<2528x128xi32, #tpu.memory_space<hbm>> -> memref<1x128xi32, #tpu.memory_space<hbm>>
    %dma_wait3A_42 = tpu.memref_squeeze %dma_wait3A_41 : memref<1x128xi32, #tpu.memory_space<hbm>> -> memref<128xi32, #tpu.memory_space<hbm>>
    tpu.wait_dma2 semaphore(%arg18 : memref<!tpu.dma_semaphore, #tpu.memory_space<semaphore_mem>>) src(%dma_wait3A_42 : memref<128xi32, #tpu.memory_space<hbm>>) dst(%arg9 : memref<128xi32, #tpu.memory_space<vmem>>)
    %dma_start3A_43 = arith.constant 0 : i32
    %dma_start3A_44 = arith.constant 0 : i32
    %dma_start3A_45 = tpu.memref_slice %arg2[%dma_start3A_43, %dma_start3A_44] : memref<10000x128xf32, #tpu.memory_space<hbm>> -> memref<10000x128xf32, #tpu.memory_space<hbm>>
    tpu.enqueue_indirect_dma source(%dma_start3A_45 : memref<10000x128xf32, #tpu.memory_space<hbm>>) target(%arg13 : memref<128x128xf32, #tpu.memory_space<vmem>>) offsets(%arg9 : memref<128xi32, #tpu.memory_space<vmem>>) semaphore(%arg16 : memref<!tpu.dma_semaphore, #tpu.memory_space<semaphore_mem>>)
    %jit3A_46 = arith.constant 2 : i32
    %div3A = arith.divsi %select_n3A_10, %jit3A_46 : i32
    %sign3A = arith.constant 0 : i32
    %sign3A_47 = arith.cmpi sgt, %select_n3A_10, %sign3A : i32
    %sign3A_48 = arith.extui %sign3A_47 : i1 to i32
    %sign3A_49 = arith.constant 0 : i32
    %sign3A_50 = arith.cmpi slt, %select_n3A_10, %sign3A_49 : i32
    %sign3A_51 = arith.extui %sign3A_50 : i1 to i32
    %sign3A_52 = arith.subi %sign3A_48, %sign3A_51 : i32
    %sign3A_53 = arith.constant 0 : i32
    %sign3A_54 = arith.cmpi sgt, %jit3A_46, %sign3A_53 : i32
    %sign3A_55 = arith.extui %sign3A_54 : i1 to i32
    %sign3A_56 = arith.constant 0 : i32
    %sign3A_57 = arith.cmpi slt, %jit3A_46, %sign3A_56 : i32
    %sign3A_58 = arith.extui %sign3A_57 : i1 to i32
    %sign3A_59 = arith.subi %sign3A_55, %sign3A_58 : i32
    %ne3A = arith.cmpi ne, %sign3A_52, %sign3A_59 : i32
    %rem3A = arith.remsi %select_n3A_10, %jit3A_46 : i32
    %ne3A_60 = arith.constant 0 : i32
    %ne3A_61 = arith.cmpi ne, %rem3A, %ne3A_60 : i32
    %and3A = arith.andi %ne3A, %ne3A_61 : i1
    %sub3A = arith.constant 1 : i32
    %sub3A_62 = arith.subi %div3A, %sub3A : i32
    %select_n3A_63 = arith.select %and3A, %sub3A_62, %div3A : i32
    %while3A = arith.constant 0 : i32
    %while3A_64 = arith.constant 0 : i32
    %while3A_65 = arith.subi %select_n3A_63, %while3A : i32
    %while3A_66 = arith.addi %while3A, %while3A_65 : i32
    %while3A_67 = arith.constant 1 : i32
    %while3A_68 = arith.divsi %while3A_65, %while3A_67 : i32
    %while3A_69 = arith.muli %while3A_68, %while3A_67 : i32
    %while3A_70 = arith.addi %while3A, %while3A_69 : i32
    %while3A_71 = arith.constant 1 : i32
    %while3A_72 = scf.for %while3A_97 = %while3A to %while3A_70 step %while3A_71 iter_args(%while3A_98 = %while3A_64) -> (i32)  : i32 {
      %mul3A_99 = arith.constant 2 : i32
      %mul3A_100 = arith.muli %while3A_97, %mul3A_99 : i32
      %add3A_101 = arith.constant 2 : i32
      %add3A_102 = arith.addi %mul3A_100, %add3A_101 : i32
      %lt3A = arith.cmpi slt, %add3A_102, %select_n3A_10 : i32
      %add3A_103 = arith.constant 2 : i32
      %add3A_104 = arith.addi %mul3A_100, %add3A_103 : i32
      %jit3A_105 = arith.constant 0 : i32
      %select_n3A_106 = arith.select %lt3A, %add3A_104, %jit3A_105 : i32
      %add3A_107 = arith.constant 3 : i32
      %add3A_108 = arith.addi %mul3A_100, %add3A_107 : i32
      %lt3A_109 = arith.cmpi slt, %add3A_108, %select_n3A_10 : i32
      %add3A_110 = arith.constant 3 : i32
      %add3A_111 = arith.addi %mul3A_100, %add3A_110 : i32
      %jit3A_112 = arith.constant 1 : i32
      %select_n3A_113 = arith.select %lt3A_109, %add3A_111, %jit3A_112 : i32
      %add3A_114 = arith.addi %select_n3A, %mul3A_100 : i32
      %add3A_115 = arith.constant 1 : i32
      %add3A_116 = arith.addi %add3A_114, %add3A_115 : i32
      %dma_wait3A_117 = arith.constant 0 : i32
      %dma_wait3A_118 = tpu.memref_slice %arg3[%add3A_116, %dma_wait3A_117] : memref<2528x128xi32, #tpu.memory_space<hbm>> -> memref<1x128xi32, #tpu.memory_space<hbm>>
      %dma_wait3A_119 = tpu.memref_squeeze %dma_wait3A_118 : memref<1x128xi32, #tpu.memory_space<hbm>> -> memref<128xi32, #tpu.memory_space<hbm>>
      %dma_wait3A_120 = arith.constant 0 : i32
      %dma_wait3A_121 = tpu.memref_slice %arg3[%add3A_116, %dma_wait3A_120] : memref<2528x128xi32, #tpu.memory_space<hbm>> -> memref<1x128xi32, #tpu.memory_space<hbm>>
      %dma_wait3A_122 = tpu.memref_squeeze %dma_wait3A_121 : memref<1x128xi32, #tpu.memory_space<hbm>> -> memref<128xi32, #tpu.memory_space<hbm>>
      tpu.wait_dma2 semaphore(%arg19 : memref<!tpu.dma_semaphore, #tpu.memory_space<semaphore_mem>>) src(%dma_wait3A_122 : memref<128xi32, #tpu.memory_space<hbm>>) dst(%arg10 : memref<128xi32, #tpu.memory_space<vmem>>)
      %dma_start3A_123 = arith.constant 0 : i32
      %dma_start3A_124 = arith.constant 0 : i32
      %dma_start3A_125 = tpu.memref_slice %arg2[%dma_start3A_123, %dma_start3A_124] : memref<10000x128xf32, #tpu.memory_space<hbm>> -> memref<10000x128xf32, #tpu.memory_space<hbm>>
      tpu.enqueue_indirect_dma source(%dma_start3A_125 : memref<10000x128xf32, #tpu.memory_space<hbm>>) target(%arg14 : memref<128x128xf32, #tpu.memory_space<vmem>>) offsets(%arg10 : memref<128xi32, #tpu.memory_space<vmem>>) semaphore(%arg17 : memref<!tpu.dma_semaphore, #tpu.memory_space<semaphore_mem>>)
      %dma_wait3A_126 = arith.constant 0 : i32
      %dma_wait3A_127 = arith.constant 0 : i32
      %dma_wait3A_128 = tpu.memref_slice %arg2[%dma_wait3A_126, %dma_wait3A_127] : memref<10000x128xf32, #tpu.memory_space<hbm>> -> memref<10000x128xf32, #tpu.memory_space<hbm>>
      tpu.wait_indirect_dma semaphore(%arg16 : memref<!tpu.dma_semaphore, #tpu.memory_space<semaphore_mem>>) src(%dma_wait3A_128 : memref<10000x128xf32, #tpu.memory_space<hbm>>) dst(%arg13 : memref<128x128xf32, #tpu.memory_space<vmem>>)
      %add3A_129 = arith.addi %select_n3A, %select_n3A_106 : i32
      %dma_start3A_130 = arith.constant 0 : i32
      %dma_start3A_131 = tpu.memref_slice %arg3[%add3A_129, %dma_start3A_130] : memref<2528x128xi32, #tpu.memory_space<hbm>> -> memref<1x128xi32, #tpu.memory_space<hbm>>
      %dma_start3A_132 = tpu.memref_squeeze %dma_start3A_131 : memref<1x128xi32, #tpu.memory_space<hbm>> -> memref<128xi32, #tpu.memory_space<hbm>>
      %dma_start3A_133 = arith.constant 0 : i32
      %dma_start3A_134 = tpu.memref_slice %arg3[%add3A_129, %dma_start3A_133] : memref<2528x128xi32, #tpu.memory_space<hbm>> -> memref<1x128xi32, #tpu.memory_space<hbm>>
      %dma_start3A_135 = tpu.memref_squeeze %dma_start3A_134 : memref<1x128xi32, #tpu.memory_space<hbm>> -> memref<128xi32, #tpu.memory_space<hbm>>
      tpu.enqueue_dma source(%dma_start3A_135 : memref<128xi32, #tpu.memory_space<hbm>>) target(%arg9 : memref<128xi32, #tpu.memory_space<vmem>>) target_semaphore(%arg18 : memref<!tpu.dma_semaphore, #tpu.memory_space<semaphore_mem>>)
      %add3A_136 = arith.addi %select_n3A, %mul3A_100 : i32
      %dma_wait3A_137 = arith.constant 0 : i32
      %dma_wait3A_138 = tpu.memref_slice %arg4[%add3A_136, %dma_wait3A_137] : memref<2528x128xi32, #tpu.memory_space<hbm>> -> memref<1x128xi32, #tpu.memory_space<hbm>>
      %dma_wait3A_139 = tpu.memref_squeeze %dma_wait3A_138 : memref<1x128xi32, #tpu.memory_space<hbm>> -> memref<128xi32, #tpu.memory_space<hbm>>
      %dma_wait3A_140 = arith.constant 0 : i32
      %dma_wait3A_141 = tpu.memref_slice %arg4[%add3A_136, %dma_wait3A_140] : memref<2528x128xi32, #tpu.memory_space<hbm>> -> memref<1x128xi32, #tpu.memory_space<hbm>>
      %dma_wait3A_142 = tpu.memref_squeeze %dma_wait3A_141 : memref<1x128xi32, #tpu.memory_space<hbm>> -> memref<128xi32, #tpu.memory_space<hbm>>
      tpu.wait_dma2 semaphore(%arg20 : memref<!tpu.dma_semaphore, #tpu.memory_space<semaphore_mem>>) src(%dma_wait3A_142 : memref<128xi32, #tpu.memory_space<hbm>>) dst(%arg11 : memref<128xi32, #tpu.memory_space<vmem>>)
      "tpu.region"() ({
        %run_scoped3A = tpu.sem_alloc : memref<!tpu.dma_semaphore, #tpu.memory_space<semaphore_mem>>
        %dma_start3A_187 = arith.constant 0 : i32
        %dma_start3A_188 = arith.constant 0 : i32
        %dma_start3A_189 = tpu.memref_slice %arg15[%dma_start3A_187, %dma_start3A_188] : memref<10240x128xf32, #tpu.memory_space<vmem_shared>> -> memref<10240x128xf32, #tpu.memory_space<vmem_shared>>
        tpu.enqueue_indirect_dma source(%arg13 : memref<128x128xf32, #tpu.memory_space<vmem>>) target(%dma_start3A_189 : memref<10240x128xf32, #tpu.memory_space<vmem_shared>>) offsets(%arg11 : memref<128xi32, #tpu.memory_space<vmem>>) semaphore(%run_scoped3A : memref<!tpu.dma_semaphore, #tpu.memory_space<semaphore_mem>>) {add = true}
        %dma_wait3A_190 = arith.constant 0 : i32
        %dma_wait3A_191 = arith.constant 0 : i32
        %dma_wait3A_192 = tpu.memref_slice %arg15[%dma_wait3A_190, %dma_wait3A_191] : memref<10240x128xf32, #tpu.memory_space<vmem_shared>> -> memref<10240x128xf32, #tpu.memory_space<vmem_shared>>
        tpu.wait_indirect_dma semaphore(%run_scoped3A : memref<!tpu.dma_semaphore, #tpu.memory_space<semaphore_mem>>) src(%arg13 : memref<128x128xf32, #tpu.memory_space<vmem>>) dst(%dma_wait3A_192 : memref<10240x128xf32, #tpu.memory_space<vmem_shared>>)
        tpu.yield
      }) : () -> ()
      %add3A_143 = arith.addi %select_n3A, %select_n3A_106 : i32
      %dma_start3A_144 = arith.constant 0 : i32
      %dma_start3A_145 = tpu.memref_slice %arg4[%add3A_143, %dma_start3A_144] : memref<2528x128xi32, #tpu.memory_space<hbm>> -> memref<1x128xi32, #tpu.memory_space<hbm>>
      %dma_start3A_146 = tpu.memref_squeeze %dma_start3A_145 : memref<1x128xi32, #tpu.memory_space<hbm>> -> memref<128xi32, #tpu.memory_space<hbm>>
      %dma_start3A_147 = arith.constant 0 : i32
      %dma_start3A_148 = tpu.memref_slice %arg4[%add3A_143, %dma_start3A_147] : memref<2528x128xi32, #tpu.memory_space<hbm>> -> memref<1x128xi32, #tpu.memory_space<hbm>>
      %dma_start3A_149 = tpu.memref_squeeze %dma_start3A_148 : memref<1x128xi32, #tpu.memory_space<hbm>> -> memref<128xi32, #tpu.memory_space<hbm>>
      tpu.enqueue_dma source(%dma_start3A_149 : memref<128xi32, #tpu.memory_space<hbm>>) target(%arg11 : memref<128xi32, #tpu.memory_space<vmem>>) target_semaphore(%arg20 : memref<!tpu.dma_semaphore, #tpu.memory_space<semaphore_mem>>)
      %add3A_150 = arith.addi %select_n3A, %select_n3A_106 : i32
      %dma_wait3A_151 = arith.constant 0 : i32
      %dma_wait3A_152 = tpu.memref_slice %arg3[%add3A_150, %dma_wait3A_151] : memref<2528x128xi32, #tpu.memory_space<hbm>> -> memref<1x128xi32, #tpu.memory_space<hbm>>
      %dma_wait3A_153 = tpu.memref_squeeze %dma_wait3A_152 : memref<1x128xi32, #tpu.memory_space<hbm>> -> memref<128xi32, #tpu.memory_space<hbm>>
      %dma_wait3A_154 = arith.constant 0 : i32
      %dma_wait3A_155 = tpu.memref_slice %arg3[%add3A_150, %dma_wait3A_154] : memref<2528x128xi32, #tpu.memory_space<hbm>> -> memref<1x128xi32, #tpu.memory_space<hbm>>
      %dma_wait3A_156 = tpu.memref_squeeze %dma_wait3A_155 : memref<1x128xi32, #tpu.memory_space<hbm>> -> memref<128xi32, #tpu.memory_space<hbm>>
      tpu.wait_dma2 semaphore(%arg18 : memref<!tpu.dma_semaphore, #tpu.memory_space<semaphore_mem>>) src(%dma_wait3A_156 : memref<128xi32, #tpu.memory_space<hbm>>) dst(%arg9 : memref<128xi32, #tpu.memory_space<vmem>>)
      %dma_start3A_157 = arith.constant 0 : i32
      %dma_start3A_158 = arith.constant 0 : i32
      %dma_start3A_159 = tpu.memref_slice %arg2[%dma_start3A_157, %dma_start3A_158] : memref<10000x128xf32, #tpu.memory_space<hbm>> -> memref<10000x128xf32, #tpu.memory_space<hbm>>
      tpu.enqueue_indirect_dma source(%dma_start3A_159 : memref<10000x128xf32, #tpu.memory_space<hbm>>) target(%arg13 : memref<128x128xf32, #tpu.memory_space<vmem>>) offsets(%arg9 : memref<128xi32, #tpu.memory_space<vmem>>) semaphore(%arg16 : memref<!tpu.dma_semaphore, #tpu.memory_space<semaphore_mem>>)
      %dma_wait3A_160 = arith.constant 0 : i32
      %dma_wait3A_161 = arith.constant 0 : i32
      %dma_wait3A_162 = tpu.memref_slice %arg2[%dma_wait3A_160, %dma_wait3A_161] : memref<10000x128xf32, #tpu.memory_space<hbm>> -> memref<10000x128xf32, #tpu.memory_space<hbm>>
      tpu.wait_indirect_dma semaphore(%arg17 : memref<!tpu.dma_semaphore, #tpu.memory_space<semaphore_mem>>) src(%dma_wait3A_162 : memref<10000x128xf32, #tpu.memory_space<hbm>>) dst(%arg14 : memref<128x128xf32, #tpu.memory_space<vmem>>)
      %add3A_163 = arith.addi %select_n3A, %select_n3A_113 : i32
      %dma_start3A_164 = arith.constant 0 : i32
      %dma_start3A_165 = tpu.memref_slice %arg3[%add3A_163, %dma_start3A_164] : memref<2528x128xi32, #tpu.memory_space<hbm>> -> memref<1x128xi32, #tpu.memory_space<hbm>>
      %dma_start3A_166 = tpu.memref_squeeze %dma_start3A_165 : memref<1x128xi32, #tpu.memory_space<hbm>> -> memref<128xi32, #tpu.memory_space<hbm>>
      %dma_start3A_167 = arith.constant 0 : i32
      %dma_start3A_168 = tpu.memref_slice %arg3[%add3A_163, %dma_start3A_167] : memref<2528x128xi32, #tpu.memory_space<hbm>> -> memref<1x128xi32, #tpu.memory_space<hbm>>
      %dma_start3A_169 = tpu.memref_squeeze %dma_start3A_168 : memref<1x128xi32, #tpu.memory_space<hbm>> -> memref<128xi32, #tpu.memory_space<hbm>>
      tpu.enqueue_dma source(%dma_start3A_169 : memref<128xi32, #tpu.memory_space<hbm>>) target(%arg10 : memref<128xi32, #tpu.memory_space<vmem>>) target_semaphore(%arg19 : memref<!tpu.dma_semaphore, #tpu.memory_space<semaphore_mem>>)
      %add3A_170 = arith.addi %select_n3A, %mul3A_100 : i32
      %add3A_171 = arith.constant 1 : i32
      %add3A_172 = arith.addi %add3A_170, %add3A_171 : i32
      %dma_wait3A_173 = arith.constant 0 : i32
      %dma_wait3A_174 = tpu.memref_slice %arg4[%add3A_172, %dma_wait3A_173] : memref<2528x128xi32, #tpu.memory_space<hbm>> -> memref<1x128xi32, #tpu.memory_space<hbm>>
      %dma_wait3A_175 = tpu.memref_squeeze %dma_wait3A_174 : memref<1x128xi32, #tpu.memory_space<hbm>> -> memref<128xi32, #tpu.memory_space<hbm>>
      %dma_wait3A_176 = arith.constant 0 : i32
      %dma_wait3A_177 = tpu.memref_slice %arg4[%add3A_172, %dma_wait3A_176] : memref<2528x128xi32, #tpu.memory_space<hbm>> -> memref<1x128xi32, #tpu.memory_space<hbm>>
      %dma_wait3A_178 = tpu.memref_squeeze %dma_wait3A_177 : memref<1x128xi32, #tpu.memory_space<hbm>> -> memref<128xi32, #tpu.memory_space<hbm>>
      tpu.wait_dma2 semaphore(%arg21 : memref<!tpu.dma_semaphore, #tpu.memory_space<semaphore_mem>>) src(%dma_wait3A_178 : memref<128xi32, #tpu.memory_space<hbm>>) dst(%arg12 : memref<128xi32, #tpu.memory_space<vmem>>)
      "tpu.region"() ({
        %run_scoped3A = tpu.sem_alloc : memref<!tpu.dma_semaphore, #tpu.memory_space<semaphore_mem>>
        %dma_start3A_187 = arith.constant 0 : i32
        %dma_start3A_188 = arith.constant 0 : i32
        %dma_start3A_189 = tpu.memref_slice %arg15[%dma_start3A_187, %dma_start3A_188] : memref<10240x128xf32, #tpu.memory_space<vmem_shared>> -> memref<10240x128xf32, #tpu.memory_space<vmem_shared>>
        tpu.enqueue_indirect_dma source(%arg14 : memref<128x128xf32, #tpu.memory_space<vmem>>) target(%dma_start3A_189 : memref<10240x128xf32, #tpu.memory_space<vmem_shared>>) offsets(%arg12 : memref<128xi32, #tpu.memory_space<vmem>>) semaphore(%run_scoped3A : memref<!tpu.dma_semaphore, #tpu.memory_space<semaphore_mem>>) {add = true}
        %dma_wait3A_190 = arith.constant 0 : i32
        %dma_wait3A_191 = arith.constant 0 : i32
        %dma_wait3A_192 = tpu.memref_slice %arg15[%dma_wait3A_190, %dma_wait3A_191] : memref<10240x128xf32, #tpu.memory_space<vmem_shared>> -> memref<10240x128xf32, #tpu.memory_space<vmem_shared>>
        tpu.wait_indirect_dma semaphore(%run_scoped3A : memref<!tpu.dma_semaphore, #tpu.memory_space<semaphore_mem>>) src(%arg14 : memref<128x128xf32, #tpu.memory_space<vmem>>) dst(%dma_wait3A_192 : memref<10240x128xf32, #tpu.memory_space<vmem_shared>>)
        tpu.yield
      }) : () -> ()
      %add3A_179 = arith.addi %select_n3A, %select_n3A_113 : i32
      %dma_start3A_180 = arith.constant 0 : i32
      %dma_start3A_181 = tpu.memref_slice %arg4[%add3A_179, %dma_start3A_180] : memref<2528x128xi32, #tpu.memory_space<hbm>> -> memref<1x128xi32, #tpu.memory_space<hbm>>
      %dma_start3A_182 = tpu.memref_squeeze %dma_start3A_181 : memref<1x128xi32, #tpu.memory_space<hbm>> -> memref<128xi32, #tpu.memory_space<hbm>>
      %dma_start3A_183 = arith.constant 0 : i32
      %dma_start3A_184 = tpu.memref_slice %arg4[%add3A_179, %dma_start3A_183] : memref<2528x128xi32, #tpu.memory_space<hbm>> -> memref<1x128xi32, #tpu.memory_space<hbm>>
      %dma_start3A_185 = tpu.memref_squeeze %dma_start3A_184 : memref<1x128xi32, #tpu.memory_space<hbm>> -> memref<128xi32, #tpu.memory_space<hbm>>
      tpu.enqueue_dma source(%dma_start3A_185 : memref<128xi32, #tpu.memory_space<hbm>>) target(%arg12 : memref<128xi32, #tpu.memory_space<vmem>>) target_semaphore(%arg21 : memref<!tpu.dma_semaphore, #tpu.memory_space<semaphore_mem>>)
      %while3A_186 = arith.constant 0 : i32
      scf.yield %while3A_186 : i32
    }
    %while3A_73 = arith.constant 1 : i32
    %while3A_74 = scf.for %while3A_97 = %while3A_70 to %while3A_66 step %while3A_73 iter_args(%while3A_98 = %while3A_72) -> (i32)  : i32 {
      %mul3A_99 = arith.constant 2 : i32
      %mul3A_100 = arith.muli %while3A_97, %mul3A_99 : i32
      %add3A_101 = arith.constant 2 : i32
      %add3A_102 = arith.addi %mul3A_100, %add3A_101 : i32
      %lt3A = arith.cmpi slt, %add3A_102, %select_n3A_10 : i32
      %add3A_103 = arith.constant 2 : i32
      %add3A_104 = arith.addi %mul3A_100, %add3A_103 : i32
      %jit3A_105 = arith.constant 0 : i32
      %select_n3A_106 = arith.select %lt3A, %add3A_104, %jit3A_105 : i32
      %add3A_107 = arith.constant 3 : i32
      %add3A_108 = arith.addi %mul3A_100, %add3A_107 : i32
      %lt3A_109 = arith.cmpi slt, %add3A_108, %select_n3A_10 : i32
      %add3A_110 = arith.constant 3 : i32
      %add3A_111 = arith.addi %mul3A_100, %add3A_110 : i32
      %jit3A_112 = arith.constant 1 : i32
      %select_n3A_113 = arith.select %lt3A_109, %add3A_111, %jit3A_112 : i32
      %add3A_114 = arith.addi %select_n3A, %mul3A_100 : i32
      %add3A_115 = arith.constant 1 : i32
      %add3A_116 = arith.addi %add3A_114, %add3A_115 : i32
      %dma_wait3A_117 = arith.constant 0 : i32
      %dma_wait3A_118 = tpu.memref_slice %arg3[%add3A_116, %dma_wait3A_117] : memref<2528x128xi32, #tpu.memory_space<hbm>> -> memref<1x128xi32, #tpu.memory_space<hbm>>
      %dma_wait3A_119 = tpu.memref_squeeze %dma_wait3A_118 : memref<1x128xi32, #tpu.memory_space<hbm>> -> memref<128xi32, #tpu.memory_space<hbm>>
      %dma_wait3A_120 = arith.constant 0 : i32
      %dma_wait3A_121 = tpu.memref_slice %arg3[%add3A_116, %dma_wait3A_120] : memref<2528x128xi32, #tpu.memory_space<hbm>> -> memref<1x128xi32, #tpu.memory_space<hbm>>
      %dma_wait3A_122 = tpu.memref_squeeze %dma_wait3A_121 : memref<1x128xi32, #tpu.memory_space<hbm>> -> memref<128xi32, #tpu.memory_space<hbm>>
      tpu.wait_dma2 semaphore(%arg19 : memref<!tpu.dma_semaphore, #tpu.memory_space<semaphore_mem>>) src(%dma_wait3A_122 : memref<128xi32, #tpu.memory_space<hbm>>) dst(%arg10 : memref<128xi32, #tpu.memory_space<vmem>>)
      %dma_start3A_123 = arith.constant 0 : i32
      %dma_start3A_124 = arith.constant 0 : i32
      %dma_start3A_125 = tpu.memref_slice %arg2[%dma_start3A_123, %dma_start3A_124] : memref<10000x128xf32, #tpu.memory_space<hbm>> -> memref<10000x128xf32, #tpu.memory_space<hbm>>
      tpu.enqueue_indirect_dma source(%dma_start3A_125 : memref<10000x128xf32, #tpu.memory_space<hbm>>) target(%arg14 : memref<128x128xf32, #tpu.memory_space<vmem>>) offsets(%arg10 : memref<128xi32, #tpu.memory_space<vmem>>) semaphore(%arg17 : memref<!tpu.dma_semaphore, #tpu.memory_space<semaphore_mem>>)
      %dma_wait3A_126 = arith.constant 0 : i32
      %dma_wait3A_127 = arith.constant 0 : i32
      %dma_wait3A_128 = tpu.memref_slice %arg2[%dma_wait3A_126, %dma_wait3A_127] : memref<10000x128xf32, #tpu.memory_space<hbm>> -> memref<10000x128xf32, #tpu.memory_space<hbm>>
      tpu.wait_indirect_dma semaphore(%arg16 : memref<!tpu.dma_semaphore, #tpu.memory_space<semaphore_mem>>) src(%dma_wait3A_128 : memref<10000x128xf32, #tpu.memory_space<hbm>>) dst(%arg13 : memref<128x128xf32, #tpu.memory_space<vmem>>)
      %add3A_129 = arith.addi %select_n3A, %select_n3A_106 : i32
      %dma_start3A_130 = arith.constant 0 : i32
      %dma_start3A_131 = tpu.memref_slice %arg3[%add3A_129, %dma_start3A_130] : memref<2528x128xi32, #tpu.memory_space<hbm>> -> memref<1x128xi32, #tpu.memory_space<hbm>>
      %dma_start3A_132 = tpu.memref_squeeze %dma_start3A_131 : memref<1x128xi32, #tpu.memory_space<hbm>> -> memref<128xi32, #tpu.memory_space<hbm>>
      %dma_start3A_133 = arith.constant 0 : i32
      %dma_start3A_134 = tpu.memref_slice %arg3[%add3A_129, %dma_start3A_133] : memref<2528x128xi32, #tpu.memory_space<hbm>> -> memref<1x128xi32, #tpu.memory_space<hbm>>
      %dma_start3A_135 = tpu.memref_squeeze %dma_start3A_134 : memref<1x128xi32, #tpu.memory_space<hbm>> -> memref<128xi32, #tpu.memory_space<hbm>>
      tpu.enqueue_dma source(%dma_start3A_135 : memref<128xi32, #tpu.memory_space<hbm>>) target(%arg9 : memref<128xi32, #tpu.memory_space<vmem>>) target_semaphore(%arg18 : memref<!tpu.dma_semaphore, #tpu.memory_space<semaphore_mem>>)
      %add3A_136 = arith.addi %select_n3A, %mul3A_100 : i32
      %dma_wait3A_137 = arith.constant 0 : i32
      %dma_wait3A_138 = tpu.memref_slice %arg4[%add3A_136, %dma_wait3A_137] : memref<2528x128xi32, #tpu.memory_space<hbm>> -> memref<1x128xi32, #tpu.memory_space<hbm>>
      %dma_wait3A_139 = tpu.memref_squeeze %dma_wait3A_138 : memref<1x128xi32, #tpu.memory_space<hbm>> -> memref<128xi32, #tpu.memory_space<hbm>>
      %dma_wait3A_140 = arith.constant 0 : i32
      %dma_wait3A_141 = tpu.memref_slice %arg4[%add3A_136, %dma_wait3A_140] : memref<2528x128xi32, #tpu.memory_space<hbm>> -> memref<1x128xi32, #tpu.memory_space<hbm>>
      %dma_wait3A_142 = tpu.memref_squeeze %dma_wait3A_141 : memref<1x128xi32, #tpu.memory_space<hbm>> -> memref<128xi32, #tpu.memory_space<hbm>>
      tpu.wait_dma2 semaphore(%arg20 : memref<!tpu.dma_semaphore, #tpu.memory_space<semaphore_mem>>) src(%dma_wait3A_142 : memref<128xi32, #tpu.memory_space<hbm>>) dst(%arg11 : memref<128xi32, #tpu.memory_space<vmem>>)
      "tpu.region"() ({
        %run_scoped3A = tpu.sem_alloc : memref<!tpu.dma_semaphore, #tpu.memory_space<semaphore_mem>>
        %dma_start3A_187 = arith.constant 0 : i32
        %dma_start3A_188 = arith.constant 0 : i32
        %dma_start3A_189 = tpu.memref_slice %arg15[%dma_start3A_187, %dma_start3A_188] : memref<10240x128xf32, #tpu.memory_space<vmem_shared>> -> memref<10240x128xf32, #tpu.memory_space<vmem_shared>>
        tpu.enqueue_indirect_dma source(%arg13 : memref<128x128xf32, #tpu.memory_space<vmem>>) target(%dma_start3A_189 : memref<10240x128xf32, #tpu.memory_space<vmem_shared>>) offsets(%arg11 : memref<128xi32, #tpu.memory_space<vmem>>) semaphore(%run_scoped3A : memref<!tpu.dma_semaphore, #tpu.memory_space<semaphore_mem>>) {add = true}
        %dma_wait3A_190 = arith.constant 0 : i32
        %dma_wait3A_191 = arith.constant 0 : i32
        %dma_wait3A_192 = tpu.memref_slice %arg15[%dma_wait3A_190, %dma_wait3A_191] : memref<10240x128xf32, #tpu.memory_space<vmem_shared>> -> memref<10240x128xf32, #tpu.memory_space<vmem_shared>>
        tpu.wait_indirect_dma semaphore(%run_scoped3A : memref<!tpu.dma_semaphore, #tpu.memory_space<semaphore_mem>>) src(%arg13 : memref<128x128xf32, #tpu.memory_space<vmem>>) dst(%dma_wait3A_192 : memref<10240x128xf32, #tpu.memory_space<vmem_shared>>)
        tpu.yield
      }) : () -> ()
      %add3A_143 = arith.addi %select_n3A, %select_n3A_106 : i32
      %dma_start3A_144 = arith.constant 0 : i32
      %dma_start3A_145 = tpu.memref_slice %arg4[%add3A_143, %dma_start3A_144] : memref<2528x128xi32, #tpu.memory_space<hbm>> -> memref<1x128xi32, #tpu.memory_space<hbm>>
      %dma_start3A_146 = tpu.memref_squeeze %dma_start3A_145 : memref<1x128xi32, #tpu.memory_space<hbm>> -> memref<128xi32, #tpu.memory_space<hbm>>
      %dma_start3A_147 = arith.constant 0 : i32
      %dma_start3A_148 = tpu.memref_slice %arg4[%add3A_143, %dma_start3A_147] : memref<2528x128xi32, #tpu.memory_space<hbm>> -> memref<1x128xi32, #tpu.memory_space<hbm>>
      %dma_start3A_149 = tpu.memref_squeeze %dma_start3A_148 : memref<1x128xi32, #tpu.memory_space<hbm>> -> memref<128xi32, #tpu.memory_space<hbm>>
      tpu.enqueue_dma source(%dma_start3A_149 : memref<128xi32, #tpu.memory_space<hbm>>) target(%arg11 : memref<128xi32, #tpu.memory_space<vmem>>) target_semaphore(%arg20 : memref<!tpu.dma_semaphore, #tpu.memory_space<semaphore_mem>>)
      %add3A_150 = arith.addi %select_n3A, %select_n3A_106 : i32
      %dma_wait3A_151 = arith.constant 0 : i32
      %dma_wait3A_152 = tpu.memref_slice %arg3[%add3A_150, %dma_wait3A_151] : memref<2528x128xi32, #tpu.memory_space<hbm>> -> memref<1x128xi32, #tpu.memory_space<hbm>>
      %dma_wait3A_153 = tpu.memref_squeeze %dma_wait3A_152 : memref<1x128xi32, #tpu.memory_space<hbm>> -> memref<128xi32, #tpu.memory_space<hbm>>
      %dma_wait3A_154 = arith.constant 0 : i32
      %dma_wait3A_155 = tpu.memref_slice %arg3[%add3A_150, %dma_wait3A_154] : memref<2528x128xi32, #tpu.memory_space<hbm>> -> memref<1x128xi32, #tpu.memory_space<hbm>>
      %dma_wait3A_156 = tpu.memref_squeeze %dma_wait3A_155 : memref<1x128xi32, #tpu.memory_space<hbm>> -> memref<128xi32, #tpu.memory_space<hbm>>
      tpu.wait_dma2 semaphore(%arg18 : memref<!tpu.dma_semaphore, #tpu.memory_space<semaphore_mem>>) src(%dma_wait3A_156 : memref<128xi32, #tpu.memory_space<hbm>>) dst(%arg9 : memref<128xi32, #tpu.memory_space<vmem>>)
      %dma_start3A_157 = arith.constant 0 : i32
      %dma_start3A_158 = arith.constant 0 : i32
      %dma_start3A_159 = tpu.memref_slice %arg2[%dma_start3A_157, %dma_start3A_158] : memref<10000x128xf32, #tpu.memory_space<hbm>> -> memref<10000x128xf32, #tpu.memory_space<hbm>>
      tpu.enqueue_indirect_dma source(%dma_start3A_159 : memref<10000x128xf32, #tpu.memory_space<hbm>>) target(%arg13 : memref<128x128xf32, #tpu.memory_space<vmem>>) offsets(%arg9 : memref<128xi32, #tpu.memory_space<vmem>>) semaphore(%arg16 : memref<!tpu.dma_semaphore, #tpu.memory_space<semaphore_mem>>)
      %dma_wait3A_160 = arith.constant 0 : i32
      %dma_wait3A_161 = arith.constant 0 : i32
      %dma_wait3A_162 = tpu.memref_slice %arg2[%dma_wait3A_160, %dma_wait3A_161] : memref<10000x128xf32, #tpu.memory_space<hbm>> -> memref<10000x128xf32, #tpu.memory_space<hbm>>
      tpu.wait_indirect_dma semaphore(%arg17 : memref<!tpu.dma_semaphore, #tpu.memory_space<semaphore_mem>>) src(%dma_wait3A_162 : memref<10000x128xf32, #tpu.memory_space<hbm>>) dst(%arg14 : memref<128x128xf32, #tpu.memory_space<vmem>>)
      %add3A_163 = arith.addi %select_n3A, %select_n3A_113 : i32
      %dma_start3A_164 = arith.constant 0 : i32
      %dma_start3A_165 = tpu.memref_slice %arg3[%add3A_163, %dma_start3A_164] : memref<2528x128xi32, #tpu.memory_space<hbm>> -> memref<1x128xi32, #tpu.memory_space<hbm>>
      %dma_start3A_166 = tpu.memref_squeeze %dma_start3A_165 : memref<1x128xi32, #tpu.memory_space<hbm>> -> memref<128xi32, #tpu.memory_space<hbm>>
      %dma_start3A_167 = arith.constant 0 : i32
      %dma_start3A_168 = tpu.memref_slice %arg3[%add3A_163, %dma_start3A_167] : memref<2528x128xi32, #tpu.memory_space<hbm>> -> memref<1x128xi32, #tpu.memory_space<hbm>>
      %dma_start3A_169 = tpu.memref_squeeze %dma_start3A_168 : memref<1x128xi32, #tpu.memory_space<hbm>> -> memref<128xi32, #tpu.memory_space<hbm>>
      tpu.enqueue_dma source(%dma_start3A_169 : memref<128xi32, #tpu.memory_space<hbm>>) target(%arg10 : memref<128xi32, #tpu.memory_space<vmem>>) target_semaphore(%arg19 : memref<!tpu.dma_semaphore, #tpu.memory_space<semaphore_mem>>)
      %add3A_170 = arith.addi %select_n3A, %mul3A_100 : i32
      %add3A_171 = arith.constant 1 : i32
      %add3A_172 = arith.addi %add3A_170, %add3A_171 : i32
      %dma_wait3A_173 = arith.constant 0 : i32
      %dma_wait3A_174 = tpu.memref_slice %arg4[%add3A_172, %dma_wait3A_173] : memref<2528x128xi32, #tpu.memory_space<hbm>> -> memref<1x128xi32, #tpu.memory_space<hbm>>
      %dma_wait3A_175 = tpu.memref_squeeze %dma_wait3A_174 : memref<1x128xi32, #tpu.memory_space<hbm>> -> memref<128xi32, #tpu.memory_space<hbm>>
      %dma_wait3A_176 = arith.constant 0 : i32
      %dma_wait3A_177 = tpu.memref_slice %arg4[%add3A_172, %dma_wait3A_176] : memref<2528x128xi32, #tpu.memory_space<hbm>> -> memref<1x128xi32, #tpu.memory_space<hbm>>
      %dma_wait3A_178 = tpu.memref_squeeze %dma_wait3A_177 : memref<1x128xi32, #tpu.memory_space<hbm>> -> memref<128xi32, #tpu.memory_space<hbm>>
      tpu.wait_dma2 semaphore(%arg21 : memref<!tpu.dma_semaphore, #tpu.memory_space<semaphore_mem>>) src(%dma_wait3A_178 : memref<128xi32, #tpu.memory_space<hbm>>) dst(%arg12 : memref<128xi32, #tpu.memory_space<vmem>>)
      "tpu.region"() ({
        %run_scoped3A = tpu.sem_alloc : memref<!tpu.dma_semaphore, #tpu.memory_space<semaphore_mem>>
        %dma_start3A_187 = arith.constant 0 : i32
        %dma_start3A_188 = arith.constant 0 : i32
        %dma_start3A_189 = tpu.memref_slice %arg15[%dma_start3A_187, %dma_start3A_188] : memref<10240x128xf32, #tpu.memory_space<vmem_shared>> -> memref<10240x128xf32, #tpu.memory_space<vmem_shared>>
        tpu.enqueue_indirect_dma source(%arg14 : memref<128x128xf32, #tpu.memory_space<vmem>>) target(%dma_start3A_189 : memref<10240x128xf32, #tpu.memory_space<vmem_shared>>) offsets(%arg12 : memref<128xi32, #tpu.memory_space<vmem>>) semaphore(%run_scoped3A : memref<!tpu.dma_semaphore, #tpu.memory_space<semaphore_mem>>) {add = true}
        %dma_wait3A_190 = arith.constant 0 : i32
        %dma_wait3A_191 = arith.constant 0 : i32
        %dma_wait3A_192 = tpu.memref_slice %arg15[%dma_wait3A_190, %dma_wait3A_191] : memref<10240x128xf32, #tpu.memory_space<vmem_shared>> -> memref<10240x128xf32, #tpu.memory_space<vmem_shared>>
        tpu.wait_indirect_dma semaphore(%run_scoped3A : memref<!tpu.dma_semaphore, #tpu.memory_space<semaphore_mem>>) src(%arg14 : memref<128x128xf32, #tpu.memory_space<vmem>>) dst(%dma_wait3A_192 : memref<10240x128xf32, #tpu.memory_space<vmem_shared>>)
        tpu.yield
      }) : () -> ()
      %add3A_179 = arith.addi %select_n3A, %select_n3A_113 : i32
      %dma_start3A_180 = arith.constant 0 : i32
      %dma_start3A_181 = tpu.memref_slice %arg4[%add3A_179, %dma_start3A_180] : memref<2528x128xi32, #tpu.memory_space<hbm>> -> memref<1x128xi32, #tpu.memory_space<hbm>>
      %dma_start3A_182 = tpu.memref_squeeze %dma_start3A_181 : memref<1x128xi32, #tpu.memory_space<hbm>> -> memref<128xi32, #tpu.memory_space<hbm>>
      %dma_start3A_183 = arith.constant 0 : i32
      %dma_start3A_184 = tpu.memref_slice %arg4[%add3A_179, %dma_start3A_183] : memref<2528x128xi32, #tpu.memory_space<hbm>> -> memref<1x128xi32, #tpu.memory_space<hbm>>
      %dma_start3A_185 = tpu.memref_squeeze %dma_start3A_184 : memref<1x128xi32, #tpu.memory_space<hbm>> -> memref<128xi32, #tpu.memory_space<hbm>>
      tpu.enqueue_dma source(%dma_start3A_185 : memref<128xi32, #tpu.memory_space<hbm>>) target(%arg12 : memref<128xi32, #tpu.memory_space<vmem>>) target_semaphore(%arg21 : memref<!tpu.dma_semaphore, #tpu.memory_space<semaphore_mem>>)
      %while3A_186 = arith.constant 0 : i32
      scf.yield %while3A_186 : i32
    }
    %dma_wait3A_75 = arith.constant 0 : i32
    %dma_wait3A_76 = arith.constant 0 : i32
    %dma_wait3A_77 = tpu.memref_slice %arg2[%dma_wait3A_75, %dma_wait3A_76] : memref<10000x128xf32, #tpu.memory_space<hbm>> -> memref<10000x128xf32, #tpu.memory_space<hbm>>
    tpu.wait_indirect_dma semaphore(%arg16 : memref<!tpu.dma_semaphore, #tpu.memory_space<semaphore_mem>>) src(%dma_wait3A_77 : memref<10000x128xf32, #tpu.memory_space<hbm>>) dst(%arg13 : memref<128x128xf32, #tpu.memory_space<vmem>>)
    %dma_wait3A_78 = arith.constant 0 : i32
    %dma_wait3A_79 = tpu.memref_slice %arg3[%select_n3A, %dma_wait3A_78] : memref<2528x128xi32, #tpu.memory_space<hbm>> -> memref<1x128xi32, #tpu.memory_space<hbm>>
    %dma_wait3A_80 = tpu.memref_squeeze %dma_wait3A_79 : memref<1x128xi32, #tpu.memory_space<hbm>> -> memref<128xi32, #tpu.memory_space<hbm>>
    %dma_wait3A_81 = arith.constant 0 : i32
    %dma_wait3A_82 = tpu.memref_slice %arg3[%select_n3A, %dma_wait3A_81] : memref<2528x128xi32, #tpu.memory_space<hbm>> -> memref<1x128xi32, #tpu.memory_space<hbm>>
    %dma_wait3A_83 = tpu.memref_squeeze %dma_wait3A_82 : memref<1x128xi32, #tpu.memory_space<hbm>> -> memref<128xi32, #tpu.memory_space<hbm>>
    tpu.wait_dma2 semaphore(%arg19 : memref<!tpu.dma_semaphore, #tpu.memory_space<semaphore_mem>>) src(%dma_wait3A_83 : memref<128xi32, #tpu.memory_space<hbm>>) dst(%arg10 : memref<128xi32, #tpu.memory_space<vmem>>)
    %dma_wait3A_84 = arith.constant 0 : i32
    %dma_wait3A_85 = tpu.memref_slice %arg4[%select_n3A, %dma_wait3A_84] : memref<2528x128xi32, #tpu.memory_space<hbm>> -> memref<1x128xi32, #tpu.memory_space<hbm>>
    %dma_wait3A_86 = tpu.memref_squeeze %dma_wait3A_85 : memref<1x128xi32, #tpu.memory_space<hbm>> -> memref<128xi32, #tpu.memory_space<hbm>>
    %dma_wait3A_87 = arith.constant 0 : i32
    %dma_wait3A_88 = tpu.memref_slice %arg4[%select_n3A, %dma_wait3A_87] : memref<2528x128xi32, #tpu.memory_space<hbm>> -> memref<1x128xi32, #tpu.memory_space<hbm>>
    %dma_wait3A_89 = tpu.memref_squeeze %dma_wait3A_88 : memref<1x128xi32, #tpu.memory_space<hbm>> -> memref<128xi32, #tpu.memory_space<hbm>>
    tpu.wait_dma2 semaphore(%arg20 : memref<!tpu.dma_semaphore, #tpu.memory_space<semaphore_mem>>) src(%dma_wait3A_89 : memref<128xi32, #tpu.memory_space<hbm>>) dst(%arg11 : memref<128xi32, #tpu.memory_space<vmem>>)
    %dma_wait3A_90 = arith.constant 0 : i32
    %dma_wait3A_91 = tpu.memref_slice %arg4[%select_n3A, %dma_wait3A_90] : memref<2528x128xi32, #tpu.memory_space<hbm>> -> memref<1x128xi32, #tpu.memory_space<hbm>>
    %dma_wait3A_92 = tpu.memref_squeeze %dma_wait3A_91 : memref<1x128xi32, #tpu.memory_space<hbm>> -> memref<128xi32, #tpu.memory_space<hbm>>
    %dma_wait3A_93 = arith.constant 0 : i32
    %dma_wait3A_94 = tpu.memref_slice %arg4[%select_n3A, %dma_wait3A_93] : memref<2528x128xi32, #tpu.memory_space<hbm>> -> memref<1x128xi32, #tpu.memory_space<hbm>>
    %dma_wait3A_95 = tpu.memref_squeeze %dma_wait3A_94 : memref<1x128xi32, #tpu.memory_space<hbm>> -> memref<128xi32, #tpu.memory_space<hbm>>
    tpu.wait_dma2 semaphore(%arg21 : memref<!tpu.dma_semaphore, #tpu.memory_space<semaphore_mem>>) src(%dma_wait3A_95 : memref<128xi32, #tpu.memory_space<hbm>>) dst(%arg12 : memref<128xi32, #tpu.memory_space<vmem>>)
    %barrier3A_96 = arith.constant 0 : index
    tpu.barrier barrier_id(%barrier3A_96)
    "tpu.region"() ({
      %run_scoped3A = tpu.sem_alloc : memref<!tpu.dma_semaphore, #tpu.memory_space<semaphore_mem>>
      %dma_start3A_97 = arith.constant 0 : i32
      %dma_start3A_98 = tpu.memref_slice %arg8[%arg0, %mul3A_0, %dma_start3A_97] : memref<2x10240x128xf32, #tpu.memory_space<hbm>> -> memref<1x640x128xf32, #tpu.memory_space<hbm>>
      %dma_start3A_99 = tpu.memref_squeeze %dma_start3A_98 : memref<1x640x128xf32, #tpu.memory_space<hbm>> -> memref<640x128xf32, #tpu.memory_space<hbm>>
      %dma_start3A_100 = arith.constant 0 : i32
      %dma_start3A_101 = tpu.memref_slice %arg15[%mul3A_0, %dma_start3A_100] : memref<10240x128xf32, #tpu.memory_space<vmem_shared>> -> memref<640x128xf32, #tpu.memory_space<vmem_shared>>
      tpu.enqueue_dma source(%dma_start3A_101 : memref<640x128xf32, #tpu.memory_space<vmem_shared>>) target(%dma_start3A_99 : memref<640x128xf32, #tpu.memory_space<hbm>>) target_semaphore(%run_scoped3A : memref<!tpu.dma_semaphore, #tpu.memory_space<semaphore_mem>>)
      %dma_wait3A_102 = arith.constant 0 : i32
      %dma_wait3A_103 = tpu.memref_slice %arg8[%arg0, %mul3A_0, %dma_wait3A_102] : memref<2x10240x128xf32, #tpu.memory_space<hbm>> -> memref<1x640x128xf32, #tpu.memory_space<hbm>>
      %dma_wait3A_104 = tpu.memref_squeeze %dma_wait3A_103 : memref<1x640x128xf32, #tpu.memory_space<hbm>> -> memref<640x128xf32, #tpu.memory_space<hbm>>
      %dma_wait3A_105 = arith.constant 0 : i32
      %dma_wait3A_106 = tpu.memref_slice %arg15[%mul3A_0, %dma_wait3A_105] : memref<10240x128xf32, #tpu.memory_space<vmem_shared>> -> memref<640x128xf32, #tpu.memory_space<vmem_shared>>
      tpu.wait_dma2 semaphore(%run_scoped3A : memref<!tpu.dma_semaphore, #tpu.memory_space<semaphore_mem>>) src(%dma_wait3A_106 : memref<640x128xf32, #tpu.memory_space<vmem_shared>>) dst(%dma_wait3A_104 : memref<640x128xf32, #tpu.memory_space<hbm>>)
      tpu.yield
    }) : () -> ()
    return
  }
}

module attributes {stable_mosaic.version = 14 : i64} {
  func.func @body(%arg0: i32, %arg1: memref<1000x128xf32, #tpu.memory_space<vmem>>, %arg2: memref<128x128xf32, #tpu.memory_space<vmem>>, %arg3: memref<128x128xf32, #tpu.memory_space<vmem>>, %arg4: memref<1x128xf32, #tpu.memory_space<vmem>>, %arg5: memref<1000x128xf32, #tpu.memory_space<vmem>>, %arg6: memref<1000x128xf32, #tpu.memory_space<vmem>>) attributes {dimension_semantics = [#tpu.dimension_semantics<arbitrary>], iteration_bounds = array<i64: 10>, scalar_prefetch = 0 : i64, scratch_operands = 0 : i64, tpu.core_type = #tpu.core_type<tc>, window_params = [{transform_indices = @transform_0, window_bounds = array<i64: 1000, 128>}, {pipeline_mode = #tpu.pipeline_mode<synchronous>, transform_indices = @transform_1, window_bounds = array<i64: 128, 128>}, {pipeline_mode = #tpu.pipeline_mode<synchronous>, transform_indices = @transform_2, window_bounds = array<i64: 128, 128>}, {pipeline_mode = #tpu.pipeline_mode<synchronous>, transform_indices = @transform_3, window_bounds = array<i64: 1, 128>}, {transform_indices = @transform_4, window_bounds = array<i64: 1000, 128>}, {transform_indices = @transform_5, window_bounds = array<i64: 1000, 128>}]} {
    %get3A = arith.constant 0 : index
    %get3A_0 = arith.constant 0 : index
    %get3A_1 = vector.load %arg1[%get3A, %get3A_0] : memref<1000x128xf32, #tpu.memory_space<vmem>>, vector<1000x128xf32>
    %get3A_2 = arith.constant 0 : index
    %get3A_3 = arith.constant 0 : index
    %get3A_4 = vector.load %arg2[%get3A_2, %get3A_3] : memref<128x128xf32, #tpu.memory_space<vmem>>, vector<128x128xf32>
    %dot_general3A = arith.constant dense<0.000000e+00> : vector<1000x128xf32>
    %dot_general3A_5 = tpu.matmul %get3A_1, %get3A_4, %dot_general3A {dimension_numbers = #tpu.dot_dimension_numbers<[1], [0], [0], [1], [0, 0, 1, 1], [], []>, transpose_lhs_hint = false} : vector<1000x128xf32>, vector<128x128xf32>, vector<1000x128xf32> -> vector<1000x128xf32>
    %get3A_6 = arith.constant 0 : index
    %get3A_7 = arith.constant 0 : index
    %get3A_8 = vector.load %arg4[%get3A_6, %get3A_7] : memref<1x128xf32, #tpu.memory_space<vmem>>, vector<1x128xf32>
    %add3A = vector.broadcast %get3A_8 : vector<1x128xf32> to vector<1000x128xf32>
    %add3A_9 = arith.addf %dot_general3A_5, %add3A : vector<1000x128xf32>
    %swap3A = arith.constant 0 : index
    %swap3A_10 = arith.constant 0 : index
    %swap3A_11 = vector.load %arg5[%swap3A, %swap3A_10] : memref<1000x128xf32, #tpu.memory_space<vmem>>, vector<1000x128xf32>
    tpu.vector_store %arg5[%swap3A, %swap3A_10], %add3A_9 {strides = array<i32>} : memref<1000x128xf32, #tpu.memory_space<vmem>>, vector<1000x128xf32>,
    %get3A_12 = arith.constant 0 : index
    %get3A_13 = arith.constant 0 : index
    %get3A_14 = vector.load %arg3[%get3A_12, %get3A_13] : memref<128x128xf32, #tpu.memory_space<vmem>>, vector<128x128xf32>
    %dot_general3A_15 = arith.constant dense<0.000000e+00> : vector<1000x128xf32>
    %dot_general3A_16 = tpu.matmul %get3A_1, %get3A_14, %dot_general3A_15 {dimension_numbers = #tpu.dot_dimension_numbers<[1], [0], [0], [1], [0, 0, 1, 1], [], []>, transpose_lhs_hint = false} : vector<1000x128xf32>, vector<128x128xf32>, vector<1000x128xf32> -> vector<1000x128xf32>
    %swap3A_17 = arith.constant 0 : index
    %swap3A_18 = arith.constant 0 : index
    %swap3A_19 = vector.load %arg6[%swap3A_17, %swap3A_18] : memref<1000x128xf32, #tpu.memory_space<vmem>>, vector<1000x128xf32>
    tpu.vector_store %arg6[%swap3A_17, %swap3A_18], %dot_general3A_16 {strides = array<i32>} : memref<1000x128xf32, #tpu.memory_space<vmem>>, vector<1000x128xf32>,
    return
  }
  func.func @transform_0(%arg0: i32) -> (i32, i32) {
    %c0_i32 = arith.constant 0 : i32
    %c0_i32_0 = arith.constant 0 : i32
    return %arg0, %c0_i32 : i32, i32
  }
  func.func @transform_1(%arg0: i32) -> (i32, i32) {
    %c0_i32 = arith.constant 0 : i32
    %c0_i32_0 = arith.constant 0 : i32
    %c0_i32_1 = arith.constant 0 : i32
    return %c0_i32, %c0_i32_0 : i32, i32
  }
  func.func @transform_2(%arg0: i32) -> (i32, i32) {
    %c0_i32 = arith.constant 0 : i32
    %c0_i32_0 = arith.constant 0 : i32
    %c0_i32_1 = arith.constant 0 : i32
    return %c0_i32, %c0_i32_0 : i32, i32
  }
  func.func @transform_3(%arg0: i32) -> (i32, i32) {
    %c0_i32 = arith.constant 0 : i32
    %c0_i32_0 = arith.constant 0 : i32
    %c0_i32_1 = arith.constant 0 : i32
    return %c0_i32, %c0_i32_0 : i32, i32
  }
  func.func @transform_4(%arg0: i32) -> (i32, i32) {
    %c0_i32 = arith.constant 0 : i32
    %c0_i32_0 = arith.constant 0 : i32
    return %arg0, %c0_i32 : i32, i32
  }
  func.func @transform_5(%arg0: i32) -> (i32, i32) {
    %c0_i32 = arith.constant 0 : i32
    %c0_i32_0 = arith.constant 0 : i32
    return %arg0, %c0_i32 : i32, i32
  }
}

module attributes {stable_mosaic.version = 14 : i64} {
  func.func @body(%arg0: i32, %arg1: memref<1000x128xf32, #tpu.memory_space<vmem>>, %arg2: memref<2x1000x128xf32, #tpu.memory_space<vmem>>, %arg3: memref<2x1000x1xf32, #tpu.memory_space<vmem>>, %arg4: memref<128x128xf32, #tpu.memory_space<vmem>>, %arg5: memref<128x128xf32, #tpu.memory_space<vmem>>, %arg6: memref<1x128xf32, #tpu.memory_space<vmem>>, %arg7: memref<1000x128xf32, #tpu.memory_space<vmem>>, %arg8: memref<1000x128xf32, #tpu.memory_space<vmem>>) attributes {dimension_semantics = [#tpu.dimension_semantics<arbitrary>], iteration_bounds = array<i64: 10>, scalar_prefetch = 0 : i64, scratch_operands = 0 : i64, tpu.core_type = #tpu.core_type<tc>, window_params = [{transform_indices = @transform_0, window_bounds = array<i64: 1000, 128>}, {transform_indices = @transform_1, window_bounds = array<i64: 2, 1000, 128>}, {transform_indices = @transform_2, window_bounds = array<i64: 2, 1000, 1>}, {pipeline_mode = #tpu.pipeline_mode<synchronous>, transform_indices = @transform_3, window_bounds = array<i64: 128, 128>}, {pipeline_mode = #tpu.pipeline_mode<synchronous>, transform_indices = @transform_4, window_bounds = array<i64: 128, 128>}, {pipeline_mode = #tpu.pipeline_mode<synchronous>, transform_indices = @transform_5, window_bounds = array<i64: 1, 128>}, {transform_indices = @transform_6, window_bounds = array<i64: 1000, 128>}, {transform_indices = @transform_7, window_bounds = array<i64: 1000, 128>}]} {
    %get3A = arith.constant 0 : index
    %get3A_0 = arith.constant 0 : index
    %get3A_1 = arith.constant 0 : index
    %get3A_2 = vector.load %arg3[%get3A, %get3A_0, %get3A_1] : memref<2x1000x1xf32, #tpu.memory_space<vmem>>, vector<1x1000x1xf32>
    %get3A_3 = vector.shape_cast %get3A_2 : vector<1x1000x1xf32> to vector<1000x1xf32>
    %get3A_4 = arith.constant 1 : index
    %get3A_5 = arith.constant 0 : index
    %get3A_6 = arith.constant 0 : index
    %get3A_7 = vector.load %arg3[%get3A_4, %get3A_5, %get3A_6] : memref<2x1000x1xf32, #tpu.memory_space<vmem>>, vector<1x1000x1xf32>
    %get3A_8 = vector.shape_cast %get3A_7 : vector<1x1000x1xf32> to vector<1000x1xf32>
    %add3A = arith.addf %get3A_3, %get3A_8 : vector<1000x1xf32>
    %max3A = arith.constant 1.000000e+00 : f32
    %max3A_9 = vector.broadcast %max3A : f32 to vector<1000x1xf32>
    %max3A_10 = arith.maximumf %add3A, %max3A_9 : vector<1000x1xf32>
    %div3A = arith.constant 1.000000e+00 : f32
    %div3A_11 = vector.broadcast %div3A : f32 to vector<1000x1xf32>
    %div3A_12 = arith.divf %div3A_11, %max3A_10 : vector<1000x1xf32>
    %get3A_13 = arith.constant 0 : index
    %get3A_14 = arith.constant 0 : index
    %get3A_15 = vector.load %arg1[%get3A_13, %get3A_14] : memref<1000x128xf32, #tpu.memory_space<vmem>>, vector<1000x128xf32>
    %get3A_16 = arith.constant 0 : index
    %get3A_17 = arith.constant 0 : index
    %get3A_18 = arith.constant 0 : index
    %get3A_19 = vector.load %arg2[%get3A_16, %get3A_17, %get3A_18] : memref<2x1000x128xf32, #tpu.memory_space<vmem>>, vector<1x1000x128xf32>
    %get3A_20 = vector.shape_cast %get3A_19 : vector<1x1000x128xf32> to vector<1000x128xf32>
    %get3A_21 = arith.constant 1 : index
    %get3A_22 = arith.constant 0 : index
    %get3A_23 = arith.constant 0 : index
    %get3A_24 = vector.load %arg2[%get3A_21, %get3A_22, %get3A_23] : memref<2x1000x128xf32, #tpu.memory_space<vmem>>, vector<1x1000x128xf32>
    %get3A_25 = vector.shape_cast %get3A_24 : vector<1x1000x128xf32> to vector<1000x128xf32>
    %add3A_26 = arith.addf %get3A_20, %get3A_25 : vector<1000x128xf32>
    %mul3A = vector.broadcast %div3A_12 : vector<1000x1xf32> to vector<1000x128xf32>
    %mul3A_27 = arith.mulf %add3A_26, %mul3A : vector<1000x128xf32>
    %add3A_28 = arith.addf %get3A_15, %mul3A_27 : vector<1000x128xf32>
    %max3A_29 = arith.constant 0.000000e+00 : f32
    %max3A_30 = vector.broadcast %max3A_29 : f32 to vector<1000x128xf32>
    %max3A_31 = arith.maximumf %add3A_28, %max3A_30 : vector<1000x128xf32>
    %get3A_32 = arith.constant 0 : index
    %get3A_33 = arith.constant 0 : index
    %get3A_34 = vector.load %arg4[%get3A_32, %get3A_33] : memref<128x128xf32, #tpu.memory_space<vmem>>, vector<128x128xf32>
    %dot_general3A = arith.constant dense<0.000000e+00> : vector<1000x128xf32>
    %dot_general3A_35 = tpu.matmul %max3A_31, %get3A_34, %dot_general3A {dimension_numbers = #tpu.dot_dimension_numbers<[1], [0], [0], [1], [0, 0, 1, 1], [], []>, transpose_lhs_hint = false} : vector<1000x128xf32>, vector<128x128xf32>, vector<1000x128xf32> -> vector<1000x128xf32>
    %get3A_36 = arith.constant 0 : index
    %get3A_37 = arith.constant 0 : index
    %get3A_38 = vector.load %arg6[%get3A_36, %get3A_37] : memref<1x128xf32, #tpu.memory_space<vmem>>, vector<1x128xf32>
    %add3A_39 = vector.broadcast %get3A_38 : vector<1x128xf32> to vector<1000x128xf32>
    %add3A_40 = arith.addf %dot_general3A_35, %add3A_39 : vector<1000x128xf32>
    %swap3A = arith.constant 0 : index
    %swap3A_41 = arith.constant 0 : index
    %swap3A_42 = vector.load %arg7[%swap3A, %swap3A_41] : memref<1000x128xf32, #tpu.memory_space<vmem>>, vector<1000x128xf32>
    tpu.vector_store %arg7[%swap3A, %swap3A_41], %add3A_40 {strides = array<i32>} : memref<1000x128xf32, #tpu.memory_space<vmem>>, vector<1000x128xf32>,
    %get3A_43 = arith.constant 0 : index
    %get3A_44 = arith.constant 0 : index
    %get3A_45 = vector.load %arg5[%get3A_43, %get3A_44] : memref<128x128xf32, #tpu.memory_space<vmem>>, vector<128x128xf32>
    %dot_general3A_46 = arith.constant dense<0.000000e+00> : vector<1000x128xf32>
    %dot_general3A_47 = tpu.matmul %max3A_31, %get3A_45, %dot_general3A_46 {dimension_numbers = #tpu.dot_dimension_numbers<[1], [0], [0], [1], [0, 0, 1, 1], [], []>, transpose_lhs_hint = false} : vector<1000x128xf32>, vector<128x128xf32>, vector<1000x128xf32> -> vector<1000x128xf32>
    %swap3A_48 = arith.constant 0 : index
    %swap3A_49 = arith.constant 0 : index
    %swap3A_50 = vector.load %arg8[%swap3A_48, %swap3A_49] : memref<1000x128xf32, #tpu.memory_space<vmem>>, vector<1000x128xf32>
    tpu.vector_store %arg8[%swap3A_48, %swap3A_49], %dot_general3A_47 {strides = array<i32>} : memref<1000x128xf32, #tpu.memory_space<vmem>>, vector<1000x128xf32>,
    return
  }
  func.func @transform_0(%arg0: i32) -> (i32, i32) {
    %c0_i32 = arith.constant 0 : i32
    %c0_i32_0 = arith.constant 0 : i32
    return %arg0, %c0_i32 : i32, i32
  }
  func.func @transform_1(%arg0: i32) -> (i32, i32, i32) {
    %c0_i32 = arith.constant 0 : i32
    %c0_i32_0 = arith.constant 0 : i32
    %c0_i32_1 = arith.constant 0 : i32
    return %c0_i32, %arg0, %c0_i32_0 : i32, i32, i32
  }
  func.func @transform_2(%arg0: i32) -> (i32, i32, i32) {
    %c0_i32 = arith.constant 0 : i32
    %c0_i32_0 = arith.constant 0 : i32
    %c0_i32_1 = arith.constant 0 : i32
    return %c0_i32, %arg0, %c0_i32_0 : i32, i32, i32
  }
  func.func @transform_3(%arg0: i32) -> (i32, i32) {
    %c0_i32 = arith.constant 0 : i32
    %c0_i32_0 = arith.constant 0 : i32
    %c0_i32_1 = arith.constant 0 : i32
    return %c0_i32, %c0_i32_0 : i32, i32
  }
  func.func @transform_4(%arg0: i32) -> (i32, i32) {
    %c0_i32 = arith.constant 0 : i32
    %c0_i32_0 = arith.constant 0 : i32
    %c0_i32_1 = arith.constant 0 : i32
    return %c0_i32, %c0_i32_0 : i32, i32
  }
  func.func @transform_5(%arg0: i32) -> (i32, i32) {
    %c0_i32 = arith.constant 0 : i32
    %c0_i32_0 = arith.constant 0 : i32
    %c0_i32_1 = arith.constant 0 : i32
    return %c0_i32, %c0_i32_0 : i32, i32
  }
  func.func @transform_6(%arg0: i32) -> (i32, i32) {
    %c0_i32 = arith.constant 0 : i32
    %c0_i32_0 = arith.constant 0 : i32
    return %arg0, %c0_i32 : i32, i32
  }
  func.func @transform_7(%arg0: i32) -> (i32, i32) {
    %c0_i32 = arith.constant 0 : i32
    %c0_i32_0 = arith.constant 0 : i32
    return %arg0, %c0_i32 : i32, i32
  }
}

module attributes {stable_mosaic.version = 14 : i64} {
  func.func @body(%arg0: i32, %arg1: memref<1000x128xf32, #tpu.memory_space<vmem>>, %arg2: memref<2x1000x128xf32, #tpu.memory_space<vmem>>, %arg3: memref<2x1000x1xf32, #tpu.memory_space<vmem>>, %arg4: memref<1000x128xf32, #tpu.memory_space<vmem>>) attributes {dimension_semantics = [#tpu.dimension_semantics<arbitrary>], iteration_bounds = array<i64: 10>, scalar_prefetch = 0 : i64, scratch_operands = 0 : i64, tpu.core_type = #tpu.core_type<tc>, window_params = [{transform_indices = @transform_0, window_bounds = array<i64: 1000, 128>}, {transform_indices = @transform_1, window_bounds = array<i64: 2, 1000, 128>}, {transform_indices = @transform_2, window_bounds = array<i64: 2, 1000, 1>}, {transform_indices = @transform_3, window_bounds = array<i64: 1000, 128>}]} {
    %get3A = arith.constant 0 : index
    %get3A_0 = arith.constant 0 : index
    %get3A_1 = arith.constant 0 : index
    %get3A_2 = vector.load %arg3[%get3A, %get3A_0, %get3A_1] : memref<2x1000x1xf32, #tpu.memory_space<vmem>>, vector<1x1000x1xf32>
    %get3A_3 = vector.shape_cast %get3A_2 : vector<1x1000x1xf32> to vector<1000x1xf32>
    %get3A_4 = arith.constant 1 : index
    %get3A_5 = arith.constant 0 : index
    %get3A_6 = arith.constant 0 : index
    %get3A_7 = vector.load %arg3[%get3A_4, %get3A_5, %get3A_6] : memref<2x1000x1xf32, #tpu.memory_space<vmem>>, vector<1x1000x1xf32>
    %get3A_8 = vector.shape_cast %get3A_7 : vector<1x1000x1xf32> to vector<1000x1xf32>
    %add3A = arith.addf %get3A_3, %get3A_8 : vector<1000x1xf32>
    %max3A = arith.constant 1.000000e+00 : f32
    %max3A_9 = vector.broadcast %max3A : f32 to vector<1000x1xf32>
    %max3A_10 = arith.maximumf %add3A, %max3A_9 : vector<1000x1xf32>
    %div3A = arith.constant 1.000000e+00 : f32
    %div3A_11 = vector.broadcast %div3A : f32 to vector<1000x1xf32>
    %div3A_12 = arith.divf %div3A_11, %max3A_10 : vector<1000x1xf32>
    %get3A_13 = arith.constant 0 : index
    %get3A_14 = arith.constant 0 : index
    %get3A_15 = vector.load %arg1[%get3A_13, %get3A_14] : memref<1000x128xf32, #tpu.memory_space<vmem>>, vector<1000x128xf32>
    %get3A_16 = arith.constant 0 : index
    %get3A_17 = arith.constant 0 : index
    %get3A_18 = arith.constant 0 : index
    %get3A_19 = vector.load %arg2[%get3A_16, %get3A_17, %get3A_18] : memref<2x1000x128xf32, #tpu.memory_space<vmem>>, vector<1x1000x128xf32>
    %get3A_20 = vector.shape_cast %get3A_19 : vector<1x1000x128xf32> to vector<1000x128xf32>
    %get3A_21 = arith.constant 1 : index
    %get3A_22 = arith.constant 0 : index
    %get3A_23 = arith.constant 0 : index
    %get3A_24 = vector.load %arg2[%get3A_21, %get3A_22, %get3A_23] : memref<2x1000x128xf32, #tpu.memory_space<vmem>>, vector<1x1000x128xf32>
    %get3A_25 = vector.shape_cast %get3A_24 : vector<1x1000x128xf32> to vector<1000x128xf32>
    %add3A_26 = arith.addf %get3A_20, %get3A_25 : vector<1000x128xf32>
    %mul3A = vector.broadcast %div3A_12 : vector<1000x1xf32> to vector<1000x128xf32>
    %mul3A_27 = arith.mulf %add3A_26, %mul3A : vector<1000x128xf32>
    %add3A_28 = arith.addf %get3A_15, %mul3A_27 : vector<1000x128xf32>
    %swap3A = arith.constant 0 : index
    %swap3A_29 = arith.constant 0 : index
    %swap3A_30 = vector.load %arg4[%swap3A, %swap3A_29] : memref<1000x128xf32, #tpu.memory_space<vmem>>, vector<1000x128xf32>
    tpu.vector_store %arg4[%swap3A, %swap3A_29], %add3A_28 {strides = array<i32>} : memref<1000x128xf32, #tpu.memory_space<vmem>>, vector<1000x128xf32>,
    return
  }
  func.func @transform_0(%arg0: i32) -> (i32, i32) {
    %c0_i32 = arith.constant 0 : i32
    %c0_i32_0 = arith.constant 0 : i32
    return %arg0, %c0_i32 : i32, i32
  }
  func.func @transform_1(%arg0: i32) -> (i32, i32, i32) {
    %c0_i32 = arith.constant 0 : i32
    %c0_i32_0 = arith.constant 0 : i32
    %c0_i32_1 = arith.constant 0 : i32
    return %c0_i32, %arg0, %c0_i32_0 : i32, i32, i32
  }
  func.func @transform_2(%arg0: i32) -> (i32, i32, i32) {
    %c0_i32 = arith.constant 0 : i32
    %c0_i32_0 = arith.constant 0 : i32
    %c0_i32_1 = arith.constant 0 : i32
    return %c0_i32, %arg0, %c0_i32_0 : i32, i32, i32
  }
  func.func @transform_3(%arg0: i32) -> (i32, i32) {
    %c0_i32 = arith.constant 0 : i32
    %c0_i32_0 = arith.constant 0 : i32
    return %arg0, %c0_i32 : i32, i32
  }
}

</mosaic_0001>

<sc_bundles>
// kernel: kernel.12.cloned.1.call-start
scs
__scs_entry_jumppad:
0x0: {  	(pc) =	sbr.rel $0x88, $3  }
0x1: {  	(tag) =	ssettag $0x0;
	lr =	simm.s32 $0x1  }
0x2: {  	[smem:$0x3F96] =	sst lr;
	_ =	strace $0xD0000000  }
0x3: {  	_ = 	snop  }
0x4: {  	_ = 	snop  }
0x5: {  	_ = 	snop  }
0x6: {  	_ = 	snop  }
0x7: {  	_ = 	snop  }
__scs_overlays_trampoline_lowered:
0x8: {  	[smem:$0x3FA5] =	sst s0  }
0x9: {  	[smem:$0x3FA6] =	sst s1  }
0xa: {  	[smem:$0x3FA7] =	sst s2  }
0xb: {  	[smem:$0x3FA8] =	sst s3  }
0xc: {  	[smem:$0x3FA9] =	sst s4  }
0xd: {  	[smem:$0x3FAA] =	sst s5  }
0xe: {  	[smem:$0x3FAB] =	sst s6  }
0xf: {  	[smem:$0x3FAC] =	sst s7  }
0x10: {  	[smem:$0x3FAD] =	sst s8  }
0x11: {  	[smem:$0x3FAE] =	sst s9;
	s0 =	simm.s32 @!p0 $0x0  }
0x12: {  	s1 =	sld [smem:$0x3F94];
	s0 =	simm.s32 @p0 $0x1  }
0x13: {  	[smem:$0x3FAF] =	sst s0;
	s0 =	simm.s32 @!p1 $0x0  }
0x14: {  	s2 =	sld [smem:$0x3F93];
	s0 =	simm.s32 @p1 $0x1  }
0x15: {  	[smem:$0x3FB0] =	sst s0;
	s0 =	simm.s32 @!p2 $0x0  }
0x16: {  	s3 =	sld [smem:$0x3FDB];
	s0 =	simm.s32 @p2 $0x1  }
0x17: {  	s4 =	simm.s32 $0x1BF5;
	[smem:$0x3FB2] =	sst s0  }
0x18: {  	s0 =	sld [smem:$0x3F95];
	_ =	swait.ge [sflag:s4], $0x0  }
0x19: {  	s7 =	sld [smem:$0x3F96]  }
0x1a: {  	s8 =	sadd.s32 $0xFFFFE003, lr  }
0x1b: {  	s9 =	sadd.s32 $0xFFFFFEF7, lr;
	s5 =	simm.s32 $0xFFFFFFFF;
	p2 =	slt.u32 s8, $0xFFFFF086  }
0x1c: {  	p1 =	slt.u32 s9, $0xF7A;
	s5 =	simm.s32 @!p2 $0x0  }
0x1d: {  	s5 =	simm.s32 @p1 $0x1;
	p0 =	seq.s32 s7, s2  }
0x1e: {  	s7 =	smul.u32 @!p0 $0xF7A, s2;
	p2 =	seq.s32 @!p0 s5, $0x0  }
0x1f: {  	s9 =	smul.u32 $0xF7A, s1;
	s8 =	simm.s32 @!p0 $0x1BF5;
	p2 =	por !p2, p0  }
0x20: {  	[sflag:s8] =	ssyncset.s32 @!p0 $0xFFFFF086;
	s6 =	sadd.s32 @!p0 s3, s7;
	s7 =	simm.s32 @!p0 $0x108  }
0x21: {  	s3 =	sadd.s32 s3, s9;
	s6 =	sadd.s32 @!p0 $0x88, s6;
	s7 =	simm.s32 @p2 $0x1082  }
0x22: {  	[simem:s7], [sflag:s8] =	dma.local @!p0 [hbm:s6], $0xF7A  }
0x23: {  	s9 =	sor.u32 $0xD0000000, s2;
	s6 =	simm.s32 $0x108;
	_ =	swait.ge @!p0 [sflag:s8], $0x0  }
0x24: {  	s3 =	sadd.s32 $0x88, s3;
	s6 =	simm.s32 @!p1 $0x1082;
	[sflag:s4] =	ssyncset.s32 $0xFFFFF086  }
0x25: {  	[simem:s6], [sflag:s4] =	dma.local [hbm:s3], $0xF7A  }
0x26: {  	[smem:$0x3F96] =	sst s1;
	(tag) =	ssettag s2;
	_ =	strace s9  }
0x27: {  	s1 =	sld [smem:$0x3FA6]  }
0x28: {  	s2 =	sld [smem:$0x3FA7]  }
0x29: {  	s4 =	sld [smem:$0x3FA9]  }
0x2a: {  	p0 =	seq.s32 s5, $0x0;
	s5 =	sld [smem:$0x3FAA]  }
0x2b: {  	s6 =	sld [smem:$0x3FAB]  }
0x2c: {  	s7 =	sld [smem:$0x3FAC]  }
0x2d: {  	s3 =	simm.s32 $0x108;
	s8 =	sld [smem:$0x3FAD]  }
0x2e: {  	s3 =	simm.s32 @!p0 $0x1082;
	s9 =	sld [smem:$0x3FAE]  }
0x2f: {  	lr =	sadd.s32 s0, s3;
	s0 =	sld [smem:$0x3FA5]  }
0x30: {  	s3 =	sld [smem:$0x3FA8]  }
0x31: {  	[smem:$0x3FB1] =	sst s10  }
0x32: {  	s10 =	sld [smem:$0x3FAF];
	_ =	sdelay $0x3  }
0x33: {  	p0 =	seq.s32 s10, $0x1;
	s10 =	sld [smem:$0x3FB1];
	_ =	sdelay $0x3  }
0x34: {  	[smem:$0x3FB1] =	sst s10  }
0x35: {  	s10 =	sld [smem:$0x3FB0];
	_ =	sdelay $0x3  }
0x36: {  	p1 =	seq.s32 s10, $0x1;
	s10 =	sld [smem:$0x3FB1];
	_ =	sdelay $0x3  }
0x37: {  	[smem:$0x3FB1] =	sst s10  }
0x38: {  	s10 =	sld [smem:$0x3FB2]  }
0x39: {  	_ = 	snop;
	(pc) =	sbr.ind lr, $3  }
0x3a: {  	_ = 	snop  }
0x3b: {  	_ = 	snop  }
0x3c: {  	p2 =	seq.s32 s10, $0x1;
	s10 =	sld [smem:$0x3FB1]  }
0x3d: {  	_ =	shalt  }
0x3e: {  	_ =	shalt  }
0x3f: {  	_ =	shalt  }
0x40: {  	_ =	shalt  }
0x41: {  	_ =	shalt  }
0x42: {  	_ =	shalt  }
0x43: {  	_ =	shalt  }
0x44: {  	_ =	shalt  }
0x45: {  	_ =	shalt  }
0x46: {  	_ =	shalt  }
0x47: {  	_ =	shalt  }
0x48: {  	_ =	shalt  }
0x49: {  	_ =	shalt  }
0x4a: {  	_ =	shalt  }
0x4b: {  	_ =	shalt  }
0x4c: {  	_ =	shalt  }
0x4d: {  	_ =	shalt  }
0x4e: {  	_ =	shalt  }
0x4f: {  	_ =	shalt  }
0x50: {  	_ =	shalt  }
0x51: {  	_ =	shalt  }
0x52: {  	_ =	shalt  }
0x53: {  	_ =	shalt  }
0x54: {  	_ =	shalt  }
0x55: {  	_ =	shalt  }
0x56: {  	_ =	shalt  }
0x57: {  	_ =	shalt  }
0x58: {  	_ =	shalt  }
0x59: {  	_ =	shalt  }
0x5a: {  	_ =	shalt  }
0x5b: {  	_ =	shalt  }
0x5c: {  	_ =	shalt  }
0x5d: {  	_ =	shalt  }
0x5e: {  	_ =	shalt  }
0x5f: {  	_ =	shalt  }
0x60: {  	_ =	shalt  }
0x61: {  	_ =	shalt  }
0x62: {  	_ =	shalt  }
0x63: {  	_ =	shalt  }
0x64: {  	_ =	shalt  }
0x65: {  	_ =	shalt  }
0x66: {  	_ =	shalt  }
0x67: {  	_ =	shalt  }
0x68: {  	_ =	shalt  }
0x69: {  	_ =	shalt  }
0x6a: {  	_ =	shalt  }
0x6b: {  	_ =	shalt  }
0x6c: {  	_ =	shalt  }
0x6d: {  	_ =	shalt  }
0x6e: {  	_ =	shalt  }
0x6f: {  	_ =	shalt  }
0x70: {  	_ =	shalt  }
0x71: {  	_ =	shalt  }
0x72: {  	_ =	shalt  }
0x73: {  	_ =	shalt  }
0x74: {  	_ =	shalt  }
0x75: {  	_ =	shalt  }
0x76: {  	_ =	shalt  }
0x77: {  	_ =	shalt  }
0x78: {  	_ =	shalt  }
0x79: {  	_ =	shalt  }
0x7a: {  	_ =	shalt  }
0x7b: {  	_ =	shalt  }
0x7c: {  	_ =	shalt  }
0x7d: {  	_ =	shalt  }
0x7e: {  	_ =	shalt  }
0x7f: {  	_ =	shalt  }
0x80: {  	_ =	shalt  }
0x81: {  	_ =	shalt  }
0x82: {  	_ =	shalt  }
0x83: {  	_ =	shalt  }
0x84: {  	_ =	shalt  }
0x85: {  	_ =	shalt  }
0x86: {  	_ =	shalt  }
0x87: {  	_ =	shalt  }
.Lfunc_end0:
.L_simem_size_0:
called_computation.1_lowered:
.L_overlay_start_0:
0x88: {  	s2 =	sld [smem:$0x3FD9]  }
0x89: {  	s3 =	sld [smem:$0x3FFE];
	_ =	sdelay $0x1  }
0x8a: {  	s1 =	srdreg.scid  }
0x8b: {  	s0 =	sand.u32 $0x1, s1  }
0x8c: {  	s17 =	sshll.u32 s0, $0xA;
	s2 =	sadd.s32 s3, s2  }
0x8d: {  	s2 =	sadd.s32 s2, s17  }
0x8e: {  	[smem:$0x3FBD] =	sst s2  }
0x8f: {  	_ = 	snop  }
0x90: {  	s2 =	sld [smem:$0x3FD0];
	(tm) =	ssettm $0x1  }
0x91: {  	s18 =	sld [smem:$0x3FFB];
	_ =	sdelay $0x3  }
0x92: {  	_ =	strace s18  }
0x93: {  	s3 =	sld [smem:$0x3FFC];
	_ =	sdelay $0x3  }
0x94: {  	_ =	strace s3  }
0x95: {  	s3 =	sld [smem:$0x3FFD];
	_ =	sdelay $0x3  }
0x96: {  	_ =	strace s3  }
0x97: {  	_ =	strace $0x8FFFFFFF  }
0x98: {  	s19 =	sld [smem:$0x3FDB];
	_ =	sdelay $0x1  }
0x99: {  	s4 =	simm.s32 $_scs_section_size  }
0x9a: {  	s5 =	simm.s32 $_size__tile_overlayer_lowered;
	s6 =	simm.s32 $_tile_overlayer_lowered  }
0x9b: {  	s22 =	simm.s32 $0x1BFF;
	s21 =	sshll.u32 s6, $0x1;
	s3 =	sadd.s32 s4, s19  }
0x9c: {  	s7 =	simm.s32 $0x0;
	s20 =	sshll.u32 s5, $0x1;
	s5 =	sadd.s32 s21, s3  }
0x9d: {  	[timem:s7], [sflag:s22] =	dma.local [hbm:s5], s20  }
0x9e: {  	_ =	swait.ge [sflag:s22], s20  }
0x9f: {  	s4 =	ssub.s32 $0x0, s20;
	[sflag:s22] =	ssyncset.done $0x0  }
0xa0: {  	[sflag:s22] =	ssyncadd.s32 s4;
	_ =	sdelay $0x1  }
0xa1: {  	s23 =	simm.s32 $0x1B8B  }
0xa2: {  	_ =	swait.ge [sflag:s23], $0x1  }
0xa3: {  	[sflag:s23] =	ssyncset.done $0x0  }
0xa4: {  	s25 =	simm.s32 $0x1B8E;
	s24 =	sld [smem:$0x3FFE];
	[sflag:s23] =	ssyncadd.s32 $0xFFFFFFFF  }
0xa5: {  	s26 =	simm.s32 $execute0_lowered;
	[smem:$0x3FD2] =	sst s25  }
0xa6: {  	s5 =	sshll.u32 s26, $0x1;
	_ =	strace $0x80000049;
	[dreg:$0x1] =	wrdreg $0xFFFFFFFF  }
0xa7: {  	s28 =	simm.s32 $_size_execute0_lowered;
	s3 =	sadd.s32 s3, s5;
	[dreg:$0x0] =	wrdreg $0x0  }
0xa8: {  	s5 =	sshll.u32 s28, $0x1;
	[dreg:$0x2] =	wrdreg s3  }
0xa9: {  	[dreg:$0x3] =	wrdreg s5  }
0xaa: {  	[dreg:$0x4] =	wrdreg $0xC0  }
0xab: {  	_ =	task [dreg:s7], $0x5FFFF  }
0xac: {  	[dreg:$0x1] =	wrdreg $0xFFFFFFFF  }
0xad: {  	[dreg:$0x0] =	wrdreg $0x60  }
0xae: {  	[dreg:$0x2] =	wrdreg s24  }
0xaf: {  	[dreg:$0x3] =	wrdreg s2  }
0xb0: {  	[dreg:$0x4] =	wrdreg $0x82000  }
0xb1: {  	[dreg:$0x5] =	wrdreg $0x9  }
0xb2: {  	_ =	task.clear_ibuf [dreg:s7], $0x6FFFF;
	_ =	strace $0x90000049  }
0xb3: {  	s29 =	simm.s32 $0x9;
	_ =	strace $0x8000004B  }
0xb4: {  	_ =	swait.ge [sflag:s29], $0x1  }
0xb5: {  	[sflag:s29] =	ssyncadd.s32 $0xFFFFFFFF  }
0xb6: {  	_ =	strace $0x9000004B  }
0xb7: {  	_ =	sfence  }
0xb8: {  	s30 =	sld [smem:$0x0];
	_ =	sdelay $0x2  }
0xb9: {  	s31 =	sshll.u32 s1, $0xD;
	s1 =	sshrl.u32 s1, $0x2  }
0xba: {  	s3 =	sand.u32 $0x4000, s31;
	s1 =	sadd.s32 s1, s30  }
0xbb: {  	s0 =	sor.u32 s3, s0;
	s1 =	sshll.u32 s1, $0x11  }
0xbc: {  	s0 =	sor.u32 s1, s0  }
0xbd: {  	s0 =	sadd.s32 $0x8F2B, s0  }
0xbe: {  	[sflag:s0] =	ssyncadd.remote.s32 $0x1  }
0xbf: {  	_ =	sfence.sel $0xFFFF  }
0xc0: {  	[dreg:$0x0] =	wrdreg $0xFFFFFFFF;
	(pc) =	sbr.abs _section_cstart, $3  }
0xc1: {  	[dreg:$0x1] =	wrdreg $0xFFFFFFFF  }
0xc2: {  	_ =	task.clear_ibuf [dreg:s7], $0x2FFFF;
	_ =	strace $0x9FFFFFFF  }
0xc3: {  	(tm) =	ssettm $0x7FFFFFFF  }
tec
execute0_lowered:
.L_overlay_start_1:
0x0: {  	(tag) =	ssettag $0x1  }
0x1: {  	s0 =	rddreg [dreg:$0x0]  }
0x2: {  	s1 =	rddreg [dreg:$0x1]  }
0x3: {  	s2 =	rddreg [dreg:$0x2];
	s4 =	simm.s32 $0x0;
	s3 =	srdreg.scid  }
0x4: {  	s13 =	stileid.u32;
	s28 =	simm.s32 $0x1;
	s29 =	simm.s32 $0x5  }
0x5: {  	s30 =	simm.s32 $0x2;
	s31 =	simm.s32 $0x6;
	s8 =	smul.u32 $0x14000, s13  }
0x6: {  	[smem:$0x7FF] =	sst s4;
	s3 =	sand.u32 $0x1, s3;
	s10 =	smul.u32 $0x4E, s13  }
0x7: {  	s5 =	sadd.s32 $0xCA00, s0;
	s6 =	sadd.s32 $0x2C00, s0;
	s11 =	smul.u32 $0x50, s13  }
0x8: {  	s9 =	sadd.s32 $0x34000, s0;
	s12 =	smul.u32 $0x50000, s13;
	s23 =	sshll.u32 s13, $0x6  }
0x9: {  	s7 =	smul.u32 $0x140000, s3;
	_ =	strace $0x8000004A;
	[dreg:$0x4] =	wrdreg s9  }
0xa: {  	s19 =	ssub.s32 $0x2, s3;
	p0 =	seq.s32 s3, $0x0;
	s9 =	simm.s32 $0x4E  }
0xb: {  	s20 =	sshrl.u32 s19, $0x1;
	s9 =	simm.s32 @!p0 $0x50;
	s22 =	sshrl.u32 s12, $0x2  }
0xc: {  	s7 =	sadd.s32 s8, s7;
	s21 =	ssub.s32 s19, s20;
	s8 =	sadd.s32 $0x4E0, s11  }
0xd: {  	s3 =	sadd.s32 s22, s2;
	s26 =	sshrl.u32 s9, $0x1;
	s19 =	simm.s32 $0x7  }
0xe: {  	s20 =	simm.s32 $0x100;
	s22 =	simm.s32 $0x180;
	s7 =	sshrl.u32 s7, $0x3  }
0xf: {  	s8 =	smov.u32 @p0 s10;
	s10 =	sor.u32 $0x1C07, s23;
	s16 =	smax.u32 s21, $0x1  }
0x10: {  	s17 =	sadd.s32 $0xFFFFFFFF, s26;
	s18 =	sshrl.u32 s3, $0x3;
	s21 =	simm.s32 $0x80  }
0x11: {  	s23 =	simm.s32 $0x3;
	s26 =	simm.s32 $0x4200;
	s24 =	sshll.u32 s8, $0x4  }
0x12: {  	s0 =	sadd.s32 s7, s0;
	s25 =	sadd.s32 s1, s24;
	s14 =	sor.u32 $0x10, s24  }
0x13: {  	s11 =	sadd.s32 s6, s24;
	s15 =	sadd.s32 $0x36800, s0;
	[dreg:$0x5] =	wrdreg s25  }
0x14: {  	s24 =	simm.s32 $0x200;
	s0 =	simm.s32 $0x0;
	[dreg:$0x6] =	wrdreg s11  }
0x15: {  	s13 =	sadd.s32 s1, s14;
	s14 =	sadd.s32 s6, s14;
	s25 =	simm.s32 $0x4  }
.LBB2_1:
0x16: {  	s3 =	rddreg [dreg:$0x4]  }
0x17: {  	[spmem:s18], [sflag:s10] =	dma.local [hbm:s3], $0x2800  }
0x18: {  	_ =	swait.ge [sflag:s19], $0x2800  }
0x19: {  	[sflag:s19] =	ssyncset.done $0x0  }
0x1a: {  	[sflag:s19] =	ssyncadd.s32 $0xFFFFD800  }
0x1b: {  	[bflag:$0x0] =	sbarrier.arrive $0xFFFF  }
0x1c: {  	s7 =	rddreg [dreg:$0x5]  }
0x1d: {  	[tilespmem:s4], [sflag:$0x3] =	stream.linear.gather [hbm4b:s7+s4], $0x80, $0x38;
	[tilespmem:$0x1C200] =	vst v63  }
0x1e: {  	s11 =	rddreg [dreg:$0x6]  }
0x1f: {  	[tilespmem:s20], [sflag:$0x5] =	stream.linear.gather [hbm4b:s11+s4], $0x80, $0x38;
	[tilespmem:$0x1C200] =	vst v63  }
0x20: {  	_ = 	snop  }
0x21: {  	[tilespmem:s21], [sflag:$0x4] =	stream.linear.gather [hbm4b:s13+s4], $0x80, $0x38;
	[tilespmem:$0x1C200] =	vst v63  }
0x22: {  	_ = 	snop  }
0x23: {  	[tilespmem:s22], [sflag:$0x6] =	stream.linear.gather [hbm4b:s14+s4], $0x80, $0x38;
	[tilespmem:$0x1C200] =	vst v63  }
0x24: {  	_ =	swait.ge [sflag:s23], $0x80  }
0x25: {  	[sflag:s23] =	ssyncset.done $0x0  }
0x26: {  	[sflag:s23] =	ssyncadd.s32 $0xFFFFFF80  }
0x27: {  	[tilespmem:s24], [sflag:$0x1] =	stream.indirect.gather [hbm4b:s5+s21], $0x80, s4, s21, $0xb8;
	[tilespmem:$0x1C200] =	vst v63  }
0x28: {  	p0 =	sgt.u32 s9, $0x2;
	s3 =	simm.s32 $0x2;
	_ =	swait.ge [sflag:s25], $0x80  }
0x29: {  	s3 =	simm.s32 @!p0 $0x0;
	[sflag:s25] =	ssyncset.done $0x0  }
0x2a: {  	s3 =	sadd.s32 s8, s3;
	[sflag:s25] =	ssyncadd.s32 $0xFFFFFF80  }
0x2b: {  	[tilespmem:s26], [sflag:$0x2] =	stream.indirect.gather [hbm4b:s5+s21], $0x80, s21, s21, $0xb8;
	[tilespmem:$0x1C200] =	vst v63  }
0x2c: {  	s3 =	sshll.u32 s3, $0x4;
	_ =	swait.ge [sflag:s28], $0x4000  }
0x2d: {  	s3 =	sand.u32 $0x1FFFFFE0, s3;
	[sflag:s28] =	ssyncset.done $0x0  }
0x2e: {  	s7 =	sadd.s32 s1, s3;
	[sflag:s28] =	ssyncadd.s32 $0xFFFFC000  }
0x2f: {  	[tilespmem:s4], [sflag:$0x3] =	stream.linear.gather [hbm4b:s7+s4], $0x80, $0x38;
	[tilespmem:$0x1C200] =	vst v63  }
0x30: {  	_ =	swait.ge [sflag:s29], $0x80  }
0x31: {  	[sflag:s29] =	ssyncset.done $0x0  }
0x32: {  	[sflag:s29] =	ssyncadd.s32 $0xFFFFFF80  }
0x33: {  	[spmem:s2] =	stream.indirect.scatter.add.f32 [tilespmem:s24], [sflag:$0x7], $0x80, s20, s21, $0xb8;
	[tilespmem:$0x1C200] =	vst v63  }
0x34: {  	_ =	swait.ge [sflag:s19], $0x4000  }
0x35: {  	[sflag:s19] =	ssyncset.done $0x0  }
0x36: {  	s3 =	sadd.s32 s6, s3;
	[sflag:s19] =	ssyncadd.s32 $0xFFFFC000  }
0x37: {  	[tilespmem:s20], [sflag:$0x5] =	stream.linear.gather [hbm4b:s3+s4], $0x80, $0x38;
	[tilespmem:$0x1C200] =	vst v63  }
0x38: {  	p0 =	sgt.u32 s9, $0x3;
	s3 =	simm.s32 $0x3;
	_ =	swait.ge [sflag:s23], $0x80  }
0x39: {  	s3 =	simm.s32 @!p0 $0x1;
	[sflag:s23] =	ssyncset.done $0x0  }
0x3a: {  	s3 =	sadd.s32 s8, s3;
	[sflag:s23] =	ssyncadd.s32 $0xFFFFFF80  }
0x3b: {  	[tilespmem:s24], [sflag:$0x1] =	stream.indirect.gather [hbm4b:s5+s21], $0x80, s4, s21, $0xb8;
	[tilespmem:$0x1C200] =	vst v63  }
0x3c: {  	s3 =	sshll.u32 s3, $0x4;
	_ =	swait.ge [sflag:s30], $0x4000  }
0x3d: {  	s3 =	sand.u32 $0x1FFFFFF0, s3;
	[sflag:s30] =	ssyncset.done $0x0  }
0x3e: {  	s12 =	sadd.s32 s1, s3;
	[sflag:s30] =	ssyncadd.s32 $0xFFFFC000  }
0x3f: {  	[tilespmem:s21], [sflag:$0x4] =	stream.linear.gather [hbm4b:s12+s4], $0x80, $0x38;
	[tilespmem:$0x1C200] =	vst v63  }
0x40: {  	p0 =	sne.s32 s17, $0x1;
	_ =	swait.ge [sflag:s31], $0x80  }
.Ltmp0:
0x41: {  	[sflag:s31] =	ssyncset.done $0x0;
	(pc) =	sbr.rel @!p0 .LBB2_3-.Ltmp0, $4  }
0x42: {  	[sflag:s31] =	ssyncadd.s32 $0xFFFFFF80  }
0x43: {  	[spmem:s2] =	stream.indirect.scatter.add.f32 [tilespmem:s26], [sflag:$0x7], $0x80, s22, s21, $0xb8;
	[tilespmem:$0x1C200] =	vst v63  }
0x44: {  	s7 =	sadd.s32 $0xFFFFFFFF, s17;
	_ =	swait.ge [sflag:s19], $0x4000  }
0x45: {  	s11 =	sadd.s32 s6, s3;
	s3 =	simm.s32 $0x2;
	[sflag:s19] =	ssyncset.done $0x0  }
.LBB2_2:
0x46: {  	p0 =	sne.s32 s7, $0x1  }
0x47: {  	[sflag:s19] =	ssyncadd.s32 $0xFFFFC000;
	s3 =	sadd.s32 $0x2, s3;
	s7 =	sadd.s32 $0xFFFFFFFF, s7  }
0x48: {  	[tilespmem:s22], [sflag:$0x6] =	stream.linear.gather [hbm4b:s11+s4], $0x80, $0x38;
	[tilespmem:$0x1C200] =	vst v63  }
0x49: {  	p1 =	slt.u32 s3, s9;
	s11 =	smov.u32 s3;
	_ =	swait.ge [sflag:s25], $0x80  }
0x4a: {  	s11 =	simm.s32 @!p1 $0x0;
	[sflag:s25] =	ssyncset.done $0x0  }
0x4b: {  	s11 =	sadd.s32 s8, s11;
	[sflag:s25] =	ssyncadd.s32 $0xFFFFFF80  }
0x4c: {  	[tilespmem:s26], [sflag:$0x2] =	stream.indirect.gather [hbm4b:s5+s21], $0x80, s21, s21, $0xb8;
	[tilespmem:$0x1C200] =	vst v63  }
0x4d: {  	s11 =	sshll.u32 s11, $0x4;
	_ =	swait.ge [sflag:s28], $0x4000  }
0x4e: {  	s11 =	sand.u32 $0x1FFFFFE0, s11;
	[sflag:s28] =	ssyncset.done $0x0  }
0x4f: {  	s12 =	sadd.s32 s1, s11;
	[sflag:s28] =	ssyncadd.s32 $0xFFFFC000  }
0x50: {  	[tilespmem:s4], [sflag:$0x3] =	stream.linear.gather [hbm4b:s12+s4], $0x80, $0x38;
	[tilespmem:$0x1C200] =	vst v63  }
0x51: {  	_ =	swait.ge [sflag:s29], $0x80  }
0x52: {  	[sflag:s29] =	ssyncset.done $0x0  }
0x53: {  	[sflag:s29] =	ssyncadd.s32 $0xFFFFFF80  }
0x54: {  	[spmem:s2] =	stream.indirect.scatter.add.f32 [tilespmem:s24], [sflag:$0x7], $0x80, s20, s21, $0xb8;
	[tilespmem:$0x1C200] =	vst v63  }
0x55: {  	_ =	swait.ge [sflag:s19], $0x4000  }
0x56: {  	s11 =	sadd.s32 s6, s11;
	[sflag:s19] =	ssyncset.done $0x0  }
0x57: {  	s12 =	sadd.s32 $0x1, s3;
	[sflag:s19] =	ssyncadd.s32 $0xFFFFC000  }
0x58: {  	[tilespmem:s20], [sflag:$0x5] =	stream.linear.gather [hbm4b:s11+s4], $0x80, $0x38;
	[tilespmem:$0x1C200] =	vst v63  }
0x59: {  	p1 =	slt.u32 s12, s9;
	_ =	swait.ge [sflag:s23], $0x80  }
0x5a: {  	s12 =	simm.s32 @!p1 $0x1;
	[sflag:s23] =	ssyncset.done $0x0  }
0x5b: {  	s11 =	sadd.s32 s8, s12;
	[sflag:s23] =	ssyncadd.s32 $0xFFFFFF80  }
0x5c: {  	[tilespmem:s24], [sflag:$0x1] =	stream.indirect.gather [hbm4b:s5+s21], $0x80, s4, s21, $0xb8;
	[tilespmem:$0x1C200] =	vst v63  }
0x5d: {  	s11 =	sshll.u32 s11, $0x4;
	_ =	swait.ge [sflag:s30], $0x4000  }
0x5e: {  	s11 =	sand.u32 $0x1FFFFFF0, s11;
	[sflag:s30] =	ssyncset.done $0x0  }
0x5f: {  	s12 =	sadd.s32 s1, s11;
	[sflag:s30] =	ssyncadd.s32 $0xFFFFC000  }
0x60: {  	[tilespmem:s21], [sflag:$0x4] =	stream.linear.gather [hbm4b:s12+s4], $0x80, $0x38;
	[tilespmem:$0x1C200] =	vst v63  }
0x61: {  	_ =	swait.ge [sflag:s31], $0x80  }
.Ltmp1:
0x62: {  	[sflag:s31] =	ssyncset.done $0x0;
	(pc) =	sbr.rel @p0 .LBB2_2-.Ltmp1, $4  }
0x63: {  	[sflag:s31] =	ssyncadd.s32 $0xFFFFFF80  }
0x64: {  	[spmem:s2] =	stream.indirect.scatter.add.f32 [tilespmem:s26], [sflag:$0x7], $0x80, s22, s21, $0xb8;
	[tilespmem:$0x1C200] =	vst v63  }
0x65: {  	_ =	swait.ge [sflag:s19], $0x4000  }
0x66: {  	s11 =	sadd.s32 s6, s11;
	[sflag:s19] =	ssyncset.done $0x0  }
.LBB2_3:
0x67: {  	[sflag:s19] =	ssyncadd.s32 $0xFFFFC000;
	s3 =	sadd.s32 $0x2, s3  }
0x68: {  	[tilespmem:s22], [sflag:$0x6] =	stream.linear.gather [hbm4b:s11+s4], $0x80, $0x38;
	[tilespmem:$0x1C200] =	vst v63  }
0x69: {  	p0 =	slt.u32 s3, s9;
	_ =	swait.ge [sflag:s25], $0x80  }
0x6a: {  	s7 =	sadd.s32 $0x1, s3;
	s3 =	simm.s32 @!p0 $0x0;
	[sflag:s25] =	ssyncset.done $0x0  }
0x6b: {  	s3 =	sadd.s32 s8, s3;
	[sflag:s25] =	ssyncadd.s32 $0xFFFFFF80  }
0x6c: {  	[tilespmem:s26], [sflag:$0x2] =	stream.indirect.gather [hbm4b:s5+s21], $0x80, s21, s21, $0xb8;
	[tilespmem:$0x1C200] =	vst v63  }
0x6d: {  	s3 =	sshll.u32 s3, $0x4;
	_ =	swait.ge [sflag:s28], $0x4000  }
0x6e: {  	s3 =	sand.u32 $0x1FFFFFE0, s3;
	[sflag:s28] =	ssyncset.done $0x0  }
0x6f: {  	s12 =	sadd.s32 s1, s3;
	[sflag:s28] =	ssyncadd.s32 $0xFFFFC000  }
0x70: {  	[tilespmem:s4], [sflag:$0x3] =	stream.linear.gather [hbm4b:s12+s4], $0x80, $0x38;
	[tilespmem:$0x1C200] =	vst v63  }
0x71: {  	_ =	swait.ge [sflag:s29], $0x80  }
0x72: {  	[sflag:s29] =	ssyncset.done $0x0  }
0x73: {  	[sflag:s29] =	ssyncadd.s32 $0xFFFFFF80  }
0x74: {  	[spmem:s2] =	stream.indirect.scatter.add.f32 [tilespmem:s24], [sflag:$0x7], $0x80, s20, s21, $0xb8;
	[tilespmem:$0x1C200] =	vst v63  }
0x75: {  	_ =	swait.ge [sflag:s19], $0x4000  }
0x76: {  	[sflag:s19] =	ssyncset.done $0x0  }
0x77: {  	s3 =	sadd.s32 s6, s3;
	[sflag:s19] =	ssyncadd.s32 $0xFFFFC000  }
0x78: {  	[tilespmem:s20], [sflag:$0x5] =	stream.linear.gather [hbm4b:s3+s4], $0x80, $0x38;
	[tilespmem:$0x1C200] =	vst v63  }
0x79: {  	p0 =	slt.u32 s7, s9;
	_ =	swait.ge [sflag:s23], $0x80  }
0x7a: {  	s7 =	simm.s32 @!p0 $0x1;
	[sflag:s23] =	ssyncset.done $0x0  }
0x7b: {  	s11 =	sadd.s32 s8, s7;
	[sflag:s23] =	ssyncadd.s32 $0xFFFFFF80  }
0x7c: {  	[tilespmem:s24], [sflag:$0x1] =	stream.indirect.gather [hbm4b:s5+s21], $0x80, s4, s21, $0xb8;
	[tilespmem:$0x1C200] =	vst v63  }
0x7d: {  	s3 =	sshll.u32 s11, $0x4;
	_ =	swait.ge [sflag:s30], $0x4000  }
0x7e: {  	s3 =	sand.u32 $0x1FFFFFF0, s3;
	[sflag:s30] =	ssyncset.done $0x0  }
0x7f: {  	s12 =	sadd.s32 s1, s3;
	[sflag:s30] =	ssyncadd.s32 $0xFFFFC000  }
0x80: {  	[tilespmem:s21], [sflag:$0x4] =	stream.linear.gather [hbm4b:s12+s4], $0x80, $0x38;
	[tilespmem:$0x1C200] =	vst v63  }
0x81: {  	_ =	swait.ge [sflag:s31], $0x80  }
0x82: {  	[sflag:s31] =	ssyncset.done $0x0  }
0x83: {  	[sflag:s31] =	ssyncadd.s32 $0xFFFFFF80  }
0x84: {  	[spmem:s2] =	stream.indirect.scatter.add.f32 [tilespmem:s26], [sflag:$0x7], $0x80, s22, s21, $0xb8;
	[tilespmem:$0x1C200] =	vst v63  }
0x85: {  	_ =	swait.ge [sflag:s19], $0x4000  }
0x86: {  	[sflag:s19] =	ssyncset.done $0x0  }
0x87: {  	s3 =	sadd.s32 s6, s3;
	[sflag:s19] =	ssyncadd.s32 $0xFFFFC000  }
0x88: {  	[tilespmem:s22], [sflag:$0x6] =	stream.linear.gather [hbm4b:s3+s4], $0x80, $0x38;
	[tilespmem:$0x1C200] =	vst v63  }
0x89: {  	_ =	swait.ge [sflag:s28], $0x4000  }
0x8a: {  	[sflag:s28] =	ssyncset.done $0x0  }
0x8b: {  	[sflag:s28] =	ssyncadd.s32 $0xFFFFC000  }
0x8c: {  	_ =	swait.ge [sflag:s25], $0x80  }
0x8d: {  	[sflag:s25] =	ssyncset.done $0x0  }
0x8e: {  	[sflag:s25] =	ssyncadd.s32 $0xFFFFFF80  }
0x8f: {  	_ =	swait.ge [sflag:s29], $0x80  }
0x90: {  	[sflag:s29] =	ssyncset.done $0x0  }
0x91: {  	[sflag:s29] =	ssyncadd.s32 $0xFFFFFF80  }
0x92: {  	_ =	swait.ge [sflag:s31], $0x80  }
0x93: {  	s0 =	sadd.s32 $0x1, s0;
	[sflag:s31] =	ssyncset.done $0x0  }
0x94: {  	p0 =	sne.s32 s0, s16;
	[sflag:s31] =	ssyncadd.s32 $0xFFFFFF80  }
.Ltmp2:
0x95: {  	[bflag:$0x0] =	sbarrier.arrive $0xFFFF;
	(pc) =	sbr.rel @p0 .LBB2_1-.Ltmp2, $4  }
0x96: {  	[hbm:s15], [sflag:s10] =	dma.local [spmem:s18], $0x2800  }
0x97: {  	_ =	swait.ge [sflag:s19], $0x2800  }
0x98: {  	[sflag:s19] =	ssyncset.done $0x0  }
0x99: {  	[sflag:s19] =	ssyncadd.s32 $0xFFFFD800  }
0x9a: {  	_ =	sfence.sel $0x180000  }
0x9b: {  	[bflag:$0x0] =	sbarrier.arrive $0xFFFF  }
0x9c: {  	_ =	strace $0x9000004A  }
0x9d: {  	s0 =	stileid.u32;
	[bflag:$0x2] =	sbarrier.arrive $0xFFFF  }
0x9e: {  	p0 =	sne.s32 s0, $0x0;
	s0 =	rddreg [dreg:$0x3]  }
0x9f: {  	s0 =	sadd.s32 @!p0 $0x100000, s0  }
0xa0: {  	[sflag:s0] =	ssyncadd.tile.s32 @!p0 $0x1;
	_ =	shalt  }
.Lfunc_end2:
_tile_overlayer_lowered:
.L_overlay_start_2:
0xa1: {  	(tag) =	ssettag $0x2  }
0xa2: {  	s0 =	rddreg [dreg:$0x0];
	s2 =	stileid.u32  }
0xa3: {  	s1 =	rddreg [dreg:$0x1];
	p0 =	sne.s32 s2, $0x0  }
0xa4: {  	s3 =	rddreg [dreg:$0x2];
	[bflag:$0x3] =	sbarrier.arrive $0xFFFF;
	s2 =	simm.s32 @!p0 $0x1C07  }
0xa5: {  	[timem:s3], [sflag:s2] =	dma.local @!p0 [hbm:s0], s1  }
0xa6: {  	s0 =	simm.s32 @!p0 $0x7  }
0xa7: {  	_ =	swait.ge @!p0 [sflag:s0], s1  }
0xa8: {  	s1 =	ssub.s32 @!p0 $0x0, s1;
	[sflag:s0] =	ssyncset.done @!p0 $0x0  }
0xa9: {  	[sflag:s0] =	ssyncadd.s32 @!p0 s1  }
0xaa: {  	[bflag:$0x3] =	sbarrier.arrive $0xFFFF  }
0xab: {  	_ =	shalt  }

// kernel: kernel.15.cloned.1.call-start
scs
__scs_entry_jumppad:
0x0: {  	(pc) =	sbr.rel $0x88, $3  }
0x1: {  	(tag) =	ssettag $0x0;
	lr =	simm.s32 $0x1  }
0x2: {  	[smem:$0x3F96] =	sst lr;
	_ =	strace $0xD0000000  }
0x3: {  	_ = 	snop  }
0x4: {  	_ = 	snop  }
0x5: {  	_ = 	snop  }
0x6: {  	_ = 	snop  }
0x7: {  	_ = 	snop  }
__scs_overlays_trampoline_lowered:
0x8: {  	[smem:$0x3FA5] =	sst s0  }
0x9: {  	[smem:$0x3FA6] =	sst s1  }
0xa: {  	[smem:$0x3FA7] =	sst s2  }
0xb: {  	[smem:$0x3FA8] =	sst s3  }
0xc: {  	[smem:$0x3FA9] =	sst s4  }
0xd: {  	[smem:$0x3FAA] =	sst s5  }
0xe: {  	[smem:$0x3FAB] =	sst s6  }
0xf: {  	[smem:$0x3FAC] =	sst s7  }
0x10: {  	[smem:$0x3FAD] =	sst s8  }
0x11: {  	[smem:$0x3FAE] =	sst s9;
	s0 =	simm.s32 @!p0 $0x0  }
0x12: {  	s1 =	sld [smem:$0x3F94];
	s0 =	simm.s32 @p0 $0x1  }
0x13: {  	[smem:$0x3FAF] =	sst s0;
	s0 =	simm.s32 @!p1 $0x0  }
0x14: {  	s2 =	sld [smem:$0x3F93];
	s0 =	simm.s32 @p1 $0x1  }
0x15: {  	[smem:$0x3FB0] =	sst s0;
	s0 =	simm.s32 @!p2 $0x0  }
0x16: {  	s3 =	sld [smem:$0x3FDB];
	s0 =	simm.s32 @p2 $0x1  }
0x17: {  	s4 =	simm.s32 $0x1BF5;
	[smem:$0x3FB2] =	sst s0  }
0x18: {  	s0 =	sld [smem:$0x3F95];
	_ =	swait.ge [sflag:s4], $0x0  }
0x19: {  	s7 =	sld [smem:$0x3F96]  }
0x1a: {  	s8 =	sadd.s32 $0xFFFFE003, lr  }
0x1b: {  	s9 =	sadd.s32 $0xFFFFFEF7, lr;
	s5 =	simm.s32 $0xFFFFFFFF;
	p2 =	slt.u32 s8, $0xFFFFF086  }
0x1c: {  	p1 =	slt.u32 s9, $0xF7A;
	s5 =	simm.s32 @!p2 $0x0  }
0x1d: {  	s5 =	simm.s32 @p1 $0x1;
	p0 =	seq.s32 s7, s2  }
0x1e: {  	s7 =	smul.u32 @!p0 $0xF7A, s2;
	p2 =	seq.s32 @!p0 s5, $0x0  }
0x1f: {  	s9 =	smul.u32 $0xF7A, s1;
	s8 =	simm.s32 @!p0 $0x1BF5;
	p2 =	por !p2, p0  }
0x20: {  	[sflag:s8] =	ssyncset.s32 @!p0 $0xFFFFF086;
	s6 =	sadd.s32 @!p0 s3, s7;
	s7 =	simm.s32 @!p0 $0x108  }
0x21: {  	s3 =	sadd.s32 s3, s9;
	s6 =	sadd.s32 @!p0 $0x88, s6;
	s7 =	simm.s32 @p2 $0x1082  }
0x22: {  	[simem:s7], [sflag:s8] =	dma.local @!p0 [hbm:s6], $0xF7A  }
0x23: {  	s9 =	sor.u32 $0xD0000000, s2;
	s6 =	simm.s32 $0x108;
	_ =	swait.ge @!p0 [sflag:s8], $0x0  }
0x24: {  	s3 =	sadd.s32 $0x88, s3;
	s6 =	simm.s32 @!p1 $0x1082;
	[sflag:s4] =	ssyncset.s32 $0xFFFFF086  }
0x25: {  	[simem:s6], [sflag:s4] =	dma.local [hbm:s3], $0xF7A  }
0x26: {  	[smem:$0x3F96] =	sst s1;
	(tag) =	ssettag s2;
	_ =	strace s9  }
0x27: {  	s1 =	sld [smem:$0x3FA6]  }
0x28: {  	s2 =	sld [smem:$0x3FA7]  }
0x29: {  	s4 =	sld [smem:$0x3FA9]  }
0x2a: {  	p0 =	seq.s32 s5, $0x0;
	s5 =	sld [smem:$0x3FAA]  }
0x2b: {  	s6 =	sld [smem:$0x3FAB]  }
0x2c: {  	s7 =	sld [smem:$0x3FAC]  }
0x2d: {  	s3 =	simm.s32 $0x108;
	s8 =	sld [smem:$0x3FAD]  }
0x2e: {  	s3 =	simm.s32 @!p0 $0x1082;
	s9 =	sld [smem:$0x3FAE]  }
0x2f: {  	lr =	sadd.s32 s0, s3;
	s0 =	sld [smem:$0x3FA5]  }
0x30: {  	s3 =	sld [smem:$0x3FA8]  }
0x31: {  	[smem:$0x3FB1] =	sst s10  }
0x32: {  	s10 =	sld [smem:$0x3FAF];
	_ =	sdelay $0x3  }
0x33: {  	p0 =	seq.s32 s10, $0x1;
	s10 =	sld [smem:$0x3FB1];
	_ =	sdelay $0x3  }
0x34: {  	[smem:$0x3FB1] =	sst s10  }
0x35: {  	s10 =	sld [smem:$0x3FB0];
	_ =	sdelay $0x3  }
0x36: {  	p1 =	seq.s32 s10, $0x1;
	s10 =	sld [smem:$0x3FB1];
	_ =	sdelay $0x3  }
0x37: {  	[smem:$0x3FB1] =	sst s10  }
0x38: {  	s10 =	sld [smem:$0x3FB2]  }
0x39: {  	_ = 	snop;
	(pc) =	sbr.ind lr, $3  }
0x3a: {  	_ = 	snop  }
0x3b: {  	_ = 	snop  }
0x3c: {  	p2 =	seq.s32 s10, $0x1;
	s10 =	sld [smem:$0x3FB1]  }
0x3d: {  	_ =	shalt  }
0x3e: {  	_ =	shalt  }
0x3f: {  	_ =	shalt  }
0x40: {  	_ =	shalt  }
0x41: {  	_ =	shalt  }
0x42: {  	_ =	shalt  }
0x43: {  	_ =	shalt  }
0x44: {  	_ =	shalt  }
0x45: {  	_ =	shalt  }
0x46: {  	_ =	shalt  }
0x47: {  	_ =	shalt  }
0x48: {  	_ =	shalt  }
0x49: {  	_ =	shalt  }
0x4a: {  	_ =	shalt  }
0x4b: {  	_ =	shalt  }
0x4c: {  	_ =	shalt  }
0x4d: {  	_ =	shalt  }
0x4e: {  	_ =	shalt  }
0x4f: {  	_ =	shalt  }
0x50: {  	_ =	shalt  }
0x51: {  	_ =	shalt  }
0x52: {  	_ =	shalt  }
0x53: {  	_ =	shalt  }
0x54: {  	_ =	shalt  }
0x55: {  	_ =	shalt  }
0x56: {  	_ =	shalt  }
0x57: {  	_ =	shalt  }
0x58: {  	_ =	shalt  }
0x59: {  	_ =	shalt  }
0x5a: {  	_ =	shalt  }
0x5b: {  	_ =	shalt  }
0x5c: {  	_ =	shalt  }
0x5d: {  	_ =	shalt  }
0x5e: {  	_ =	shalt  }
0x5f: {  	_ =	shalt  }
0x60: {  	_ =	shalt  }
0x61: {  	_ =	shalt  }
0x62: {  	_ =	shalt  }
0x63: {  	_ =	shalt  }
0x64: {  	_ =	shalt  }
0x65: {  	_ =	shalt  }
0x66: {  	_ =	shalt  }
0x67: {  	_ =	shalt  }
0x68: {  	_ =	shalt  }
0x69: {  	_ =	shalt  }
0x6a: {  	_ =	shalt  }
0x6b: {  	_ =	shalt  }
0x6c: {  	_ =	shalt  }
0x6d: {  	_ =	shalt  }
0x6e: {  	_ =	shalt  }
0x6f: {  	_ =	shalt  }
0x70: {  	_ =	shalt  }
0x71: {  	_ =	shalt  }
0x72: {  	_ =	shalt  }
0x73: {  	_ =	shalt  }
0x74: {  	_ =	shalt  }
0x75: {  	_ =	shalt  }
0x76: {  	_ =	shalt  }
0x77: {  	_ =	shalt  }
0x78: {  	_ =	shalt  }
0x79: {  	_ =	shalt  }
0x7a: {  	_ =	shalt  }
0x7b: {  	_ =	shalt  }
0x7c: {  	_ =	shalt  }
0x7d: {  	_ =	shalt  }
0x7e: {  	_ =	shalt  }
0x7f: {  	_ =	shalt  }
0x80: {  	_ =	shalt  }
0x81: {  	_ =	shalt  }
0x82: {  	_ =	shalt  }
0x83: {  	_ =	shalt  }
0x84: {  	_ =	shalt  }
0x85: {  	_ =	shalt  }
0x86: {  	_ =	shalt  }
0x87: {  	_ =	shalt  }
.Lfunc_end0:
.L_simem_size_0:
called_computation.2_lowered:
.L_overlay_start_0:
0x88: {  	s2 =	sld [smem:$0x3FD9]  }
0x89: {  	s3 =	sld [smem:$0x3FFE];
	_ =	sdelay $0x1  }
0x8a: {  	s1 =	srdreg.scid  }
0x8b: {  	s0 =	sand.u32 $0x1, s1  }
0x8c: {  	s17 =	sshll.u32 s0, $0xA;
	s2 =	sadd.s32 s3, s2  }
0x8d: {  	s2 =	sadd.s32 s2, s17  }
0x8e: {  	[smem:$0x3FBD] =	sst s2  }
0x8f: {  	_ = 	snop  }
0x90: {  	s2 =	sld [smem:$0x3FD0];
	(tm) =	ssettm $0x1  }
0x91: {  	s18 =	sld [smem:$0x3FFB];
	_ =	sdelay $0x3  }
0x92: {  	_ =	strace s18  }
0x93: {  	s3 =	sld [smem:$0x3FFC];
	_ =	sdelay $0x3  }
0x94: {  	_ =	strace s3  }
0x95: {  	s3 =	sld [smem:$0x3FFD];
	_ =	sdelay $0x3  }
0x96: {  	_ =	strace s3  }
0x97: {  	_ =	strace $0x8FFFFFFF  }
0x98: {  	s19 =	sld [smem:$0x3FDB];
	_ =	sdelay $0x1  }
0x99: {  	s4 =	simm.s32 $_scs_section_size  }
0x9a: {  	s5 =	simm.s32 $_size__tile_overlayer_lowered;
	s6 =	simm.s32 $_tile_overlayer_lowered  }
0x9b: {  	s22 =	simm.s32 $0x1BFF;
	s21 =	sshll.u32 s6, $0x1;
	s3 =	sadd.s32 s4, s19  }
0x9c: {  	s7 =	simm.s32 $0x0;
	s20 =	sshll.u32 s5, $0x1;
	s5 =	sadd.s32 s21, s3  }
0x9d: {  	[timem:s7], [sflag:s22] =	dma.local [hbm:s5], s20  }
0x9e: {  	_ =	swait.ge [sflag:s22], s20  }
0x9f: {  	s4 =	ssub.s32 $0x0, s20;
	[sflag:s22] =	ssyncset.done $0x0  }
0xa0: {  	[sflag:s22] =	ssyncadd.s32 s4;
	_ =	sdelay $0x1  }
0xa1: {  	s23 =	simm.s32 $0x1B8B  }
0xa2: {  	_ =	swait.ge [sflag:s23], $0x1  }
0xa3: {  	[sflag:s23] =	ssyncset.done $0x0  }
0xa4: {  	s25 =	simm.s32 $0x1B8E;
	s24 =	sld [smem:$0x3FFE];
	[sflag:s23] =	ssyncadd.s32 $0xFFFFFFFF  }
0xa5: {  	s26 =	simm.s32 $execute0_lowered;
	[smem:$0x3FD2] =	sst s25  }
0xa6: {  	s5 =	sshll.u32 s26, $0x1;
	_ =	strace $0x8000004C;
	[dreg:$0x1] =	wrdreg $0xFFFFFFFF  }
0xa7: {  	s28 =	simm.s32 $_size_execute0_lowered;
	s3 =	sadd.s32 s3, s5;
	[dreg:$0x0] =	wrdreg $0x0  }
0xa8: {  	s5 =	sshll.u32 s28, $0x1;
	[dreg:$0x2] =	wrdreg s3  }
0xa9: {  	[dreg:$0x3] =	wrdreg s5  }
0xaa: {  	[dreg:$0x4] =	wrdreg $0xC0  }
0xab: {  	_ =	task [dreg:s7], $0x5FFFF  }
0xac: {  	[dreg:$0x1] =	wrdreg $0xFFFFFFFF  }
0xad: {  	[dreg:$0x0] =	wrdreg $0x60  }
0xae: {  	[dreg:$0x2] =	wrdreg s24  }
0xaf: {  	[dreg:$0x3] =	wrdreg s2  }
0xb0: {  	[dreg:$0x4] =	wrdreg $0x82000  }
0xb1: {  	[dreg:$0x5] =	wrdreg $0x9  }
0xb2: {  	_ =	task.clear_ibuf [dreg:s7], $0x6FFFF;
	_ =	strace $0x9000004C  }
0xb3: {  	s29 =	simm.s32 $0x9;
	_ =	strace $0x8000004E  }
0xb4: {  	_ =	swait.ge [sflag:s29], $0x1  }
0xb5: {  	[sflag:s29] =	ssyncadd.s32 $0xFFFFFFFF  }
0xb6: {  	_ =	strace $0x9000004E  }
0xb7: {  	_ =	sfence  }
0xb8: {  	s30 =	sld [smem:$0x0];
	_ =	sdelay $0x2  }
0xb9: {  	s31 =	sshll.u32 s1, $0xD;
	s1 =	sshrl.u32 s1, $0x2  }
0xba: {  	s3 =	sand.u32 $0x4000, s31;
	s1 =	sadd.s32 s1, s30  }
0xbb: {  	s0 =	sor.u32 s3, s0;
	s1 =	sshll.u32 s1, $0x11  }
0xbc: {  	s0 =	sor.u32 s1, s0  }
0xbd: {  	s0 =	sadd.s32 $0x8F2B, s0  }
0xbe: {  	[sflag:s0] =	ssyncadd.remote.s32 $0x1  }
0xbf: {  	_ =	sfence.sel $0xFFFF  }
0xc0: {  	[dreg:$0x0] =	wrdreg $0xFFFFFFFF;
	(pc) =	sbr.abs _section_cstart, $3  }
0xc1: {  	[dreg:$0x1] =	wrdreg $0xFFFFFFFF  }
0xc2: {  	_ =	task.clear_ibuf [dreg:s7], $0x2FFFF;
	_ =	strace $0x9FFFFFFF  }
0xc3: {  	(tm) =	ssettm $0x7FFFFFFF  }
tec
execute0_lowered:
.L_overlay_start_1:
0x0: {  	(tag) =	ssettag $0x1  }
0x1: {  	s0 =	rddreg [dreg:$0x0]  }
0x2: {  	s1 =	rddreg [dreg:$0x1]  }
0x3: {  	s2 =	rddreg [dreg:$0x2];
	s4 =	simm.s32 $0x0;
	s3 =	srdreg.scid  }
0x4: {  	s13 =	stileid.u32;
	s28 =	simm.s32 $0x1;
	s29 =	simm.s32 $0x5  }
0x5: {  	s30 =	simm.s32 $0x2;
	s31 =	simm.s32 $0x6;
	s8 =	smul.u32 $0x14000, s13  }
0x6: {  	[smem:$0x7FF] =	sst s4;
	s3 =	sand.u32 $0x1, s3;
	s10 =	smul.u32 $0x4E, s13  }
0x7: {  	s5 =	sadd.s32 $0xCA00, s0;
	s6 =	sadd.s32 $0x2C00, s0;
	s11 =	smul.u32 $0x50, s13  }
0x8: {  	s9 =	sadd.s32 $0x34000, s0;
	s12 =	smul.u32 $0x50000, s13;
	s23 =	sshll.u32 s13, $0x6  }
0x9: {  	s7 =	smul.u32 $0x140000, s3;
	_ =	strace $0x8000004D;
	[dreg:$0x4] =	wrdreg s9  }
0xa: {  	s19 =	ssub.s32 $0x2, s3;
	p0 =	seq.s32 s3, $0x0;
	s9 =	simm.s32 $0x4E  }
0xb: {  	s20 =	sshrl.u32 s19, $0x1;
	s9 =	simm.s32 @!p0 $0x50;
	s22 =	sshrl.u32 s12, $0x2  }
0xc: {  	s7 =	sadd.s32 s8, s7;
	s21 =	ssub.s32 s19, s20;
	s8 =	sadd.s32 $0x4E0, s11  }
0xd: {  	s3 =	sadd.s32 s22, s2;
	s26 =	sshrl.u32 s9, $0x1;
	s19 =	simm.s32 $0x7  }
0xe: {  	s20 =	simm.s32 $0x100;
	s22 =	simm.s32 $0x180;
	s7 =	sshrl.u32 s7, $0x3  }
0xf: {  	s8 =	smov.u32 @p0 s10;
	s10 =	sor.u32 $0x1C07, s23;
	s16 =	smax.u32 s21, $0x1  }
0x10: {  	s17 =	sadd.s32 $0xFFFFFFFF, s26;
	s18 =	sshrl.u32 s3, $0x3;
	s21 =	simm.s32 $0x80  }
0x11: {  	s23 =	simm.s32 $0x3;
	s26 =	simm.s32 $0x4200;
	s24 =	sshll.u32 s8, $0x4  }
0x12: {  	s0 =	sadd.s32 s7, s0;
	s25 =	sadd.s32 s1, s24;
	s14 =	sor.u32 $0x10, s24  }
0x13: {  	s11 =	sadd.s32 s6, s24;
	s15 =	sadd.s32 $0x36800, s0;
	[dreg:$0x5] =	wrdreg s25  }
0x14: {  	s24 =	simm.s32 $0x200;
	s0 =	simm.s32 $0x0;
	[dreg:$0x6] =	wrdreg s11  }
0x15: {  	s13 =	sadd.s32 s1, s14;
	s14 =	sadd.s32 s6, s14;
	s25 =	simm.s32 $0x4  }
.LBB2_1:
0x16: {  	s3 =	rddreg [dreg:$0x4]  }
0x17: {  	[spmem:s18], [sflag:s10] =	dma.local [hbm:s3], $0x2800  }
0x18: {  	_ =	swait.ge [sflag:s19], $0x2800  }
0x19: {  	[sflag:s19] =	ssyncset.done $0x0  }
0x1a: {  	[sflag:s19] =	ssyncadd.s32 $0xFFFFD800  }
0x1b: {  	[bflag:$0x0] =	sbarrier.arrive $0xFFFF  }
0x1c: {  	s7 =	rddreg [dreg:$0x5]  }
0x1d: {  	[tilespmem:s4], [sflag:$0x3] =	stream.linear.gather [hbm4b:s7+s4], $0x80, $0x38;
	[tilespmem:$0x1C200] =	vst v63  }
0x1e: {  	s11 =	rddreg [dreg:$0x6]  }
0x1f: {  	[tilespmem:s20], [sflag:$0x5] =	stream.linear.gather [hbm4b:s11+s4], $0x80, $0x38;
	[tilespmem:$0x1C200] =	vst v63  }
0x20: {  	_ = 	snop  }
0x21: {  	[tilespmem:s21], [sflag:$0x4] =	stream.linear.gather [hbm4b:s13+s4], $0x80, $0x38;
	[tilespmem:$0x1C200] =	vst v63  }
0x22: {  	_ = 	snop  }
0x23: {  	[tilespmem:s22], [sflag:$0x6] =	stream.linear.gather [hbm4b:s14+s4], $0x80, $0x38;
	[tilespmem:$0x1C200] =	vst v63  }
0x24: {  	_ =	swait.ge [sflag:s23], $0x80  }
0x25: {  	[sflag:s23] =	ssyncset.done $0x0  }
0x26: {  	[sflag:s23] =	ssyncadd.s32 $0xFFFFFF80  }
0x27: {  	[tilespmem:s24], [sflag:$0x1] =	stream.indirect.gather [hbm4b:s5+s21], $0x80, s4, s21, $0xb8;
	[tilespmem:$0x1C200] =	vst v63  }
0x28: {  	p0 =	sgt.u32 s9, $0x2;
	s3 =	simm.s32 $0x2;
	_ =	swait.ge [sflag:s25], $0x80  }
0x29: {  	s3 =	simm.s32 @!p0 $0x0;
	[sflag:s25] =	ssyncset.done $0x0  }
0x2a: {  	s3 =	sadd.s32 s8, s3;
	[sflag:s25] =	ssyncadd.s32 $0xFFFFFF80  }
0x2b: {  	[tilespmem:s26], [sflag:$0x2] =	stream.indirect.gather [hbm4b:s5+s21], $0x80, s21, s21, $0xb8;
	[tilespmem:$0x1C200] =	vst v63  }
0x2c: {  	s3 =	sshll.u32 s3, $0x4;
	_ =	swait.ge [sflag:s28], $0x4000  }
0x2d: {  	s3 =	sand.u32 $0x1FFFFFE0, s3;
	[sflag:s28] =	ssyncset.done $0x0  }
0x2e: {  	s7 =	sadd.s32 s1, s3;
	[sflag:s28] =	ssyncadd.s32 $0xFFFFC000  }
0x2f: {  	[tilespmem:s4], [sflag:$0x3] =	stream.linear.gather [hbm4b:s7+s4], $0x80, $0x38;
	[tilespmem:$0x1C200] =	vst v63  }
0x30: {  	_ =	swait.ge [sflag:s29], $0x80  }
0x31: {  	[sflag:s29] =	ssyncset.done $0x0  }
0x32: {  	[sflag:s29] =	ssyncadd.s32 $0xFFFFFF80  }
0x33: {  	[spmem:s2] =	stream.indirect.scatter.add.f32 [tilespmem:s24], [sflag:$0x7], $0x80, s20, s21, $0xb8;
	[tilespmem:$0x1C200] =	vst v63  }
0x34: {  	_ =	swait.ge [sflag:s19], $0x4000  }
0x35: {  	[sflag:s19] =	ssyncset.done $0x0  }
0x36: {  	s3 =	sadd.s32 s6, s3;
	[sflag:s19] =	ssyncadd.s32 $0xFFFFC000  }
0x37: {  	[tilespmem:s20], [sflag:$0x5] =	stream.linear.gather [hbm4b:s3+s4], $0x80, $0x38;
	[tilespmem:$0x1C200] =	vst v63  }
0x38: {  	p0 =	sgt.u32 s9, $0x3;
	s3 =	simm.s32 $0x3;
	_ =	swait.ge [sflag:s23], $0x80  }
0x39: {  	s3 =	simm.s32 @!p0 $0x1;
	[sflag:s23] =	ssyncset.done $0x0  }
0x3a: {  	s3 =	sadd.s32 s8, s3;
	[sflag:s23] =	ssyncadd.s32 $0xFFFFFF80  }
0x3b: {  	[tilespmem:s24], [sflag:$0x1] =	stream.indirect.gather [hbm4b:s5+s21], $0x80, s4, s21, $0xb8;
	[tilespmem:$0x1C200] =	vst v63  }
0x3c: {  	s3 =	sshll.u32 s3, $0x4;
	_ =	swait.ge [sflag:s30], $0x4000  }
0x3d: {  	s3 =	sand.u32 $0x1FFFFFF0, s3;
	[sflag:s30] =	ssyncset.done $0x0  }
0x3e: {  	s12 =	sadd.s32 s1, s3;
	[sflag:s30] =	ssyncadd.s32 $0xFFFFC000  }
0x3f: {  	[tilespmem:s21], [sflag:$0x4] =	stream.linear.gather [hbm4b:s12+s4], $0x80, $0x38;
	[tilespmem:$0x1C200] =	vst v63  }
0x40: {  	p0 =	sne.s32 s17, $0x1;
	_ =	swait.ge [sflag:s31], $0x80  }
.Ltmp0:
0x41: {  	[sflag:s31] =	ssyncset.done $0x0;
	(pc) =	sbr.rel @!p0 .LBB2_3-.Ltmp0, $4  }
0x42: {  	[sflag:s31] =	ssyncadd.s32 $0xFFFFFF80  }
0x43: {  	[spmem:s2] =	stream.indirect.scatter.add.f32 [tilespmem:s26], [sflag:$0x7], $0x80, s22, s21, $0xb8;
	[tilespmem:$0x1C200] =	vst v63  }
0x44: {  	s7 =	sadd.s32 $0xFFFFFFFF, s17;
	_ =	swait.ge [sflag:s19], $0x4000  }
0x45: {  	s11 =	sadd.s32 s6, s3;
	s3 =	simm.s32 $0x2;
	[sflag:s19] =	ssyncset.done $0x0  }
.LBB2_2:
0x46: {  	p0 =	sne.s32 s7, $0x1  }
0x47: {  	[sflag:s19] =	ssyncadd.s32 $0xFFFFC000;
	s3 =	sadd.s32 $0x2, s3;
	s7 =	sadd.s32 $0xFFFFFFFF, s7  }
0x48: {  	[tilespmem:s22], [sflag:$0x6] =	stream.linear.gather [hbm4b:s11+s4], $0x80, $0x38;
	[tilespmem:$0x1C200] =	vst v63  }
0x49: {  	p1 =	slt.u32 s3, s9;
	s11 =	smov.u32 s3;
	_ =	swait.ge [sflag:s25], $0x80  }
0x4a: {  	s11 =	simm.s32 @!p1 $0x0;
	[sflag:s25] =	ssyncset.done $0x0  }
0x4b: {  	s11 =	sadd.s32 s8, s11;
	[sflag:s25] =	ssyncadd.s32 $0xFFFFFF80  }
0x4c: {  	[tilespmem:s26], [sflag:$0x2] =	stream.indirect.gather [hbm4b:s5+s21], $0x80, s21, s21, $0xb8;
	[tilespmem:$0x1C200] =	vst v63  }
0x4d: {  	s11 =	sshll.u32 s11, $0x4;
	_ =	swait.ge [sflag:s28], $0x4000  }
0x4e: {  	s11 =	sand.u32 $0x1FFFFFE0, s11;
	[sflag:s28] =	ssyncset.done $0x0  }
0x4f: {  	s12 =	sadd.s32 s1, s11;
	[sflag:s28] =	ssyncadd.s32 $0xFFFFC000  }
0x50: {  	[tilespmem:s4], [sflag:$0x3] =	stream.linear.gather [hbm4b:s12+s4], $0x80, $0x38;
	[tilespmem:$0x1C200] =	vst v63  }
0x51: {  	_ =	swait.ge [sflag:s29], $0x80  }
0x52: {  	[sflag:s29] =	ssyncset.done $0x0  }
0x53: {  	[sflag:s29] =	ssyncadd.s32 $0xFFFFFF80  }
0x54: {  	[spmem:s2] =	stream.indirect.scatter.add.f32 [tilespmem:s24], [sflag:$0x7], $0x80, s20, s21, $0xb8;
	[tilespmem:$0x1C200] =	vst v63  }
0x55: {  	_ =	swait.ge [sflag:s19], $0x4000  }
0x56: {  	s11 =	sadd.s32 s6, s11;
	[sflag:s19] =	ssyncset.done $0x0  }
0x57: {  	s12 =	sadd.s32 $0x1, s3;
	[sflag:s19] =	ssyncadd.s32 $0xFFFFC000  }
0x58: {  	[tilespmem:s20], [sflag:$0x5] =	stream.linear.gather [hbm4b:s11+s4], $0x80, $0x38;
	[tilespmem:$0x1C200] =	vst v63  }
0x59: {  	p1 =	slt.u32 s12, s9;
	_ =	swait.ge [sflag:s23], $0x80  }
0x5a: {  	s12 =	simm.s32 @!p1 $0x1;
	[sflag:s23] =	ssyncset.done $0x0  }
0x5b: {  	s11 =	sadd.s32 s8, s12;
	[sflag:s23] =	ssyncadd.s32 $0xFFFFFF80  }
0x5c: {  	[tilespmem:s24], [sflag:$0x1] =	stream.indirect.gather [hbm4b:s5+s21], $0x80, s4, s21, $0xb8;
	[tilespmem:$0x1C200] =	vst v63  }
0x5d: {  	s11 =	sshll.u32 s11, $0x4;
	_ =	swait.ge [sflag:s30], $0x4000  }
0x5e: {  	s11 =	sand.u32 $0x1FFFFFF0, s11;
	[sflag:s30] =	ssyncset.done $0x0  }
0x5f: {  	s12 =	sadd.s32 s1, s11;
	[sflag:s30] =	ssyncadd.s32 $0xFFFFC000  }
0x60: {  	[tilespmem:s21], [sflag:$0x4] =	stream.linear.gather [hbm4b:s12+s4], $0x80, $0x38;
	[tilespmem:$0x1C200] =	vst v63  }
0x61: {  	_ =	swait.ge [sflag:s31], $0x80  }
.Ltmp1:
0x62: {  	[sflag:s31] =	ssyncset.done $0x0;
	(pc) =	sbr.rel @p0 .LBB2_2-.Ltmp1, $4  }
0x63: {  	[sflag:s31] =	ssyncadd.s32 $0xFFFFFF80  }
0x64: {  	[spmem:s2] =	stream.indirect.scatter.add.f32 [tilespmem:s26], [sflag:$0x7], $0x80, s22, s21, $0xb8;
	[tilespmem:$0x1C200] =	vst v63  }
0x65: {  	_ =	swait.ge [sflag:s19], $0x4000  }
0x66: {  	s11 =	sadd.s32 s6, s11;
	[sflag:s19] =	ssyncset.done $0x0  }
.LBB2_3:
0x67: {  	[sflag:s19] =	ssyncadd.s32 $0xFFFFC000;
	s3 =	sadd.s32 $0x2, s3  }
0x68: {  	[tilespmem:s22], [sflag:$0x6] =	stream.linear.gather [hbm4b:s11+s4], $0x80, $0x38;
	[tilespmem:$0x1C200] =	vst v63  }
0x69: {  	p0 =	slt.u32 s3, s9;
	_ =	swait.ge [sflag:s25], $0x80  }
0x6a: {  	s7 =	sadd.s32 $0x1, s3;
	s3 =	simm.s32 @!p0 $0x0;
	[sflag:s25] =	ssyncset.done $0x0  }
0x6b: {  	s3 =	sadd.s32 s8, s3;
	[sflag:s25] =	ssyncadd.s32 $0xFFFFFF80  }
0x6c: {  	[tilespmem:s26], [sflag:$0x2] =	stream.indirect.gather [hbm4b:s5+s21], $0x80, s21, s21, $0xb8;
	[tilespmem:$0x1C200] =	vst v63  }
0x6d: {  	s3 =	sshll.u32 s3, $0x4;
	_ =	swait.ge [sflag:s28], $0x4000  }
0x6e: {  	s3 =	sand.u32 $0x1FFFFFE0, s3;
	[sflag:s28] =	ssyncset.done $0x0  }
0x6f: {  	s12 =	sadd.s32 s1, s3;
	[sflag:s28] =	ssyncadd.s32 $0xFFFFC000  }
0x70: {  	[tilespmem:s4], [sflag:$0x3] =	stream.linear.gather [hbm4b:s12+s4], $0x80, $0x38;
	[tilespmem:$0x1C200] =	vst v63  }
0x71: {  	_ =	swait.ge [sflag:s29], $0x80  }
0x72: {  	[sflag:s29] =	ssyncset.done $0x0  }
0x73: {  	[sflag:s29] =	ssyncadd.s32 $0xFFFFFF80  }
0x74: {  	[spmem:s2] =	stream.indirect.scatter.add.f32 [tilespmem:s24], [sflag:$0x7], $0x80, s20, s21, $0xb8;
	[tilespmem:$0x1C200] =	vst v63  }
0x75: {  	_ =	swait.ge [sflag:s19], $0x4000  }
0x76: {  	[sflag:s19] =	ssyncset.done $0x0  }
0x77: {  	s3 =	sadd.s32 s6, s3;
	[sflag:s19] =	ssyncadd.s32 $0xFFFFC000  }
0x78: {  	[tilespmem:s20], [sflag:$0x5] =	stream.linear.gather [hbm4b:s3+s4], $0x80, $0x38;
	[tilespmem:$0x1C200] =	vst v63  }
0x79: {  	p0 =	slt.u32 s7, s9;
	_ =	swait.ge [sflag:s23], $0x80  }
0x7a: {  	s7 =	simm.s32 @!p0 $0x1;
	[sflag:s23] =	ssyncset.done $0x0  }
0x7b: {  	s11 =	sadd.s32 s8, s7;
	[sflag:s23] =	ssyncadd.s32 $0xFFFFFF80  }
0x7c: {  	[tilespmem:s24], [sflag:$0x1] =	stream.indirect.gather [hbm4b:s5+s21], $0x80, s4, s21, $0xb8;
	[tilespmem:$0x1C200] =	vst v63  }
0x7d: {  	s3 =	sshll.u32 s11, $0x4;
	_ =	swait.ge [sflag:s30], $0x4000  }
0x7e: {  	s3 =	sand.u32 $0x1FFFFFF0, s3;
	[sflag:s30] =	ssyncset.done $0x0  }
0x7f: {  	s12 =	sadd.s32 s1, s3;
	[sflag:s30] =	ssyncadd.s32 $0xFFFFC000  }
0x80: {  	[tilespmem:s21], [sflag:$0x4] =	stream.linear.gather [hbm4b:s12+s4], $0x80, $0x38;
	[tilespmem:$0x1C200] =	vst v63  }
0x81: {  	_ =	swait.ge [sflag:s31], $0x80  }
0x82: {  	[sflag:s31] =	ssyncset.done $0x0  }
0x83: {  	[sflag:s31] =	ssyncadd.s32 $0xFFFFFF80  }
0x84: {  	[spmem:s2] =	stream.indirect.scatter.add.f32 [tilespmem:s26], [sflag:$0x7], $0x80, s22, s21, $0xb8;
	[tilespmem:$0x1C200] =	vst v63  }
0x85: {  	_ =	swait.ge [sflag:s19], $0x4000  }
0x86: {  	[sflag:s19] =	ssyncset.done $0x0  }
0x87: {  	s3 =	sadd.s32 s6, s3;
	[sflag:s19] =	ssyncadd.s32 $0xFFFFC000  }
0x88: {  	[tilespmem:s22], [sflag:$0x6] =	stream.linear.gather [hbm4b:s3+s4], $0x80, $0x38;
	[tilespmem:$0x1C200] =	vst v63  }
0x89: {  	_ =	swait.ge [sflag:s28], $0x4000  }
0x8a: {  	[sflag:s28] =	ssyncset.done $0x0  }
0x8b: {  	[sflag:s28] =	ssyncadd.s32 $0xFFFFC000  }
0x8c: {  	_ =	swait.ge [sflag:s25], $0x80  }
0x8d: {  	[sflag:s25] =	ssyncset.done $0x0  }
0x8e: {  	[sflag:s25] =	ssyncadd.s32 $0xFFFFFF80  }
0x8f: {  	_ =	swait.ge [sflag:s29], $0x80  }
0x90: {  	[sflag:s29] =	ssyncset.done $0x0  }
0x91: {  	[sflag:s29] =	ssyncadd.s32 $0xFFFFFF80  }
0x92: {  	_ =	swait.ge [sflag:s31], $0x80  }
0x93: {  	s0 =	sadd.s32 $0x1, s0;
	[sflag:s31] =	ssyncset.done $0x0  }
0x94: {  	p0 =	sne.s32 s0, s16;
	[sflag:s31] =	ssyncadd.s32 $0xFFFFFF80  }
.Ltmp2:
0x95: {  	[bflag:$0x0] =	sbarrier.arrive $0xFFFF;
	(pc) =	sbr.rel @p0 .LBB2_1-.Ltmp2, $4  }
0x96: {  	[hbm:s15], [sflag:s10] =	dma.local [spmem:s18], $0x2800  }
0x97: {  	_ =	swait.ge [sflag:s19], $0x2800  }
0x98: {  	[sflag:s19] =	ssyncset.done $0x0  }
0x99: {  	[sflag:s19] =	ssyncadd.s32 $0xFFFFD800  }
0x9a: {  	_ =	sfence.sel $0x180000  }
0x9b: {  	[bflag:$0x0] =	sbarrier.arrive $0xFFFF  }
0x9c: {  	_ =	strace $0x9000004D  }
0x9d: {  	s0 =	stileid.u32;
	[bflag:$0x2] =	sbarrier.arrive $0xFFFF  }
0x9e: {  	p0 =	sne.s32 s0, $0x0;
	s0 =	rddreg [dreg:$0x3]  }
0x9f: {  	s0 =	sadd.s32 @!p0 $0x100000, s0  }
0xa0: {  	[sflag:s0] =	ssyncadd.tile.s32 @!p0 $0x1;
	_ =	shalt  }
.Lfunc_end2:
_tile_overlayer_lowered:
.L_overlay_start_2:
0xa1: {  	(tag) =	ssettag $0x2  }
0xa2: {  	s0 =	rddreg [dreg:$0x0];
	s2 =	stileid.u32  }
0xa3: {  	s1 =	rddreg [dreg:$0x1];
	p0 =	sne.s32 s2, $0x0  }
0xa4: {  	s3 =	rddreg [dreg:$0x2];
	[bflag:$0x3] =	sbarrier.arrive $0xFFFF;
	s2 =	simm.s32 @!p0 $0x1C07  }
0xa5: {  	[timem:s3], [sflag:s2] =	dma.local @!p0 [hbm:s0], s1  }
0xa6: {  	s0 =	simm.s32 @!p0 $0x7  }
0xa7: {  	_ =	swait.ge @!p0 [sflag:s0], s1  }
0xa8: {  	s1 =	ssub.s32 @!p0 $0x0, s1;
	[sflag:s0] =	ssyncset.done @!p0 $0x0  }
0xa9: {  	[sflag:s0] =	ssyncadd.s32 @!p0 s1  }
0xaa: {  	[bflag:$0x3] =	sbarrier.arrive $0xFFFF  }
0xab: {  	_ =	shalt  }

// kernel: kernel.9.cloned.1.call-start
scs
__scs_entry_jumppad:
0x0: {  	(pc) =	sbr.rel $0x88, $3  }
0x1: {  	(tag) =	ssettag $0x0;
	lr =	simm.s32 $0x1  }
0x2: {  	[smem:$0x3F96] =	sst lr;
	_ =	strace $0xD0000000  }
0x3: {  	_ = 	snop  }
0x4: {  	_ = 	snop  }
0x5: {  	_ = 	snop  }
0x6: {  	_ = 	snop  }
0x7: {  	_ = 	snop  }
__scs_overlays_trampoline_lowered:
0x8: {  	[smem:$0x3FA5] =	sst s0  }
0x9: {  	[smem:$0x3FA6] =	sst s1  }
0xa: {  	[smem:$0x3FA7] =	sst s2  }
0xb: {  	[smem:$0x3FA8] =	sst s3  }
0xc: {  	[smem:$0x3FA9] =	sst s4  }
0xd: {  	[smem:$0x3FAA] =	sst s5  }
0xe: {  	[smem:$0x3FAB] =	sst s6  }
0xf: {  	[smem:$0x3FAC] =	sst s7  }
0x10: {  	[smem:$0x3FAD] =	sst s8  }
0x11: {  	[smem:$0x3FAE] =	sst s9;
	s0 =	simm.s32 @!p0 $0x0  }
0x12: {  	s1 =	sld [smem:$0x3F94];
	s0 =	simm.s32 @p0 $0x1  }
0x13: {  	[smem:$0x3FAF] =	sst s0;
	s0 =	simm.s32 @!p1 $0x0  }
0x14: {  	s2 =	sld [smem:$0x3F93];
	s0 =	simm.s32 @p1 $0x1  }
0x15: {  	[smem:$0x3FB0] =	sst s0;
	s0 =	simm.s32 @!p2 $0x0  }
0x16: {  	s3 =	sld [smem:$0x3FDB];
	s0 =	simm.s32 @p2 $0x1  }
0x17: {  	s4 =	simm.s32 $0x1BF5;
	[smem:$0x3FB2] =	sst s0  }
0x18: {  	s0 =	sld [smem:$0x3F95];
	_ =	swait.ge [sflag:s4], $0x0  }
0x19: {  	s7 =	sld [smem:$0x3F96]  }
0x1a: {  	s8 =	sadd.s32 $0xFFFFE003, lr  }
0x1b: {  	s9 =	sadd.s32 $0xFFFFFEF7, lr;
	s5 =	simm.s32 $0xFFFFFFFF;
	p2 =	slt.u32 s8, $0xFFFFF086  }
0x1c: {  	p1 =	slt.u32 s9, $0xF7A;
	s5 =	simm.s32 @!p2 $0x0  }
0x1d: {  	s5 =	simm.s32 @p1 $0x1;
	p0 =	seq.s32 s7, s2  }
0x1e: {  	s7 =	smul.u32 @!p0 $0xF7A, s2;
	p2 =	seq.s32 @!p0 s5, $0x0  }
0x1f: {  	s9 =	smul.u32 $0xF7A, s1;
	s8 =	simm.s32 @!p0 $0x1BF5;
	p2 =	por !p2, p0  }
0x20: {  	[sflag:s8] =	ssyncset.s32 @!p0 $0xFFFFF086;
	s6 =	sadd.s32 @!p0 s3, s7;
	s7 =	simm.s32 @!p0 $0x108  }
0x21: {  	s3 =	sadd.s32 s3, s9;
	s6 =	sadd.s32 @!p0 $0x88, s6;
	s7 =	simm.s32 @p2 $0x1082  }
0x22: {  	[simem:s7], [sflag:s8] =	dma.local @!p0 [hbm:s6], $0xF7A  }
0x23: {  	s9 =	sor.u32 $0xD0000000, s2;
	s6 =	simm.s32 $0x108;
	_ =	swait.ge @!p0 [sflag:s8], $0x0  }
0x24: {  	s3 =	sadd.s32 $0x88, s3;
	s6 =	simm.s32 @!p1 $0x1082;
	[sflag:s4] =	ssyncset.s32 $0xFFFFF086  }
0x25: {  	[simem:s6], [sflag:s4] =	dma.local [hbm:s3], $0xF7A  }
0x26: {  	[smem:$0x3F96] =	sst s1;
	(tag) =	ssettag s2;
	_ =	strace s9  }
0x27: {  	s1 =	sld [smem:$0x3FA6]  }
0x28: {  	s2 =	sld [smem:$0x3FA7]  }
0x29: {  	s4 =	sld [smem:$0x3FA9]  }
0x2a: {  	p0 =	seq.s32 s5, $0x0;
	s5 =	sld [smem:$0x3FAA]  }
0x2b: {  	s6 =	sld [smem:$0x3FAB]  }
0x2c: {  	s7 =	sld [smem:$0x3FAC]  }
0x2d: {  	s3 =	simm.s32 $0x108;
	s8 =	sld [smem:$0x3FAD]  }
0x2e: {  	s3 =	simm.s32 @!p0 $0x1082;
	s9 =	sld [smem:$0x3FAE]  }
0x2f: {  	lr =	sadd.s32 s0, s3;
	s0 =	sld [smem:$0x3FA5]  }
0x30: {  	s3 =	sld [smem:$0x3FA8]  }
0x31: {  	[smem:$0x3FB1] =	sst s10  }
0x32: {  	s10 =	sld [smem:$0x3FAF];
	_ =	sdelay $0x3  }
0x33: {  	p0 =	seq.s32 s10, $0x1;
	s10 =	sld [smem:$0x3FB1];
	_ =	sdelay $0x3  }
0x34: {  	[smem:$0x3FB1] =	sst s10  }
0x35: {  	s10 =	sld [smem:$0x3FB0];
	_ =	sdelay $0x3  }
0x36: {  	p1 =	seq.s32 s10, $0x1;
	s10 =	sld [smem:$0x3FB1];
	_ =	sdelay $0x3  }
0x37: {  	[smem:$0x3FB1] =	sst s10  }
0x38: {  	s10 =	sld [smem:$0x3FB2]  }
0x39: {  	_ = 	snop;
	(pc) =	sbr.ind lr, $3  }
0x3a: {  	_ = 	snop  }
0x3b: {  	_ = 	snop  }
0x3c: {  	p2 =	seq.s32 s10, $0x1;
	s10 =	sld [smem:$0x3FB1]  }
0x3d: {  	_ =	shalt  }
0x3e: {  	_ =	shalt  }
0x3f: {  	_ =	shalt  }
0x40: {  	_ =	shalt  }
0x41: {  	_ =	shalt  }
0x42: {  	_ =	shalt  }
0x43: {  	_ =	shalt  }
0x44: {  	_ =	shalt  }
0x45: {  	_ =	shalt  }
0x46: {  	_ =	shalt  }
0x47: {  	_ =	shalt  }
0x48: {  	_ =	shalt  }
0x49: {  	_ =	shalt  }
0x4a: {  	_ =	shalt  }
0x4b: {  	_ =	shalt  }
0x4c: {  	_ =	shalt  }
0x4d: {  	_ =	shalt  }
0x4e: {  	_ =	shalt  }
0x4f: {  	_ =	shalt  }
0x50: {  	_ =	shalt  }
0x51: {  	_ =	shalt  }
0x52: {  	_ =	shalt  }
0x53: {  	_ =	shalt  }
0x54: {  	_ =	shalt  }
0x55: {  	_ =	shalt  }
0x56: {  	_ =	shalt  }
0x57: {  	_ =	shalt  }
0x58: {  	_ =	shalt  }
0x59: {  	_ =	shalt  }
0x5a: {  	_ =	shalt  }
0x5b: {  	_ =	shalt  }
0x5c: {  	_ =	shalt  }
0x5d: {  	_ =	shalt  }
0x5e: {  	_ =	shalt  }
0x5f: {  	_ =	shalt  }
0x60: {  	_ =	shalt  }
0x61: {  	_ =	shalt  }
0x62: {  	_ =	shalt  }
0x63: {  	_ =	shalt  }
0x64: {  	_ =	shalt  }
0x65: {  	_ =	shalt  }
0x66: {  	_ =	shalt  }
0x67: {  	_ =	shalt  }
0x68: {  	_ =	shalt  }
0x69: {  	_ =	shalt  }
0x6a: {  	_ =	shalt  }
0x6b: {  	_ =	shalt  }
0x6c: {  	_ =	shalt  }
0x6d: {  	_ =	shalt  }
0x6e: {  	_ =	shalt  }
0x6f: {  	_ =	shalt  }
0x70: {  	_ =	shalt  }
0x71: {  	_ =	shalt  }
0x72: {  	_ =	shalt  }
0x73: {  	_ =	shalt  }
0x74: {  	_ =	shalt  }
0x75: {  	_ =	shalt  }
0x76: {  	_ =	shalt  }
0x77: {  	_ =	shalt  }
0x78: {  	_ =	shalt  }
0x79: {  	_ =	shalt  }
0x7a: {  	_ =	shalt  }
0x7b: {  	_ =	shalt  }
0x7c: {  	_ =	shalt  }
0x7d: {  	_ =	shalt  }
0x7e: {  	_ =	shalt  }
0x7f: {  	_ =	shalt  }
0x80: {  	_ =	shalt  }
0x81: {  	_ =	shalt  }
0x82: {  	_ =	shalt  }
0x83: {  	_ =	shalt  }
0x84: {  	_ =	shalt  }
0x85: {  	_ =	shalt  }
0x86: {  	_ =	shalt  }
0x87: {  	_ =	shalt  }
.Lfunc_end0:
.L_simem_size_0:
called_computation_lowered:
.L_overlay_start_0:
0x88: {  	s2 =	sld [smem:$0x3FD9]  }
0x89: {  	s3 =	sld [smem:$0x3FFE];
	_ =	sdelay $0x1  }
0x8a: {  	s1 =	srdreg.scid  }
0x8b: {  	s0 =	sand.u32 $0x1, s1  }
0x8c: {  	s17 =	sshll.u32 s0, $0xA;
	s2 =	sadd.s32 s3, s2  }
0x8d: {  	s2 =	sadd.s32 s2, s17  }
0x8e: {  	[smem:$0x3FBD] =	sst s2  }
0x8f: {  	_ = 	snop  }
0x90: {  	s2 =	sld [smem:$0x3FD0];
	(tm) =	ssettm $0x1  }
0x91: {  	s18 =	sld [smem:$0x3FFB];
	_ =	sdelay $0x3  }
0x92: {  	_ =	strace s18  }
0x93: {  	s3 =	sld [smem:$0x3FFC];
	_ =	sdelay $0x3  }
0x94: {  	_ =	strace s3  }
0x95: {  	s3 =	sld [smem:$0x3FFD];
	_ =	sdelay $0x3  }
0x96: {  	_ =	strace s3  }
0x97: {  	_ =	strace $0x8FFFFFFF  }
0x98: {  	s19 =	sld [smem:$0x3FDB];
	_ =	sdelay $0x1  }
0x99: {  	s4 =	simm.s32 $_scs_section_size  }
0x9a: {  	s5 =	simm.s32 $_size__tile_overlayer_lowered;
	s6 =	simm.s32 $_tile_overlayer_lowered  }
0x9b: {  	s22 =	simm.s32 $0x1BFF;
	s21 =	sshll.u32 s6, $0x1;
	s3 =	sadd.s32 s4, s19  }
0x9c: {  	s7 =	simm.s32 $0x0;
	s20 =	sshll.u32 s5, $0x1;
	s5 =	sadd.s32 s21, s3  }
0x9d: {  	[timem:s7], [sflag:s22] =	dma.local [hbm:s5], s20  }
0x9e: {  	_ =	swait.ge [sflag:s22], s20  }
0x9f: {  	s4 =	ssub.s32 $0x0, s20;
	[sflag:s22] =	ssyncset.done $0x0  }
0xa0: {  	[sflag:s22] =	ssyncadd.s32 s4;
	_ =	sdelay $0x1  }
0xa1: {  	s23 =	simm.s32 $0x1B8B  }
0xa2: {  	_ =	swait.ge [sflag:s23], $0x1  }
0xa3: {  	[sflag:s23] =	ssyncset.done $0x0  }
0xa4: {  	s25 =	simm.s32 $0x1B8E;
	s24 =	sld [smem:$0x3FFE];
	[sflag:s23] =	ssyncadd.s32 $0xFFFFFFFF  }
0xa5: {  	s26 =	simm.s32 $execute0_lowered;
	[smem:$0x3FD2] =	sst s25  }
0xa6: {  	s5 =	sshll.u32 s26, $0x1;
	_ =	strace $0x80000046;
	[dreg:$0x1] =	wrdreg $0xFFFFFFFF  }
0xa7: {  	s28 =	simm.s32 $_size_execute0_lowered;
	s3 =	sadd.s32 s3, s5;
	[dreg:$0x0] =	wrdreg $0x0  }
0xa8: {  	s5 =	sshll.u32 s28, $0x1;
	[dreg:$0x2] =	wrdreg s3  }
0xa9: {  	[dreg:$0x3] =	wrdreg s5  }
0xaa: {  	[dreg:$0x4] =	wrdreg $0xC0  }
0xab: {  	_ =	task [dreg:s7], $0x5FFFF  }
0xac: {  	[dreg:$0x1] =	wrdreg $0xFFFFFFFF  }
0xad: {  	[dreg:$0x0] =	wrdreg $0x60  }
0xae: {  	[dreg:$0x2] =	wrdreg s24  }
0xaf: {  	[dreg:$0x3] =	wrdreg s2  }
0xb0: {  	[dreg:$0x4] =	wrdreg $0x82000  }
0xb1: {  	[dreg:$0x5] =	wrdreg $0x1C2800  }
0xb2: {  	[dreg:$0x6] =	wrdreg $0x9  }
0xb3: {  	_ =	task.clear_ibuf [dreg:s7], $0x7FFFF;
	_ =	strace $0x90000046  }
0xb4: {  	s29 =	simm.s32 $0x9;
	_ =	strace $0x80000048  }
0xb5: {  	_ =	swait.ge [sflag:s29], $0x1  }
0xb6: {  	[sflag:s29] =	ssyncadd.s32 $0xFFFFFFFF  }
0xb7: {  	_ =	strace $0x90000048  }
0xb8: {  	_ =	sfence  }
0xb9: {  	s30 =	sld [smem:$0x0];
	_ =	sdelay $0x2  }
0xba: {  	s31 =	sshll.u32 s1, $0xD;
	s1 =	sshrl.u32 s1, $0x2  }
0xbb: {  	s3 =	sand.u32 $0x4000, s31;
	s1 =	sadd.s32 s1, s30  }
0xbc: {  	s0 =	sor.u32 s3, s0;
	s1 =	sshll.u32 s1, $0x11  }
0xbd: {  	s0 =	sor.u32 s1, s0  }
0xbe: {  	s0 =	sadd.s32 $0x8F2B, s0  }
0xbf: {  	[sflag:s0] =	ssyncadd.remote.s32 $0x1  }
0xc0: {  	_ =	sfence.sel $0xFFFF  }
0xc1: {  	[dreg:$0x0] =	wrdreg $0xFFFFFFFF;
	(pc) =	sbr.abs _section_cstart, $3  }
0xc2: {  	[dreg:$0x1] =	wrdreg $0xFFFFFFFF  }
0xc3: {  	_ =	task.clear_ibuf [dreg:s7], $0x2FFFF;
	_ =	strace $0x9FFFFFFF  }
0xc4: {  	(tm) =	ssettm $0x7FFFFFFF  }
0xc5: {  	_ =	shalt  }
tec
execute0_lowered:
.L_overlay_start_1:
0x0: {  	(tag) =	ssettag $0x1  }
0x1: {  	s0 =	rddreg [dreg:$0x0]  }
0x2: {  	s1 =	rddreg [dreg:$0x1]  }
0x3: {  	s2 =	rddreg [dreg:$0x2]  }
0x4: {  	s3 =	rddreg [dreg:$0x3]  }
0x5: {  	s4 =	srdreg.scid;
	s5 =	simm.s32 $0x0;
	s14 =	stileid.u32  }
0x6: {  	s28 =	simm.s32 $0x80;
	s29 =	simm.s32 $0x180;
	s30 =	simm.s32 $0x3  }
0x7: {  	s31 =	simm.s32 $0x200;
	s4 =	sand.u32 $0x1, s4;
	s9 =	smul.u32 $0x14000, s14  }
0x8: {  	[smem:$0x7FF] =	sst s5;
	s6 =	sadd.s32 $0xCA00, s0;
	s12 =	smul.u32 $0x500, s14  }
0x9: {  	s7 =	sadd.s32 $0x2C00, s0;
	s10 =	sadd.s32 $0x34000, s0;
	s18 =	smul.u32 $0x50, s14  }
0xa: {  	s13 =	sadd.s32 $0x33E00, s0;
	s11 =	sadd.s32 $0x33C00, s0;
	s19 =	smul.u32 $0x50000, s14  }
0xb: {  	s20 =	smul.u32 $0xA00, s14;
	_ =	strace $0x80000047;
	[dreg:$0x5] =	wrdreg s10  }
0xc: {  	s21 =	sshll.u32 s14, $0x6;
	s8 =	smul.u32 $0x140000, s4;
	[dreg:$0x6] =	wrdreg s13  }
0xd: {  	s15 =	sshll.u32 s4, $0x7;
	[dreg:$0x7] =	wrdreg s11;
	s16 =	ssub.s32 $0x2, s4  }
0xe: {  	s13 =	smul.u32 $0x4E, s14;
	p0 =	seq.s32 s4, $0x0;
	s14 =	simm.s32 $0x6  }
0xf: {  	s17 =	sshrl.u32 s16, $0x1;
	s11 =	sadd.s32 $0x4E0, s18;
	s4 =	sshrl.u32 s19, $0x2  }
0x10: {  	s10 =	sshrl.u32 s20, $0x2;
	s8 =	sadd.s32 s9, s8;
	s9 =	sor.u32 s15, s12  }
0x11: {  	s12 =	simm.s32 $0x4E;
	s11 =	smov.u32 @p0 s13;
	s4 =	sadd.s32 s4, s2  }
0x12: {  	s13 =	sor.u32 $0x1C07, s21;
	s10 =	sadd.s32 s10, s3;
	s15 =	simm.s32 $0x0  }
0x13: {  	s8 =	sshrl.u32 s8, $0x3;
	s9 =	sshrl.u32 s9, $0x3;
	s12 =	simm.s32 @!p0 $0x50  }
0x14: {  	[dreg:$0x8] =	wrdreg s10;
	s22 =	sshll.u32 s11, $0x4;
	s8 =	sadd.s32 s8, s0  }
0x15: {  	s0 =	sadd.s32 s9, s0;
	s9 =	ssub.s32 s16, s17;
	s23 =	sadd.s32 s1, s22  }
0x16: {  	s24 =	sadd.s32 s7, s22;
	s10 =	sor.u32 $0x10, s22;
	[dreg:$0x9] =	wrdreg s23  }
0x17: {  	s26 =	sshrl.u32 s12, $0x1;
	[dreg:$0xa] =	wrdreg s24;
	s25 =	sadd.s32 s1, s10  }
0x18: {  	s10 =	sadd.s32 s7, s10;
	s8 =	sadd.s32 $0x37200, s8;
	s0 =	sadd.s32 $0x36800, s0  }
0x19: {  	s21 =	smax.u32 s9, $0x1;
	s22 =	sadd.s32 $0xFFFFFFFF, s26;
	[dreg:$0xb] =	wrdreg s25  }
0x1a: {  	s23 =	sshrl.u32 s4, $0x3;
	s24 =	simm.s32 $0x7;
	[dreg:$0xc] =	wrdreg s10  }
0x1b: {  	s26 =	simm.s32 $0x100;
	s4 =	simm.s32 $0x4200;
	[dreg:$0xd] =	wrdreg s8  }
0x1c: {  	s9 =	simm.s32 $0x5;
	[dreg:$0xe] =	wrdreg s0;
	s25 =	simm.s32 $0x1C200  }
0x1d: {  	s0 =	simm.s32 $0x4;
	s8 =	simm.s32 $0x1;
	s10 =	simm.s32 $0x2  }
.LBB2_1:
0x1e: {  	s16 =	rddreg [dreg:$0x5]  }
0x1f: {  	[spmem:s23], [sflag:s13] =	dma.local [hbm:s16], $0x2800  }
0x20: {  	_ =	swait.ge [sflag:s24], $0x2800  }
0x21: {  	[sflag:s24] =	ssyncset.done $0x0;
	s17 =	rddreg [dreg:$0x8]  }
0x22: {  	[sflag:s24] =	ssyncadd.s32 $0xFFFFD800;
	s16 =	sshrl.u32 s17, $0x3;
	s17 =	rddreg [dreg:$0x6]  }
0x23: {  	[spmem:s16], [sflag:s13] =	dma.local [hbm:s17], $0x50  }
0x24: {  	_ =	swait.ge [sflag:s24], $0x50  }
0x25: {  	[sflag:s24] =	ssyncset.done $0x0  }
0x26: {  	s18 =	rddreg [dreg:$0x7];
	[sflag:s24] =	ssyncadd.s32 $0xFFFFFFB0  }
0x27: {  	[tilespmem:s25], [sflag:$0x7] =	stream.linear.gather [hbm4b:s18+s5], $0x80, $0x38;
	[tilespmem:$0x1C500] =	vst v63  }
0x28: {  	_ =	swait.ge [sflag:s24], $0x80  }
0x29: {  	[sflag:s24] =	ssyncset.done $0x0  }
0x2a: {  	[sflag:s24] =	ssyncadd.s32 $0xFFFFFF80  }
0x2b: {  	[bflag:$0x0] =	sbarrier.arrive $0xFFFF  }
0x2c: {  	s19 =	rddreg [dreg:$0x9]  }
0x2d: {  	[tilespmem:s5], [sflag:$0x3] =	stream.linear.gather [hbm4b:s19+s5], $0x80, $0x38;
	[tilespmem:$0x1C500] =	vst v63  }
0x2e: {  	s20 =	rddreg [dreg:$0xa]  }
0x2f: {  	[tilespmem:s26], [sflag:$0x5] =	stream.linear.gather [hbm4b:s20+s5], $0x80, $0x38;
	[tilespmem:$0x1C500] =	vst v63  }
0x30: {  	s18 =	rddreg [dreg:$0xb]  }
0x31: {  	[tilespmem:s28], [sflag:$0x4] =	stream.linear.gather [hbm4b:s18+s5], $0x80, $0x38;
	[tilespmem:$0x1C500] =	vst v63  }
0x32: {  	s19 =	rddreg [dreg:$0xc]  }
0x33: {  	[tilespmem:s29], [sflag:$0x6] =	stream.linear.gather [hbm4b:s19+s5], $0x80, $0x38;
	[tilespmem:$0x1C500] =	vst v63  }
0x34: {  	_ =	swait.ge [sflag:s30], $0x80  }
0x35: {  	[sflag:s30] =	ssyncset.done $0x0  }
0x36: {  	[sflag:s30] =	ssyncadd.s32 $0xFFFFFF80  }
0x37: {  	[tilespmem:s31], [sflag:$0x1] =	stream.indirect.gather [hbm4b:s6+s28], $0x80, s5, s28, $0xb8;
	[tilespmem:$0x1C500] =	vst v63  }
0x38: {  	p0 =	sgt.u32 s12, $0x2;
	s17 =	simm.s32 $0x2;
	_ =	swait.ge [sflag:s0], $0x80  }
0x39: {  	s17 =	simm.s32 @!p0 $0x0;
	[sflag:s0] =	ssyncset.done $0x0  }
0x3a: {  	s17 =	sadd.s32 s11, s17;
	[sflag:s0] =	ssyncadd.s32 $0xFFFFFF80  }
0x3b: {  	[tilespmem:s4], [sflag:$0x2] =	stream.indirect.gather [hbm4b:s6+s28], $0x80, s28, s28, $0xb8;
	[tilespmem:$0x1C500] =	vst v63  }
0x3c: {  	s17 =	sshll.u32 s17, $0x4;
	_ =	swait.ge [sflag:s8], $0x4000  }
0x3d: {  	s17 =	sand.u32 $0x1FFFFFE0, s17;
	[sflag:s8] =	ssyncset.done $0x0  }
0x3e: {  	s18 =	sadd.s32 s1, s17;
	[sflag:s8] =	ssyncadd.s32 $0xFFFFC000  }
0x3f: {  	[tilespmem:s5], [sflag:$0x3] =	stream.linear.gather [hbm4b:s18+s5], $0x80, $0x38;
	[tilespmem:$0x1C500] =	vst v63  }
0x40: {  	_ =	swait.ge [sflag:s9], $0x80  }
0x41: {  	[sflag:s9] =	ssyncset.done $0x0  }
0x42: {  	[sflag:s9] =	ssyncadd.s32 $0xFFFFFF80  }
0x43: {  	[spmem:s2] =	stream.indirect.scatter.add.f32 [tilespmem:s31], [sflag:$0x7], $0x80, s26, s28, $0xb8;
	[tilespmem:$0x1C500] =	vst v63  }
0x44: {  	_ =	swait.ge [sflag:s24], $0x4000  }
0x45: {  	[sflag:s24] =	ssyncset.done $0x0  }
0x46: {  	[sflag:s24] =	ssyncadd.s32 $0xFFFFC000  }
0x47: {  	[spmem:s3] =	stream.indirect.scatter.add.f32 [tilespmem:s25], [sflag:$0x7], $0x1, s26, s28, $0xb8;
	[tilespmem:$0x1C500] =	vst v63  }
0x48: {  	_ =	swait.ge [sflag:s24], $0x80  }
0x49: {  	[sflag:s24] =	ssyncset.done $0x0  }
0x4a: {  	s17 =	sadd.s32 s7, s17;
	[sflag:s24] =	ssyncadd.s32 $0xFFFFFF80  }
0x4b: {  	[tilespmem:s26], [sflag:$0x5] =	stream.linear.gather [hbm4b:s17+s5], $0x80, $0x38;
	[tilespmem:$0x1C500] =	vst v63  }
0x4c: {  	p0 =	sgt.u32 s12, $0x3;
	s17 =	simm.s32 $0x3;
	_ =	swait.ge [sflag:s30], $0x80  }
0x4d: {  	s17 =	simm.s32 @!p0 $0x1;
	[sflag:s30] =	ssyncset.done $0x0  }
0x4e: {  	s17 =	sadd.s32 s11, s17;
	[sflag:s30] =	ssyncadd.s32 $0xFFFFFF80  }
0x4f: {  	[tilespmem:s31], [sflag:$0x1] =	stream.indirect.gather [hbm4b:s6+s28], $0x80, s5, s28, $0xb8;
	[tilespmem:$0x1C500] =	vst v63  }
0x50: {  	s17 =	sshll.u32 s17, $0x4;
	_ =	swait.ge [sflag:s10], $0x4000  }
0x51: {  	s17 =	sand.u32 $0x1FFFFFF0, s17;
	[sflag:s10] =	ssyncset.done $0x0  }
0x52: {  	s20 =	sadd.s32 s1, s17;
	[sflag:s10] =	ssyncadd.s32 $0xFFFFC000  }
0x53: {  	[tilespmem:s28], [sflag:$0x4] =	stream.linear.gather [hbm4b:s20+s5], $0x80, $0x38;
	[tilespmem:$0x1C500] =	vst v63  }
0x54: {  	_ =	swait.ge [sflag:s14], $0x80  }
0x55: {  	[sflag:s14] =	ssyncset.done $0x0  }
0x56: {  	[sflag:s14] =	ssyncadd.s32 $0xFFFFFF80  }
0x57: {  	[spmem:s2] =	stream.indirect.scatter.add.f32 [tilespmem:s4], [sflag:$0x7], $0x80, s29, s28, $0xb8;
	[tilespmem:$0x1C500] =	vst v63  }
0x58: {  	p0 =	sne.s32 s22, $0x1;
	_ =	swait.ge [sflag:s24], $0x4000  }
.Ltmp0:
0x59: {  	[sflag:s24] =	ssyncset.done $0x0;
	(pc) =	sbr.rel @!p0 .LBB2_3-.Ltmp0, $4  }
0x5a: {  	[sflag:s24] =	ssyncadd.s32 $0xFFFFC000  }
0x5b: {  	[spmem:s3] =	stream.indirect.scatter.add.f32 [tilespmem:s25], [sflag:$0x7], $0x1, s29, s28, $0xb8;
	[tilespmem:$0x1C500] =	vst v63  }
0x5c: {  	s18 =	sadd.s32 $0xFFFFFFFF, s22;
	_ =	swait.ge [sflag:s24], $0x80  }
0x5d: {  	s19 =	sadd.s32 s7, s17;
	s17 =	simm.s32 $0x2;
	[sflag:s24] =	ssyncset.done $0x0  }
.LBB2_2:
0x5e: {  	p0 =	sne.s32 s18, $0x1  }
0x5f: {  	[sflag:s24] =	ssyncadd.s32 $0xFFFFFF80;
	s17 =	sadd.s32 $0x2, s17;
	s18 =	sadd.s32 $0xFFFFFFFF, s18  }
0x60: {  	[tilespmem:s29], [sflag:$0x6] =	stream.linear.gather [hbm4b:s19+s5], $0x80, $0x38;
	[tilespmem:$0x1C500] =	vst v63  }
0x61: {  	p1 =	slt.u32 s17, s12;
	s19 =	smov.u32 s17;
	_ =	swait.ge [sflag:s0], $0x80  }
0x62: {  	s19 =	simm.s32 @!p1 $0x0;
	[sflag:s0] =	ssyncset.done $0x0  }
0x63: {  	s19 =	sadd.s32 s11, s19;
	[sflag:s0] =	ssyncadd.s32 $0xFFFFFF80  }
0x64: {  	[tilespmem:s4], [sflag:$0x2] =	stream.indirect.gather [hbm4b:s6+s28], $0x80, s28, s28, $0xb8;
	[tilespmem:$0x1C500] =	vst v63  }
0x65: {  	s19 =	sshll.u32 s19, $0x4;
	_ =	swait.ge [sflag:s8], $0x4000  }
0x66: {  	s19 =	sand.u32 $0x1FFFFFE0, s19;
	[sflag:s8] =	ssyncset.done $0x0  }
0x67: {  	s20 =	sadd.s32 s1, s19;
	[sflag:s8] =	ssyncadd.s32 $0xFFFFC000  }
0x68: {  	[tilespmem:s5], [sflag:$0x3] =	stream.linear.gather [hbm4b:s20+s5], $0x80, $0x38;
	[tilespmem:$0x1C500] =	vst v63  }
0x69: {  	_ =	swait.ge [sflag:s9], $0x80  }
0x6a: {  	[sflag:s9] =	ssyncset.done $0x0  }
0x6b: {  	[sflag:s9] =	ssyncadd.s32 $0xFFFFFF80  }
0x6c: {  	[spmem:s2] =	stream.indirect.scatter.add.f32 [tilespmem:s31], [sflag:$0x7], $0x80, s26, s28, $0xb8;
	[tilespmem:$0x1C500] =	vst v63  }
0x6d: {  	_ =	swait.ge [sflag:s24], $0x4000  }
0x6e: {  	[sflag:s24] =	ssyncset.done $0x0  }
0x6f: {  	[sflag:s24] =	ssyncadd.s32 $0xFFFFC000  }
0x70: {  	[spmem:s3] =	stream.indirect.scatter.add.f32 [tilespmem:s25], [sflag:$0x7], $0x1, s26, s28, $0xb8;
	[tilespmem:$0x1C500] =	vst v63  }
0x71: {  	_ =	swait.ge [sflag:s24], $0x80  }
0x72: {  	s19 =	sadd.s32 s7, s19;
	[sflag:s24] =	ssyncset.done $0x0  }
0x73: {  	s20 =	sadd.s32 $0x1, s17;
	[sflag:s24] =	ssyncadd.s32 $0xFFFFFF80  }
0x74: {  	[tilespmem:s26], [sflag:$0x5] =	stream.linear.gather [hbm4b:s19+s5], $0x80, $0x38;
	[tilespmem:$0x1C500] =	vst v63  }
0x75: {  	p1 =	slt.u32 s20, s12;
	_ =	swait.ge [sflag:s30], $0x80  }
0x76: {  	s20 =	simm.s32 @!p1 $0x1;
	[sflag:s30] =	ssyncset.done $0x0  }
0x77: {  	s19 =	sadd.s32 s11, s20;
	[sflag:s30] =	ssyncadd.s32 $0xFFFFFF80  }
0x78: {  	[tilespmem:s31], [sflag:$0x1] =	stream.indirect.gather [hbm4b:s6+s28], $0x80, s5, s28, $0xb8;
	[tilespmem:$0x1C500] =	vst v63  }
0x79: {  	s19 =	sshll.u32 s19, $0x4;
	_ =	swait.ge [sflag:s10], $0x4000  }
0x7a: {  	s19 =	sand.u32 $0x1FFFFFF0, s19;
	[sflag:s10] =	ssyncset.done $0x0  }
0x7b: {  	s20 =	sadd.s32 s1, s19;
	[sflag:s10] =	ssyncadd.s32 $0xFFFFC000  }
0x7c: {  	[tilespmem:s28], [sflag:$0x4] =	stream.linear.gather [hbm4b:s20+s5], $0x80, $0x38;
	[tilespmem:$0x1C500] =	vst v63  }
0x7d: {  	_ =	swait.ge [sflag:s14], $0x80  }
0x7e: {  	[sflag:s14] =	ssyncset.done $0x0  }
0x7f: {  	[sflag:s14] =	ssyncadd.s32 $0xFFFFFF80  }
0x80: {  	[spmem:s2] =	stream.indirect.scatter.add.f32 [tilespmem:s4], [sflag:$0x7], $0x80, s29, s28, $0xb8;
	[tilespmem:$0x1C500] =	vst v63  }
0x81: {  	_ =	swait.ge [sflag:s24], $0x4000  }
.Ltmp1:
0x82: {  	[sflag:s24] =	ssyncset.done $0x0;
	(pc) =	sbr.rel @p0 .LBB2_2-.Ltmp1, $4  }
0x83: {  	[sflag:s24] =	ssyncadd.s32 $0xFFFFC000  }
0x84: {  	[spmem:s3] =	stream.indirect.scatter.add.f32 [tilespmem:s25], [sflag:$0x7], $0x1, s29, s28, $0xb8;
	[tilespmem:$0x1C500] =	vst v63  }
0x85: {  	_ =	swait.ge [sflag:s24], $0x80  }
0x86: {  	s19 =	sadd.s32 s7, s19;
	[sflag:s24] =	ssyncset.done $0x0  }
.LBB2_3:
0x87: {  	[sflag:s24] =	ssyncadd.s32 $0xFFFFFF80;
	s17 =	sadd.s32 $0x2, s17  }
0x88: {  	[tilespmem:s29], [sflag:$0x6] =	stream.linear.gather [hbm4b:s19+s5], $0x80, $0x38;
	[tilespmem:$0x1C500] =	vst v63  }
0x89: {  	p0 =	slt.u32 s17, s12;
	_ =	swait.ge [sflag:s0], $0x80  }
0x8a: {  	s18 =	sadd.s32 $0x1, s17;
	s17 =	simm.s32 @!p0 $0x0;
	[sflag:s0] =	ssyncset.done $0x0  }
0x8b: {  	s17 =	sadd.s32 s11, s17;
	[sflag:s0] =	ssyncadd.s32 $0xFFFFFF80  }
0x8c: {  	[tilespmem:s4], [sflag:$0x2] =	stream.indirect.gather [hbm4b:s6+s28], $0x80, s28, s28, $0xb8;
	[tilespmem:$0x1C500] =	vst v63  }
0x8d: {  	s17 =	sshll.u32 s17, $0x4;
	_ =	swait.ge [sflag:s8], $0x4000  }
0x8e: {  	s17 =	sand.u32 $0x1FFFFFE0, s17;
	[sflag:s8] =	ssyncset.done $0x0  }
0x8f: {  	s20 =	sadd.s32 s1, s17;
	[sflag:s8] =	ssyncadd.s32 $0xFFFFC000  }
0x90: {  	[tilespmem:s5], [sflag:$0x3] =	stream.linear.gather [hbm4b:s20+s5], $0x80, $0x38;
	[tilespmem:$0x1C500] =	vst v63  }
0x91: {  	_ =	swait.ge [sflag:s9], $0x80  }
0x92: {  	[sflag:s9] =	ssyncset.done $0x0  }
0x93: {  	[sflag:s9] =	ssyncadd.s32 $0xFFFFFF80  }
0x94: {  	[spmem:s2] =	stream.indirect.scatter.add.f32 [tilespmem:s31], [sflag:$0x7], $0x80, s26, s28, $0xb8;
	[tilespmem:$0x1C500] =	vst v63  }
0x95: {  	_ =	swait.ge [sflag:s24], $0x4000  }
0x96: {  	[sflag:s24] =	ssyncset.done $0x0  }
0x97: {  	[sflag:s24] =	ssyncadd.s32 $0xFFFFC000  }
0x98: {  	[spmem:s3] =	stream.indirect.scatter.add.f32 [tilespmem:s25], [sflag:$0x7], $0x1, s26, s28, $0xb8;
	[tilespmem:$0x1C500] =	vst v63  }
0x99: {  	_ =	swait.ge [sflag:s24], $0x80  }
0x9a: {  	[sflag:s24] =	ssyncset.done $0x0  }
0x9b: {  	s17 =	sadd.s32 s7, s17;
	[sflag:s24] =	ssyncadd.s32 $0xFFFFFF80  }
0x9c: {  	[tilespmem:s26], [sflag:$0x5] =	stream.linear.gather [hbm4b:s17+s5], $0x80, $0x38;
	[tilespmem:$0x1C500] =	vst v63  }
0x9d: {  	p0 =	slt.u32 s18, s12;
	_ =	swait.ge [sflag:s30], $0x80  }
0x9e: {  	s18 =	simm.s32 @!p0 $0x1;
	[sflag:s30] =	ssyncset.done $0x0  }
0x9f: {  	s18 =	sadd.s32 s11, s18;
	[sflag:s30] =	ssyncadd.s32 $0xFFFFFF80  }
0xa0: {  	[tilespmem:s31], [sflag:$0x1] =	stream.indirect.gather [hbm4b:s6+s28], $0x80, s5, s28, $0xb8;
	[tilespmem:$0x1C500] =	vst v63  }
0xa1: {  	s17 =	sshll.u32 s18, $0x4;
	_ =	swait.ge [sflag:s10], $0x4000  }
0xa2: {  	s17 =	sand.u32 $0x1FFFFFF0, s17;
	[sflag:s10] =	ssyncset.done $0x0  }
0xa3: {  	s19 =	sadd.s32 s1, s17;
	[sflag:s10] =	ssyncadd.s32 $0xFFFFC000  }
0xa4: {  	[tilespmem:s28], [sflag:$0x4] =	stream.linear.gather [hbm4b:s19+s5], $0x80, $0x38;
	[tilespmem:$0x1C500] =	vst v63  }
0xa5: {  	_ =	swait.ge [sflag:s14], $0x80  }
0xa6: {  	[sflag:s14] =	ssyncset.done $0x0  }
0xa7: {  	[sflag:s14] =	ssyncadd.s32 $0xFFFFFF80  }
0xa8: {  	[spmem:s2] =	stream.indirect.scatter.add.f32 [tilespmem:s4], [sflag:$0x7], $0x80, s29, s28, $0xb8;
	[tilespmem:$0x1C500] =	vst v63  }
0xa9: {  	_ =	swait.ge [sflag:s24], $0x4000  }
0xaa: {  	[sflag:s24] =	ssyncset.done $0x0  }
0xab: {  	[sflag:s24] =	ssyncadd.s32 $0xFFFFC000  }
0xac: {  	[spmem:s3] =	stream.indirect.scatter.add.f32 [tilespmem:s25], [sflag:$0x7], $0x1, s29, s28, $0xb8;
	[tilespmem:$0x1C500] =	vst v63  }
0xad: {  	_ =	swait.ge [sflag:s24], $0x80  }
0xae: {  	[sflag:s24] =	ssyncset.done $0x0  }
0xaf: {  	s17 =	sadd.s32 s7, s17;
	[sflag:s24] =	ssyncadd.s32 $0xFFFFFF80  }
0xb0: {  	[tilespmem:s29], [sflag:$0x6] =	stream.linear.gather [hbm4b:s17+s5], $0x80, $0x38;
	[tilespmem:$0x1C500] =	vst v63  }
0xb1: {  	_ =	swait.ge [sflag:s8], $0x4000  }
0xb2: {  	[sflag:s8] =	ssyncset.done $0x0  }
0xb3: {  	[sflag:s8] =	ssyncadd.s32 $0xFFFFC000  }
0xb4: {  	_ =	swait.ge [sflag:s0], $0x80  }
0xb5: {  	[sflag:s0] =	ssyncset.done $0x0  }
0xb6: {  	[sflag:s0] =	ssyncadd.s32 $0xFFFFFF80  }
0xb7: {  	_ =	swait.ge [sflag:s9], $0x80  }
0xb8: {  	[sflag:s9] =	ssyncset.done $0x0  }
0xb9: {  	[sflag:s9] =	ssyncadd.s32 $0xFFFFFF80  }
0xba: {  	_ =	swait.ge [sflag:s14], $0x80  }
0xbb: {  	[sflag:s14] =	ssyncset.done $0x0  }
0xbc: {  	[sflag:s14] =	ssyncadd.s32 $0xFFFFFF80  }
0xbd: {  	[bflag:$0x0] =	sbarrier.arrive $0xFFFF  }
0xbe: {  	s15 =	sadd.s32 $0x1, s15;
	s20 =	rddreg [dreg:$0xd]  }
0xbf: {  	[hbm:s20], [sflag:s13] =	dma.local [spmem:s23], $0x2800  }
0xc0: {  	p0 =	sne.s32 s15, s21;
	_ =	swait.ge [sflag:s24], $0x2800  }
0xc1: {  	s19 =	simm.s32 $0x20;
	s20 =	simm.s32 $0x10;
	[sflag:s24] =	ssyncset.done $0x0  }
.Ltmp2:
0xc2: {  	s18 =	rddreg [dreg:$0xe];
	[sflag:s24] =	ssyncadd.s32 $0xFFFFD800;
	(pc) =	sbr.rel @p0 .LBB2_1-.Ltmp2, $4  }
0xc3: {  	[hbm:s18@s19], [sflag:s13] =	dma.strided [spmem:s16@s20], $0x50, s8, $0x10   }
0xc4: {  	_ =	swait.ge [sflag:s24], $0x50  }
0xc5: {  	[sflag:s24] =	ssyncset.done $0x0  }
0xc6: {  	[sflag:s24] =	ssyncadd.s32 $0xFFFFFFB0  }
0xc7: {  	_ =	sfence.sel $0x180000  }
0xc8: {  	[bflag:$0x0] =	sbarrier.arrive $0xFFFF  }
0xc9: {  	_ =	strace $0x90000047  }
0xca: {  	s0 =	stileid.u32;
	[bflag:$0x2] =	sbarrier.arrive $0xFFFF  }
0xcb: {  	p0 =	sne.s32 s0, $0x0;
	s0 =	rddreg [dreg:$0x4]  }
0xcc: {  	s0 =	sadd.s32 @!p0 $0x100000, s0  }
0xcd: {  	[sflag:s0] =	ssyncadd.tile.s32 @!p0 $0x1;
	_ =	shalt  }
.Lfunc_end2:
_tile_overlayer_lowered:
.L_overlay_start_2:
0xce: {  	(tag) =	ssettag $0x2  }
0xcf: {  	s0 =	rddreg [dreg:$0x0];
	s2 =	stileid.u32  }
0xd0: {  	s1 =	rddreg [dreg:$0x1];
	p0 =	sne.s32 s2, $0x0  }
0xd1: {  	s3 =	rddreg [dreg:$0x2];
	[bflag:$0x3] =	sbarrier.arrive $0xFFFF;
	s2 =	simm.s32 @!p0 $0x1C07  }
0xd2: {  	[timem:s3], [sflag:s2] =	dma.local @!p0 [hbm:s0], s1  }
0xd3: {  	s0 =	simm.s32 @!p0 $0x7  }
0xd4: {  	_ =	swait.ge @!p0 [sflag:s0], s1  }
0xd5: {  	s1 =	ssub.s32 @!p0 $0x0, s1;
	[sflag:s0] =	ssyncset.done @!p0 $0x0  }
0xd6: {  	[sflag:s0] =	ssyncadd.s32 @!p0 s1  }
0xd7: {  	[bflag:$0x3] =	sbarrier.arrive $0xFFFF  }
0xd8: {  	_ =	shalt  }

</sc_bundles>
